<compile_context>
chip_gen: v7x
topology: tpu7x:2x2x1
jax: 0.10.2.dev20260603
libtpu: 0.0.44.dev20260713+nightly
codegen_flags: <defaults>
</compile_context>

<pallas_src>
import jax
import jax.numpy as jnp
from jax import lax
from jax.experimental import pallas as pl
from jax.experimental.pallas import tpu as pltpu
from jax.experimental.pallas import tpu_sc as plsc

_N = 10000
_E = 160000
_NC = 2
_NS = 16
_K = 128
_EPT = 10240
_EPAD = _EPT * _NS
_NBATCH = _EPT // _K
_NP = 10240
_ROWS = _NP // _NS


def _make_sc_agg(n_chunks):
  cps = n_chunks // _NC
  mesh = plsc.VectorSubcoreMesh(core_axis_name="c", subcore_axis_name="s")

  scratch = [
      pltpu.VMEM((_EPT // 2 + 2 * _K,), jnp.int32),
      pltpu.VMEM((_NBATCH, _K), jnp.int32),
      pltpu.VMEM((_K, 128), jnp.float32),
      pltpu.VMEM((_K, 128), jnp.float32),
      pltpu.VMEM_SHARED((_NP, 128), jnp.float32),
      pltpu.SemaphoreType.DMA,
      pltpu.SemaphoreType.DMA,
  ]

  def body(x2, src_off, dst2, zeros, out2, src_all, dst_all,
           rows0, rows1, acc, gsem0, gsem1):
    cid = lax.axis_index("c")
    sid = lax.axis_index("s")
    r0 = sid * _ROWS
    e0 = sid * _EPT
    bufs = ((rows0, gsem0), (rows1, gsem1))

    pltpu.sync_copy(dst2.at[pl.ds(sid * _NBATCH, _NBATCH)], dst_all)

    hept = _EPT // 2
    hnb = _NBATCH // 2

    for ci in range(cps):
      c = cid * cps + ci

      pltpu.sync_copy(zeros.at[pl.ds(r0, _ROWS)], acc.at[pl.ds(r0, _ROWS)])
      plsc.subcore_barrier()

      for h in range(2):
        pltpu.sync_copy(
            src_off.at[pl.ds(c * _EPAD + e0 + h * hept, hept + 2 * _K)],
            src_all)

        for j in range(2):
          rows, gsem = bufs[j]
          pltpu.async_copy(x2.at[src_all.at[pl.ds(j * _K, _K)]], rows, gsem)

        def step(g, carry):
          for j in range(2):
            bl = 2 * g + j
            rows, gsem = bufs[j]
            pltpu.make_async_copy(x2.at[src_all.at[pl.ds(0, _K)]],
                                  rows, gsem).wait()
            pltpu.sync_copy(rows, acc.at[dst_all.at[h * hnb + bl]],
                            add=True)
            pltpu.async_copy(x2.at[src_all.at[pl.ds((bl + 2) * _K, _K)]],
                             rows, gsem)
          return carry

        lax.fori_loop(0, hnb // 2, step, 0)
        for j in range(2):
          rows, gsem = bufs[j]
          pltpu.make_async_copy(x2.at[src_all.at[pl.ds(0, _K)]],
                                rows, gsem).wait()
      plsc.subcore_barrier()

      pltpu.sync_copy(acc.at[pl.ds(r0, _ROWS)],
                      out2.at[pl.ds(c * _NP + r0, _ROWS)])

  return pl.kernel(
      body,
      out_type=jax.ShapeDtypeStruct((n_chunks * _NP, 128), jnp.float32),
      mesh=mesh, scratch_types=scratch)


def _make_sc_counts():
  mesh = plsc.VectorSubcoreMesh(core_axis_name="c", subcore_axis_name="s")

  scratch = [
      pltpu.VMEM((_NBATCH, _K), jnp.int32),
      pltpu.VMEM((_K, 128), jnp.float32),
      pltpu.VMEM_SHARED((_NP, 128), jnp.float32),
      pltpu.SemaphoreType.DMA,
      pltpu.SemaphoreType.DMA,
  ]

  def body(dst2, zeros, ones, out2, dst_all, ones_v, acc, sem0, sem1):
    sid = lax.axis_index("s")
    r0 = sid * _ROWS
    sems = (sem0, sem1)

    pltpu.sync_copy(ones, ones_v)
    pltpu.sync_copy(dst2.at[pl.ds(sid * _NBATCH, _NBATCH)], dst_all)
    pltpu.sync_copy(zeros.at[pl.ds(r0, _ROWS)], acc.at[pl.ds(r0, _ROWS)])
    plsc.subcore_barrier()

    for j in range(2):
      pltpu.async_copy(ones_v, acc.at[dst_all.at[j]], sems[j], add=True)

    def step(g, carry):
      for j in range(2):
        b = 2 * g + j
        pltpu.make_async_copy(ones_v, acc.at[dst_all.at[0]], sems[j]).wait()
        pltpu.async_copy(ones_v, acc.at[dst_all.at[b + 2]], sems[j],
                         add=True)
      return carry

    lax.fori_loop(0, _NBATCH // 2 - 1, step, 0)
    for j in range(2):
      pltpu.make_async_copy(ones_v, acc.at[dst_all.at[0]], sems[j]).wait()
    plsc.subcore_barrier()
    pltpu.sync_copy(acc.at[pl.ds(r0, _ROWS)], out2.at[pl.ds(r0, _ROWS)])

  return pl.kernel(
      body,
      out_type=jax.ShapeDtypeStruct((_NP, 128), jnp.float32),
      mesh=mesh, scratch_types=scratch)


def _make_tc_layer(c_in, residual, n_blk=1024):
  d_in = c_in * 128
  grid = (_NP // n_blk,)

  def body(agg_r, x_r, cnt_r, wl_r, wr_r, b_r, out_r):
    inv = 1.0 / jnp.maximum(cnt_r[:, 0:1], 1.0)
    agg = jnp.concatenate([agg_r[i] for i in range(c_in)], axis=1)
    xin = jnp.concatenate([x_r[i] for i in range(c_in)], axis=1)
    z = jnp.dot(agg * inv, wl_r[...], preferred_element_type=jnp.float32)
    z = z + jnp.dot(xin, wr_r[...], preferred_element_type=jnp.float32)
    z = jnp.maximum(z + b_r[...], 0.0)
    if residual:
      z = z + xin
    for i in range(4):
      out_r[i] = z[:, 128 * i:128 * (i + 1)]

  in_specs = [
      pl.BlockSpec((c_in, n_blk, 128), lambda i: (0, i, 0)),
      pl.BlockSpec((c_in, n_blk, 128), lambda i: (0, i, 0)),
      pl.BlockSpec((n_blk, 128), lambda i: (i, 0)),
      pl.BlockSpec((d_in, 512), lambda i: (0, 0)),
      pl.BlockSpec((d_in, 512), lambda i: (0, 0)),
      pl.BlockSpec((1, 512), lambda i: (0, 0)),
  ]
  return pl.pallas_call(
      body,
      grid=grid,
      in_specs=in_specs,
      out_specs=pl.BlockSpec((4, n_blk, 128), lambda i: (0, i, 0)),
      out_shape=jax.ShapeDtypeStruct((4, _NP, 128), jnp.float32),
  )


def _make_tc_head():

  def body(h_r, w1_r, b1_r, w2_r, b2_r, w3_r, b3_r, out_r):
    s = jnp.sum(h_r[:, 0:_N, :], axis=1) * (1.0 / _N)
    z1 = jnp.zeros((1, 256), jnp.float32)
    for c in range(4):
      z1 = z1 + jnp.dot(s[c:c + 1], w1_r[c], preferred_element_type=jnp.float32)
    z1 = jnp.maximum(z1 + b1_r[...], 0.0)
    z2 = jnp.dot(z1, w2_r[...], preferred_element_type=jnp.float32)
    z2 = jnp.maximum(z2 + b2_r[...], 0.0)
    z3 = jnp.dot(z2, w3_r[...], preferred_element_type=jnp.float32) + b3_r[...]
    out_r[...] = 1.0 / (1.0 + jnp.exp(-z3))

  return pl.pallas_call(
      body, out_shape=jax.ShapeDtypeStruct((1, 1), jnp.float32))


_sc_agg2 = _make_sc_agg(2)
_sc_agg4 = _make_sc_agg(4)
_sc_counts = _make_sc_counts()
_tc_layer0 = _make_tc_layer(2, residual=False)
_tc_layer_res = _make_tc_layer(4, residual=True)
_tc_head = _make_tc_head()


def _chunk_offsets(src_p, n_chunks):
  flat = (src_p[None, :] +
          (jnp.arange(n_chunks, dtype=jnp.int32) * _NP)[:, None]).reshape(-1)
  return jnp.concatenate([flat, jnp.zeros((2 * _K,), jnp.int32)])


@jax.jit
def kernel(x, edge_index, Wl0, bl0, Wr0, Wl1, bl1, Wr1, Wl2, bl2, Wr2,
           Wc1, bc1, Wc2, bc2, Wc3, bc3):
  src = edge_index[0].astype(jnp.int32)
  dst = edge_index[1].astype(jnp.int32)
  pad = _EPAD - _E
  src_p = jnp.concatenate([src, jnp.zeros((pad,), jnp.int32)])
  dst_p = jnp.concatenate([dst, jnp.full((pad,), _N, jnp.int32)])
  src_off2 = _chunk_offsets(src_p, 2)
  src_off4 = _chunk_offsets(src_p, 4)

  x3 = x.reshape(_N, 2, 128).transpose(1, 0, 2)
  x3 = jnp.pad(x3, ((0, 0), (0, _NP - _N), (0, 0)))
  zeros = jnp.zeros((_NP, 128), jnp.float32)
  ones = jnp.ones((_K, 128), jnp.float32)

  dst2 = dst_p.reshape(_EPAD // _K, _K)
  cnt = _sc_counts(dst2, zeros, ones)
  agg0 = _sc_agg2(x3.reshape(2 * _NP, 128), src_off2, dst2, zeros)
  h = _tc_layer0(agg0.reshape(2, _NP, 128), x3, cnt, Wl0.T, Wr0.T,
                 bl0[None, :])

  agg1 = _sc_agg4(h.reshape(4 * _NP, 128), src_off4, dst2, zeros)
  h = _tc_layer_res(agg1.reshape(4, _NP, 128), h, cnt, Wl1.T, Wr1.T,
                    bl1[None, :])

  agg2 = _sc_agg4(h.reshape(4 * _NP, 128), src_off4, dst2, zeros)
  h = _tc_layer_res(agg2.reshape(4, _NP, 128), h, cnt, Wl2.T, Wr2.T,
                    bl2[None, :])

  return _tc_head(h, Wc1.T.reshape(4, 128, 256), bc1[None, :],
                  Wc2.T, bc2[None, :], Wc3.T, bc3[None, :])

# --- scband reference (transcript-rebuilt; emitter-appended) ---
"""Pipeline reference for scband-graph-sagemodel-12455405158791 (READ-ONLY COPY).

The authoritative reference and input builder live on the scoring server;
editing this copy changes nothing except your own understanding.
"""

import jax, jax.numpy as jnp
import numpy as np

N = 10000
E = 160000
D_IN = 256
H = 512


def _lin_init(key, out_dim, in_dim):
    s = 1.0 / np.sqrt(in_dim)
    return jax.random.uniform(key, (out_dim, in_dim), dtype=jnp.float32, minval=-s, maxval=s)


def setup_inputs(seed: int = 0):
    key = jax.random.key(seed)
    ks = jax.random.split(key, 24)
    inp = {}
    inp['x'] = jax.random.normal(ks[0], (N, D_IN), dtype=jnp.float32)
    inp['edge_index'] = jax.random.randint(ks[1], (2, E), 0, N)
    dims = [(D_IN, H), (H, H), (H, H)]
    ki = 2
    for i, (din, dout) in enumerate(dims):
        inp[f'Wl{i}'] = _lin_init(ks[ki], dout, din); ki += 1
        inp[f'bl{i}'] = jnp.zeros((dout,), dtype=jnp.float32)
        inp[f'Wr{i}'] = _lin_init(ks[ki], dout, din); ki += 1
    inp['Wc1'] = _lin_init(ks[ki], H // 2, H); ki += 1
    inp['bc1'] = jnp.zeros((H // 2,), dtype=jnp.float32)
    inp['Wc2'] = _lin_init(ks[ki], H // 4, H // 2); ki += 1
    inp['bc2'] = jnp.zeros((H // 4,), dtype=jnp.float32)
    inp['Wc3'] = _lin_init(ks[ki], 1, H // 4); ki += 1
    inp['bc3'] = jnp.zeros((1,), dtype=jnp.float32)
    return inp


def _sage_conv(x, edge_index, Wl, bl, Wr):
    # PyG SAGEConv (mean aggr): out = lin_l(mean_{j in N(i)} x_j) + lin_r(x_i)
    src = edge_index[0]
    dst = edge_index[1]
    msg = jnp.take(x, src, axis=0)
    agg = jax.ops.segment_sum(msg, dst, num_segments=N)
    cnt = jax.ops.segment_sum(jnp.ones((edge_index.shape[1],), dtype=x.dtype), dst, num_segments=N)
    mean = agg / jnp.maximum(cnt, 1.0)[:, None]
    return mean @ Wl.T + bl + x @ Wr.T


def reference(x, edge_index, Wl0, bl0, Wr0, Wl1, bl1, Wr1, Wl2, bl2, Wr2, Wc1, bc1, Wc2, bc2, Wc3, bc3):
    # eval mode: dropout is identity
    h = jax.nn.relu(_sage_conv(x, edge_index, Wl0, bl0, Wr0))  # layer 0, no residual (shape change)
    h_new = jax.nn.relu(_sage_conv(h, edge_index, Wl1, bl1, Wr1))
    h = h + h_new
    h_new = jax.nn.relu(_sage_conv(h, edge_index, Wl2, bl2, Wr2))
    h = h + h_new
    g = jnp.mean(h, axis=0, keepdims=True)  # batch=None -> global mean over nodes
    z = jax.nn.relu(g @ Wc1.T + bc1)
    z = jax.nn.relu(z @ Wc2.T + bc2)
    return jax.nn.sigmoid(z @ Wc3.T + bc3)

if __name__ == "__main__":
    import jax
    _d = setup_inputs()
    print(jax.jit(kernel)(*tuple(_d.values())))

</pallas_src>

<mosaic_0001>
#map = affine_map<(d0, d1) -> (0, 0)>
#map1 = affine_map<(d0, d1) -> (0)>
module attributes {stable_mosaic.version = 14 : i64} {
  func.func @body(%arg0: i32, %arg1: i32, %arg2: memref<20480x128xf32, #tpu.memory_space<hbm>>, %arg3: memref<327936xi32, #tpu.memory_space<hbm>>, %arg4: memref<1280x128xi32, #tpu.memory_space<hbm>>, %arg5: memref<10240x128xf32, #tpu.memory_space<hbm>>, %arg6: memref<20480x128xf32, #tpu.memory_space<hbm>>, %arg7: memref<5376xi32, #tpu.memory_space<vmem>>, %arg8: memref<80x128xi32, #tpu.memory_space<vmem>>, %arg9: memref<128x128xf32, #tpu.memory_space<vmem>>, %arg10: memref<128x128xf32, #tpu.memory_space<vmem>>, %arg11: memref<10240x128xf32, #tpu.memory_space<vmem_shared>>, %arg12: memref<!tpu.dma_semaphore, #tpu.memory_space<semaphore_mem>>, %arg13: memref<!tpu.dma_semaphore, #tpu.memory_space<semaphore_mem>>) attributes {dimension_semantics = [#tpu.dimension_semantics<core_parallel>, #tpu.dimension_semantics<subcore_parallel>], iteration_bounds = array<i64: 2, 16>, scalar_prefetch = 0 : i64, scratch_operands = 7 : i64, tpu.core_type = #tpu.core_type<sc_vector_subcore>, window_params = [{transform_indices = #map}, {transform_indices = #map1}, {transform_indices = #map}, {transform_indices = #map}, {transform_indices = #map}]} {
    %mul3A = arith.constant 640 : i32
    %mul3A_0 = arith.muli %arg1, %mul3A : i32
    %mul3A_1 = arith.constant 10240 : i32
    %mul3A_2 = arith.muli %arg1, %mul3A_1 : i32
    %mul3A_3 = arith.constant 80 : i32
    %mul3A_4 = arith.muli %arg1, %mul3A_3 : i32
    "tpu.region"() ({
      %run_scoped3A = tpu.sem_alloc : memref<!tpu.dma_semaphore, #tpu.memory_space<semaphore_mem>>
      %dma_start3A_71 = arith.constant 0 : i32
      %dma_start3A_72 = tpu.memref_slice %arg4[%mul3A_4, %dma_start3A_71] : memref<1280x128xi32, #tpu.memory_space<hbm>> -> memref<80x128xi32, #tpu.memory_space<hbm>>
      %dma_start3A_73 = arith.constant 0 : i32
      %dma_start3A_74 = tpu.memref_slice %arg4[%mul3A_4, %dma_start3A_73] : memref<1280x128xi32, #tpu.memory_space<hbm>> -> memref<80x128xi32, #tpu.memory_space<hbm>>
      tpu.enqueue_dma source(%dma_start3A_74 : memref<80x128xi32, #tpu.memory_space<hbm>>) target(%arg8 : memref<80x128xi32, #tpu.memory_space<vmem>>) target_semaphore(%run_scoped3A : memref<!tpu.dma_semaphore, #tpu.memory_space<semaphore_mem>>)
      %dma_wait3A_75 = arith.constant 0 : i32
      %dma_wait3A_76 = tpu.memref_slice %arg4[%mul3A_4, %dma_wait3A_75] : memref<1280x128xi32, #tpu.memory_space<hbm>> -> memref<80x128xi32, #tpu.memory_space<hbm>>
      %dma_wait3A_77 = arith.constant 0 : i32
      %dma_wait3A_78 = tpu.memref_slice %arg4[%mul3A_4, %dma_wait3A_77] : memref<1280x128xi32, #tpu.memory_space<hbm>> -> memref<80x128xi32, #tpu.memory_space<hbm>>
      tpu.wait_dma2 semaphore(%run_scoped3A : memref<!tpu.dma_semaphore, #tpu.memory_space<semaphore_mem>>) src(%dma_wait3A_78 : memref<80x128xi32, #tpu.memory_space<hbm>>) dst(%arg8 : memref<80x128xi32, #tpu.memory_space<vmem>>)
      tpu.yield
    }) : () -> ()
    %mul3A_5 = arith.constant 1 : i32
    %mul3A_6 = arith.muli %arg0, %mul3A_5 : i32
    %add3A = arith.constant 0 : i32
    %add3A_7 = arith.addi %mul3A_6, %add3A : i32
    "tpu.region"() ({
      %run_scoped3A = tpu.sem_alloc : memref<!tpu.dma_semaphore, #tpu.memory_space<semaphore_mem>>
      %dma_start3A_71 = arith.constant 0 : i32
      %dma_start3A_72 = tpu.memref_slice %arg11[%mul3A_0, %dma_start3A_71] : memref<10240x128xf32, #tpu.memory_space<vmem_shared>> -> memref<640x128xf32, #tpu.memory_space<vmem_shared>>
      %dma_start3A_73 = arith.constant 0 : i32
      %dma_start3A_74 = tpu.memref_slice %arg5[%mul3A_0, %dma_start3A_73] : memref<10240x128xf32, #tpu.memory_space<hbm>> -> memref<640x128xf32, #tpu.memory_space<hbm>>
      tpu.enqueue_dma source(%dma_start3A_74 : memref<640x128xf32, #tpu.memory_space<hbm>>) target(%dma_start3A_72 : memref<640x128xf32, #tpu.memory_space<vmem_shared>>) target_semaphore(%run_scoped3A : memref<!tpu.dma_semaphore, #tpu.memory_space<semaphore_mem>>)
      %dma_wait3A_75 = arith.constant 0 : i32
      %dma_wait3A_76 = tpu.memref_slice %arg11[%mul3A_0, %dma_wait3A_75] : memref<10240x128xf32, #tpu.memory_space<vmem_shared>> -> memref<640x128xf32, #tpu.memory_space<vmem_shared>>
      %dma_wait3A_77 = arith.constant 0 : i32
      %dma_wait3A_78 = tpu.memref_slice %arg5[%mul3A_0, %dma_wait3A_77] : memref<10240x128xf32, #tpu.memory_space<hbm>> -> memref<640x128xf32, #tpu.memory_space<hbm>>
      tpu.wait_dma2 semaphore(%run_scoped3A : memref<!tpu.dma_semaphore, #tpu.memory_space<semaphore_mem>>) src(%dma_wait3A_78 : memref<640x128xf32, #tpu.memory_space<hbm>>) dst(%dma_wait3A_76 : memref<640x128xf32, #tpu.memory_space<vmem_shared>>)
      tpu.yield
    }) : () -> ()
    %barrier3A = arith.constant 0 : index
    tpu.barrier barrier_id(%barrier3A)
    %mul3A_8 = arith.constant 163840 : i32
    %mul3A_9 = arith.muli %add3A_7, %mul3A_8 : i32
    %add3A_10 = arith.addi %mul3A_9, %mul3A_2 : i32
    %add3A_11 = arith.constant 0 : i32
    %add3A_12 = arith.addi %add3A_10, %add3A_11 : i32
    "tpu.region"() ({
      %run_scoped3A = tpu.sem_alloc : memref<!tpu.dma_semaphore, #tpu.memory_space<semaphore_mem>>
      %dma_start3A_71 = tpu.memref_slice %arg3[%add3A_12] : memref<327936xi32, #tpu.memory_space<hbm>> -> memref<5376xi32, #tpu.memory_space<hbm>>
      %dma_start3A_72 = tpu.memref_slice %arg3[%add3A_12] : memref<327936xi32, #tpu.memory_space<hbm>> -> memref<5376xi32, #tpu.memory_space<hbm>>
      tpu.enqueue_dma source(%dma_start3A_72 : memref<5376xi32, #tpu.memory_space<hbm>>) target(%arg7 : memref<5376xi32, #tpu.memory_space<vmem>>) target_semaphore(%run_scoped3A : memref<!tpu.dma_semaphore, #tpu.memory_space<semaphore_mem>>)
      %dma_wait3A_73 = tpu.memref_slice %arg3[%add3A_12] : memref<327936xi32, #tpu.memory_space<hbm>> -> memref<5376xi32, #tpu.memory_space<hbm>>
      %dma_wait3A_74 = tpu.memref_slice %arg3[%add3A_12] : memref<327936xi32, #tpu.memory_space<hbm>> -> memref<5376xi32, #tpu.memory_space<hbm>>
      tpu.wait_dma2 semaphore(%run_scoped3A : memref<!tpu.dma_semaphore, #tpu.memory_space<semaphore_mem>>) src(%dma_wait3A_74 : memref<5376xi32, #tpu.memory_space<hbm>>) dst(%arg7 : memref<5376xi32, #tpu.memory_space<vmem>>)
      tpu.yield
    }) : () -> ()
    %dma_start3A = arith.constant 0 : i32
    %dma_start3A_13 = tpu.memref_slice %arg7[%dma_start3A] : memref<5376xi32, #tpu.memory_space<vmem>> -> memref<128xi32, #tpu.memory_space<vmem>>
    %dma_start3A_14 = arith.constant 0 : i32
    %dma_start3A_15 = arith.constant 0 : i32
    %dma_start3A_16 = tpu.memref_slice %arg2[%dma_start3A_14, %dma_start3A_15] : memref<20480x128xf32, #tpu.memory_space<hbm>> -> memref<20480x128xf32, #tpu.memory_space<hbm>>
    tpu.enqueue_indirect_dma source(%dma_start3A_16 : memref<20480x128xf32, #tpu.memory_space<hbm>>) target(%arg9 : memref<128x128xf32, #tpu.memory_space<vmem>>) offsets(%dma_start3A_13 : memref<128xi32, #tpu.memory_space<vmem>>) semaphore(%arg12 : memref<!tpu.dma_semaphore, #tpu.memory_space<semaphore_mem>>)
    %dma_start3A_17 = arith.constant 128 : i32
    %dma_start3A_18 = tpu.memref_slice %arg7[%dma_start3A_17] : memref<5376xi32, #tpu.memory_space<vmem>> -> memref<128xi32, #tpu.memory_space<vmem>>
    %dma_start3A_19 = arith.constant 0 : i32
    %dma_start3A_20 = arith.constant 0 : i32
    %dma_start3A_21 = tpu.memref_slice %arg2[%dma_start3A_19, %dma_start3A_20] : memref<20480x128xf32, #tpu.memory_space<hbm>> -> memref<20480x128xf32, #tpu.memory_space<hbm>>
    tpu.enqueue_indirect_dma source(%dma_start3A_21 : memref<20480x128xf32, #tpu.memory_space<hbm>>) target(%arg10 : memref<128x128xf32, #tpu.memory_space<vmem>>) offsets(%dma_start3A_18 : memref<128xi32, #tpu.memory_space<vmem>>) semaphore(%arg13 : memref<!tpu.dma_semaphore, #tpu.memory_space<semaphore_mem>>)
    %scan3A = arith.constant 0 : i32
    %scan3A_22 = arith.constant 0 : i32
    %scan3A_23 = arith.constant 20 : i32
    %scan3A_24 = arith.addi %scan3A_22, %scan3A_23 : i32
    %scan3A_25 = arith.constant 1 : i32
    scf.for %scan3A_71 = %scan3A_22 to %scan3A_24 step %scan3A_25  : i32 {
      %mul3A_72 = arith.constant 2 : i32
      %mul3A_73 = arith.muli %mul3A_72, %scan3A_71 : i32
      %add3A_74 = arith.constant 0 : i32
      %add3A_75 = arith.addi %mul3A_73, %add3A_74 : i32
      %dma_wait3A_76 = arith.constant 0 : i32
      %dma_wait3A_77 = tpu.memref_slice %arg7[%dma_wait3A_76] : memref<5376xi32, #tpu.memory_space<vmem>> -> memref<128xi32, #tpu.memory_space<vmem>>
      %dma_wait3A_78 = arith.constant 0 : i32
      %dma_wait3A_79 = arith.constant 0 : i32
      %dma_wait3A_80 = tpu.memref_slice %arg2[%dma_wait3A_78, %dma_wait3A_79] : memref<20480x128xf32, #tpu.memory_space<hbm>> -> memref<20480x128xf32, #tpu.memory_space<hbm>>
      tpu.wait_indirect_dma semaphore(%arg12 : memref<!tpu.dma_semaphore, #tpu.memory_space<semaphore_mem>>) src(%dma_wait3A_80 : memref<20480x128xf32, #tpu.memory_space<hbm>>) dst(%arg9 : memref<128x128xf32, #tpu.memory_space<vmem>>)
      %add3A_81 = arith.constant 0 : i32
      %add3A_82 = arith.addi %add3A_81, %add3A_75 : i32
      "tpu.region"() ({
        %run_scoped3A = tpu.sem_alloc : memref<!tpu.dma_semaphore, #tpu.memory_space<semaphore_mem>>
        %dma_start3A_110 = arith.constant 0 : i32
        %dma_start3A_111 = tpu.memref_slice %arg8[%add3A_82, %dma_start3A_110] : memref<80x128xi32, #tpu.memory_space<vmem>> -> memref<1x128xi32, #tpu.memory_space<vmem>>
        %dma_start3A_112 = tpu.memref_squeeze %dma_start3A_111 : memref<1x128xi32, #tpu.memory_space<vmem>> -> memref<128xi32, #tpu.memory_space<vmem>>
        %dma_start3A_113 = arith.constant 0 : i32
        %dma_start3A_114 = arith.constant 0 : i32
        %dma_start3A_115 = tpu.memref_slice %arg11[%dma_start3A_113, %dma_start3A_114] : memref<10240x128xf32, #tpu.memory_space<vmem_shared>> -> memref<10240x128xf32, #tpu.memory_space<vmem_shared>>
        tpu.enqueue_indirect_dma source(%arg9 : memref<128x128xf32, #tpu.memory_space<vmem>>) target(%dma_start3A_115 : memref<10240x128xf32, #tpu.memory_space<vmem_shared>>) offsets(%dma_start3A_112 : memref<128xi32, #tpu.memory_space<vmem>>) semaphore(%run_scoped3A : memref<!tpu.dma_semaphore, #tpu.memory_space<semaphore_mem>>) {add = true}
        %dma_wait3A_116 = arith.constant 0 : i32
        %dma_wait3A_117 = tpu.memref_slice %arg8[%add3A_82, %dma_wait3A_116] : memref<80x128xi32, #tpu.memory_space<vmem>> -> memref<1x128xi32, #tpu.memory_space<vmem>>
        %dma_wait3A_118 = tpu.memref_squeeze %dma_wait3A_117 : memref<1x128xi32, #tpu.memory_space<vmem>> -> memref<128xi32, #tpu.memory_space<vmem>>
        %dma_wait3A_119 = arith.constant 0 : i32
        %dma_wait3A_120 = arith.constant 0 : i32
        %dma_wait3A_121 = tpu.memref_slice %arg11[%dma_wait3A_119, %dma_wait3A_120] : memref<10240x128xf32, #tpu.memory_space<vmem_shared>> -> memref<10240x128xf32, #tpu.memory_space<vmem_shared>>
        tpu.wait_indirect_dma semaphore(%run_scoped3A : memref<!tpu.dma_semaphore, #tpu.memory_space<semaphore_mem>>) src(%arg9 : memref<128x128xf32, #tpu.memory_space<vmem>>) dst(%dma_wait3A_121 : memref<10240x128xf32, #tpu.memory_space<vmem_shared>>)
        tpu.yield
      }) : () -> ()
      %add3A_83 = arith.constant 2 : i32
      %add3A_84 = arith.addi %add3A_75, %add3A_83 : i32
      %mul3A_85 = arith.constant 128 : i32
      %mul3A_86 = arith.muli %add3A_84, %mul3A_85 : i32
      %dma_start3A_87 = tpu.memref_slice %arg7[%mul3A_86] : memref<5376xi32, #tpu.memory_space<vmem>> -> memref<128xi32, #tpu.memory_space<vmem>>
      %dma_start3A_88 = arith.constant 0 : i32
      %dma_start3A_89 = arith.constant 0 : i32
      %dma_start3A_90 = tpu.memref_slice %arg2[%dma_start3A_88, %dma_start3A_89] : memref<20480x128xf32, #tpu.memory_space<hbm>> -> memref<20480x128xf32, #tpu.memory_space<hbm>>
      tpu.enqueue_indirect_dma source(%dma_start3A_90 : memref<20480x128xf32, #tpu.memory_space<hbm>>) target(%arg9 : memref<128x128xf32, #tpu.memory_space<vmem>>) offsets(%dma_start3A_87 : memref<128xi32, #tpu.memory_space<vmem>>) semaphore(%arg12 : memref<!tpu.dma_semaphore, #tpu.memory_space<semaphore_mem>>)
      %mul3A_91 = arith.constant 2 : i32
      %mul3A_92 = arith.muli %mul3A_91, %scan3A_71 : i32
      %add3A_93 = arith.constant 1 : i32
      %add3A_94 = arith.addi %mul3A_92, %add3A_93 : i32
      %dma_wait3A_95 = arith.constant 0 : i32
      %dma_wait3A_96 = tpu.memref_slice %arg7[%dma_wait3A_95] : memref<5376xi32, #tpu.memory_space<vmem>> -> memref<128xi32, #tpu.memory_space<vmem>>
      %dma_wait3A_97 = arith.constant 0 : i32
      %dma_wait3A_98 = arith.constant 0 : i32
      %dma_wait3A_99 = tpu.memref_slice %arg2[%dma_wait3A_97, %dma_wait3A_98] : memref<20480x128xf32, #tpu.memory_space<hbm>> -> memref<20480x128xf32, #tpu.memory_space<hbm>>
      tpu.wait_indirect_dma semaphore(%arg13 : memref<!tpu.dma_semaphore, #tpu.memory_space<semaphore_mem>>) src(%dma_wait3A_99 : memref<20480x128xf32, #tpu.memory_space<hbm>>) dst(%arg10 : memref<128x128xf32, #tpu.memory_space<vmem>>)
      %add3A_100 = arith.constant 0 : i32
      %add3A_101 = arith.addi %add3A_100, %add3A_94 : i32
      "tpu.region"() ({
        %run_scoped3A = tpu.sem_alloc : memref<!tpu.dma_semaphore, #tpu.memory_space<semaphore_mem>>
        %dma_start3A_110 = arith.constant 0 : i32
        %dma_start3A_111 = tpu.memref_slice %arg8[%add3A_101, %dma_start3A_110] : memref<80x128xi32, #tpu.memory_space<vmem>> -> memref<1x128xi32, #tpu.memory_space<vmem>>
        %dma_start3A_112 = tpu.memref_squeeze %dma_start3A_111 : memref<1x128xi32, #tpu.memory_space<vmem>> -> memref<128xi32, #tpu.memory_space<vmem>>
        %dma_start3A_113 = arith.constant 0 : i32
        %dma_start3A_114 = arith.constant 0 : i32
        %dma_start3A_115 = tpu.memref_slice %arg11[%dma_start3A_113, %dma_start3A_114] : memref<10240x128xf32, #tpu.memory_space<vmem_shared>> -> memref<10240x128xf32, #tpu.memory_space<vmem_shared>>
        tpu.enqueue_indirect_dma source(%arg10 : memref<128x128xf32, #tpu.memory_space<vmem>>) target(%dma_start3A_115 : memref<10240x128xf32, #tpu.memory_space<vmem_shared>>) offsets(%dma_start3A_112 : memref<128xi32, #tpu.memory_space<vmem>>) semaphore(%run_scoped3A : memref<!tpu.dma_semaphore, #tpu.memory_space<semaphore_mem>>) {add = true}
        %dma_wait3A_116 = arith.constant 0 : i32
        %dma_wait3A_117 = tpu.memref_slice %arg8[%add3A_101, %dma_wait3A_116] : memref<80x128xi32, #tpu.memory_space<vmem>> -> memref<1x128xi32, #tpu.memory_space<vmem>>
        %dma_wait3A_118 = tpu.memref_squeeze %dma_wait3A_117 : memref<1x128xi32, #tpu.memory_space<vmem>> -> memref<128xi32, #tpu.memory_space<vmem>>
        %dma_wait3A_119 = arith.constant 0 : i32
        %dma_wait3A_120 = arith.constant 0 : i32
        %dma_wait3A_121 = tpu.memref_slice %arg11[%dma_wait3A_119, %dma_wait3A_120] : memref<10240x128xf32, #tpu.memory_space<vmem_shared>> -> memref<10240x128xf32, #tpu.memory_space<vmem_shared>>
        tpu.wait_indirect_dma semaphore(%run_scoped3A : memref<!tpu.dma_semaphore, #tpu.memory_space<semaphore_mem>>) src(%arg10 : memref<128x128xf32, #tpu.memory_space<vmem>>) dst(%dma_wait3A_121 : memref<10240x128xf32, #tpu.memory_space<vmem_shared>>)
        tpu.yield
      }) : () -> ()
      %add3A_102 = arith.constant 2 : i32
      %add3A_103 = arith.addi %add3A_94, %add3A_102 : i32
      %mul3A_104 = arith.constant 128 : i32
      %mul3A_105 = arith.muli %add3A_103, %mul3A_104 : i32
      %dma_start3A_106 = tpu.memref_slice %arg7[%mul3A_105] : memref<5376xi32, #tpu.memory_space<vmem>> -> memref<128xi32, #tpu.memory_space<vmem>>
      %dma_start3A_107 = arith.constant 0 : i32
      %dma_start3A_108 = arith.constant 0 : i32
      %dma_start3A_109 = tpu.memref_slice %arg2[%dma_start3A_107, %dma_start3A_108] : memref<20480x128xf32, #tpu.memory_space<hbm>> -> memref<20480x128xf32, #tpu.memory_space<hbm>>
      tpu.enqueue_indirect_dma source(%dma_start3A_109 : memref<20480x128xf32, #tpu.memory_space<hbm>>) target(%arg10 : memref<128x128xf32, #tpu.memory_space<vmem>>) offsets(%dma_start3A_106 : memref<128xi32, #tpu.memory_space<vmem>>) semaphore(%arg13 : memref<!tpu.dma_semaphore, #tpu.memory_space<semaphore_mem>>)
    }
    %scan3A_26 = arith.constant 20 : i32
    %dma_wait3A = arith.constant 0 : i32
    %dma_wait3A_27 = tpu.memref_slice %arg7[%dma_wait3A] : memref<5376xi32, #tpu.memory_space<vmem>> -> memref<128xi32, #tpu.memory_space<vmem>>
    %dma_wait3A_28 = arith.constant 0 : i32
    %dma_wait3A_29 = arith.constant 0 : i32
    %dma_wait3A_30 = tpu.memref_slice %arg2[%dma_wait3A_28, %dma_wait3A_29] : memref<20480x128xf32, #tpu.memory_space<hbm>> -> memref<20480x128xf32, #tpu.memory_space<hbm>>
    tpu.wait_indirect_dma semaphore(%arg12 : memref<!tpu.dma_semaphore, #tpu.memory_space<semaphore_mem>>) src(%dma_wait3A_30 : memref<20480x128xf32, #tpu.memory_space<hbm>>) dst(%arg9 : memref<128x128xf32, #tpu.memory_space<vmem>>)
    %dma_wait3A_31 = arith.constant 0 : i32
    %dma_wait3A_32 = tpu.memref_slice %arg7[%dma_wait3A_31] : memref<5376xi32, #tpu.memory_space<vmem>> -> memref<128xi32, #tpu.memory_space<vmem>>
    %dma_wait3A_33 = arith.constant 0 : i32
    %dma_wait3A_34 = arith.constant 0 : i32
    %dma_wait3A_35 = tpu.memref_slice %arg2[%dma_wait3A_33, %dma_wait3A_34] : memref<20480x128xf32, #tpu.memory_space<hbm>> -> memref<20480x128xf32, #tpu.memory_space<hbm>>
    tpu.wait_indirect_dma semaphore(%arg13 : memref<!tpu.dma_semaphore, #tpu.memory_space<semaphore_mem>>) src(%dma_wait3A_35 : memref<20480x128xf32, #tpu.memory_space<hbm>>) dst(%arg10 : memref<128x128xf32, #tpu.memory_space<vmem>>)
    %mul3A_36 = arith.constant 163840 : i32
    %mul3A_37 = arith.muli %add3A_7, %mul3A_36 : i32
    %add3A_38 = arith.addi %mul3A_37, %mul3A_2 : i32
    %add3A_39 = arith.constant 5120 : i32
    %add3A_40 = arith.addi %add3A_38, %add3A_39 : i32
    "tpu.region"() ({
      %run_scoped3A = tpu.sem_alloc : memref<!tpu.dma_semaphore, #tpu.memory_space<semaphore_mem>>
      %dma_start3A_71 = tpu.memref_slice %arg3[%add3A_40] : memref<327936xi32, #tpu.memory_space<hbm>> -> memref<5376xi32, #tpu.memory_space<hbm>>
      %dma_start3A_72 = tpu.memref_slice %arg3[%add3A_40] : memref<327936xi32, #tpu.memory_space<hbm>> -> memref<5376xi32, #tpu.memory_space<hbm>>
      tpu.enqueue_dma source(%dma_start3A_72 : memref<5376xi32, #tpu.memory_space<hbm>>) target(%arg7 : memref<5376xi32, #tpu.memory_space<vmem>>) target_semaphore(%run_scoped3A : memref<!tpu.dma_semaphore, #tpu.memory_space<semaphore_mem>>)
      %dma_wait3A_73 = tpu.memref_slice %arg3[%add3A_40] : memref<327936xi32, #tpu.memory_space<hbm>> -> memref<5376xi32, #tpu.memory_space<hbm>>
      %dma_wait3A_74 = tpu.memref_slice %arg3[%add3A_40] : memref<327936xi32, #tpu.memory_space<hbm>> -> memref<5376xi32, #tpu.memory_space<hbm>>
      tpu.wait_dma2 semaphore(%run_scoped3A : memref<!tpu.dma_semaphore, #tpu.memory_space<semaphore_mem>>) src(%dma_wait3A_74 : memref<5376xi32, #tpu.memory_space<hbm>>) dst(%arg7 : memref<5376xi32, #tpu.memory_space<vmem>>)
      tpu.yield
    }) : () -> ()
    %dma_start3A_41 = arith.constant 0 : i32
    %dma_start3A_42 = tpu.memref_slice %arg7[%dma_start3A_41] : memref<5376xi32, #tpu.memory_space<vmem>> -> memref<128xi32, #tpu.memory_space<vmem>>
    %dma_start3A_43 = arith.constant 0 : i32
    %dma_start3A_44 = arith.constant 0 : i32
    %dma_start3A_45 = tpu.memref_slice %arg2[%dma_start3A_43, %dma_start3A_44] : memref<20480x128xf32, #tpu.memory_space<hbm>> -> memref<20480x128xf32, #tpu.memory_space<hbm>>
    tpu.enqueue_indirect_dma source(%dma_start3A_45 : memref<20480x128xf32, #tpu.memory_space<hbm>>) target(%arg9 : memref<128x128xf32, #tpu.memory_space<vmem>>) offsets(%dma_start3A_42 : memref<128xi32, #tpu.memory_space<vmem>>) semaphore(%arg12 : memref<!tpu.dma_semaphore, #tpu.memory_space<semaphore_mem>>)
    %dma_start3A_46 = arith.constant 128 : i32
    %dma_start3A_47 = tpu.memref_slice %arg7[%dma_start3A_46] : memref<5376xi32, #tpu.memory_space<vmem>> -> memref<128xi32, #tpu.memory_space<vmem>>
    %dma_start3A_48 = arith.constant 0 : i32
    %dma_start3A_49 = arith.constant 0 : i32
    %dma_start3A_50 = tpu.memref_slice %arg2[%dma_start3A_48, %dma_start3A_49] : memref<20480x128xf32, #tpu.memory_space<hbm>> -> memref<20480x128xf32, #tpu.memory_space<hbm>>
    tpu.enqueue_indirect_dma source(%dma_start3A_50 : memref<20480x128xf32, #tpu.memory_space<hbm>>) target(%arg10 : memref<128x128xf32, #tpu.memory_space<vmem>>) offsets(%dma_start3A_47 : memref<128xi32, #tpu.memory_space<vmem>>) semaphore(%arg13 : memref<!tpu.dma_semaphore, #tpu.memory_space<semaphore_mem>>)
    %scan3A_51 = arith.constant 0 : i32
    %scan3A_52 = arith.constant 0 : i32
    %scan3A_53 = arith.constant 20 : i32
    %scan3A_54 = arith.addi %scan3A_52, %scan3A_53 : i32
    %scan3A_55 = arith.constant 1 : i32
    scf.for %scan3A_71 = %scan3A_52 to %scan3A_54 step %scan3A_55  : i32 {
      %mul3A_72 = arith.constant 2 : i32
      %mul3A_73 = arith.muli %mul3A_72, %scan3A_71 : i32
      %add3A_74 = arith.constant 0 : i32
      %add3A_75 = arith.addi %mul3A_73, %add3A_74 : i32
      %dma_wait3A_76 = arith.constant 0 : i32
      %dma_wait3A_77 = tpu.memref_slice %arg7[%dma_wait3A_76] : memref<5376xi32, #tpu.memory_space<vmem>> -> memref<128xi32, #tpu.memory_space<vmem>>
      %dma_wait3A_78 = arith.constant 0 : i32
      %dma_wait3A_79 = arith.constant 0 : i32
      %dma_wait3A_80 = tpu.memref_slice %arg2[%dma_wait3A_78, %dma_wait3A_79] : memref<20480x128xf32, #tpu.memory_space<hbm>> -> memref<20480x128xf32, #tpu.memory_space<hbm>>
      tpu.wait_indirect_dma semaphore(%arg12 : memref<!tpu.dma_semaphore, #tpu.memory_space<semaphore_mem>>) src(%dma_wait3A_80 : memref<20480x128xf32, #tpu.memory_space<hbm>>) dst(%arg9 : memref<128x128xf32, #tpu.memory_space<vmem>>)
      %add3A_81 = arith.constant 40 : i32
      %add3A_82 = arith.addi %add3A_81, %add3A_75 : i32
      "tpu.region"() ({
        %run_scoped3A = tpu.sem_alloc : memref<!tpu.dma_semaphore, #tpu.memory_space<semaphore_mem>>
        %dma_start3A_110 = arith.constant 0 : i32
        %dma_start3A_111 = tpu.memref_slice %arg8[%add3A_82, %dma_start3A_110] : memref<80x128xi32, #tpu.memory_space<vmem>> -> memref<1x128xi32, #tpu.memory_space<vmem>>
        %dma_start3A_112 = tpu.memref_squeeze %dma_start3A_111 : memref<1x128xi32, #tpu.memory_space<vmem>> -> memref<128xi32, #tpu.memory_space<vmem>>
        %dma_start3A_113 = arith.constant 0 : i32
        %dma_start3A_114 = arith.constant 0 : i32
        %dma_start3A_115 = tpu.memref_slice %arg11[%dma_start3A_113, %dma_start3A_114] : memref<10240x128xf32, #tpu.memory_space<vmem_shared>> -> memref<10240x128xf32, #tpu.memory_space<vmem_shared>>
        tpu.enqueue_indirect_dma source(%arg9 : memref<128x128xf32, #tpu.memory_space<vmem>>) target(%dma_start3A_115 : memref<10240x128xf32, #tpu.memory_space<vmem_shared>>) offsets(%dma_start3A_112 : memref<128xi32, #tpu.memory_space<vmem>>) semaphore(%run_scoped3A : memref<!tpu.dma_semaphore, #tpu.memory_space<semaphore_mem>>) {add = true}
        %dma_wait3A_116 = arith.constant 0 : i32
        %dma_wait3A_117 = tpu.memref_slice %arg8[%add3A_82, %dma_wait3A_116] : memref<80x128xi32, #tpu.memory_space<vmem>> -> memref<1x128xi32, #tpu.memory_space<vmem>>
        %dma_wait3A_118 = tpu.memref_squeeze %dma_wait3A_117 : memref<1x128xi32, #tpu.memory_space<vmem>> -> memref<128xi32, #tpu.memory_space<vmem>>
        %dma_wait3A_119 = arith.constant 0 : i32
        %dma_wait3A_120 = arith.constant 0 : i32
        %dma_wait3A_121 = tpu.memref_slice %arg11[%dma_wait3A_119, %dma_wait3A_120] : memref<10240x128xf32, #tpu.memory_space<vmem_shared>> -> memref<10240x128xf32, #tpu.memory_space<vmem_shared>>
        tpu.wait_indirect_dma semaphore(%run_scoped3A : memref<!tpu.dma_semaphore, #tpu.memory_space<semaphore_mem>>) src(%arg9 : memref<128x128xf32, #tpu.memory_space<vmem>>) dst(%dma_wait3A_121 : memref<10240x128xf32, #tpu.memory_space<vmem_shared>>)
        tpu.yield
      }) : () -> ()
      %add3A_83 = arith.constant 2 : i32
      %add3A_84 = arith.addi %add3A_75, %add3A_83 : i32
      %mul3A_85 = arith.constant 128 : i32
      %mul3A_86 = arith.muli %add3A_84, %mul3A_85 : i32
      %dma_start3A_87 = tpu.memref_slice %arg7[%mul3A_86] : memref<5376xi32, #tpu.memory_space<vmem>> -> memref<128xi32, #tpu.memory_space<vmem>>
      %dma_start3A_88 = arith.constant 0 : i32
      %dma_start3A_89 = arith.constant 0 : i32
      %dma_start3A_90 = tpu.memref_slice %arg2[%dma_start3A_88, %dma_start3A_89] : memref<20480x128xf32, #tpu.memory_space<hbm>> -> memref<20480x128xf32, #tpu.memory_space<hbm>>
      tpu.enqueue_indirect_dma source(%dma_start3A_90 : memref<20480x128xf32, #tpu.memory_space<hbm>>) target(%arg9 : memref<128x128xf32, #tpu.memory_space<vmem>>) offsets(%dma_start3A_87 : memref<128xi32, #tpu.memory_space<vmem>>) semaphore(%arg12 : memref<!tpu.dma_semaphore, #tpu.memory_space<semaphore_mem>>)
      %mul3A_91 = arith.constant 2 : i32
      %mul3A_92 = arith.muli %mul3A_91, %scan3A_71 : i32
      %add3A_93 = arith.constant 1 : i32
      %add3A_94 = arith.addi %mul3A_92, %add3A_93 : i32
      %dma_wait3A_95 = arith.constant 0 : i32
      %dma_wait3A_96 = tpu.memref_slice %arg7[%dma_wait3A_95] : memref<5376xi32, #tpu.memory_space<vmem>> -> memref<128xi32, #tpu.memory_space<vmem>>
      %dma_wait3A_97 = arith.constant 0 : i32
      %dma_wait3A_98 = arith.constant 0 : i32
      %dma_wait3A_99 = tpu.memref_slice %arg2[%dma_wait3A_97, %dma_wait3A_98] : memref<20480x128xf32, #tpu.memory_space<hbm>> -> memref<20480x128xf32, #tpu.memory_space<hbm>>
      tpu.wait_indirect_dma semaphore(%arg13 : memref<!tpu.dma_semaphore, #tpu.memory_space<semaphore_mem>>) src(%dma_wait3A_99 : memref<20480x128xf32, #tpu.memory_space<hbm>>) dst(%arg10 : memref<128x128xf32, #tpu.memory_space<vmem>>)
      %add3A_100 = arith.constant 40 : i32
      %add3A_101 = arith.addi %add3A_100, %add3A_94 : i32
      "tpu.region"() ({
        %run_scoped3A = tpu.sem_alloc : memref<!tpu.dma_semaphore, #tpu.memory_space<semaphore_mem>>
        %dma_start3A_110 = arith.constant 0 : i32
        %dma_start3A_111 = tpu.memref_slice %arg8[%add3A_101, %dma_start3A_110] : memref<80x128xi32, #tpu.memory_space<vmem>> -> memref<1x128xi32, #tpu.memory_space<vmem>>
        %dma_start3A_112 = tpu.memref_squeeze %dma_start3A_111 : memref<1x128xi32, #tpu.memory_space<vmem>> -> memref<128xi32, #tpu.memory_space<vmem>>
        %dma_start3A_113 = arith.constant 0 : i32
        %dma_start3A_114 = arith.constant 0 : i32
        %dma_start3A_115 = tpu.memref_slice %arg11[%dma_start3A_113, %dma_start3A_114] : memref<10240x128xf32, #tpu.memory_space<vmem_shared>> -> memref<10240x128xf32, #tpu.memory_space<vmem_shared>>
        tpu.enqueue_indirect_dma source(%arg10 : memref<128x128xf32, #tpu.memory_space<vmem>>) target(%dma_start3A_115 : memref<10240x128xf32, #tpu.memory_space<vmem_shared>>) offsets(%dma_start3A_112 : memref<128xi32, #tpu.memory_space<vmem>>) semaphore(%run_scoped3A : memref<!tpu.dma_semaphore, #tpu.memory_space<semaphore_mem>>) {add = true}
        %dma_wait3A_116 = arith.constant 0 : i32
        %dma_wait3A_117 = tpu.memref_slice %arg8[%add3A_101, %dma_wait3A_116] : memref<80x128xi32, #tpu.memory_space<vmem>> -> memref<1x128xi32, #tpu.memory_space<vmem>>
        %dma_wait3A_118 = tpu.memref_squeeze %dma_wait3A_117 : memref<1x128xi32, #tpu.memory_space<vmem>> -> memref<128xi32, #tpu.memory_space<vmem>>
        %dma_wait3A_119 = arith.constant 0 : i32
        %dma_wait3A_120 = arith.constant 0 : i32
        %dma_wait3A_121 = tpu.memref_slice %arg11[%dma_wait3A_119, %dma_wait3A_120] : memref<10240x128xf32, #tpu.memory_space<vmem_shared>> -> memref<10240x128xf32, #tpu.memory_space<vmem_shared>>
        tpu.wait_indirect_dma semaphore(%run_scoped3A : memref<!tpu.dma_semaphore, #tpu.memory_space<semaphore_mem>>) src(%arg10 : memref<128x128xf32, #tpu.memory_space<vmem>>) dst(%dma_wait3A_121 : memref<10240x128xf32, #tpu.memory_space<vmem_shared>>)
        tpu.yield
      }) : () -> ()
      %add3A_102 = arith.constant 2 : i32
      %add3A_103 = arith.addi %add3A_94, %add3A_102 : i32
      %mul3A_104 = arith.constant 128 : i32
      %mul3A_105 = arith.muli %add3A_103, %mul3A_104 : i32
      %dma_start3A_106 = tpu.memref_slice %arg7[%mul3A_105] : memref<5376xi32, #tpu.memory_space<vmem>> -> memref<128xi32, #tpu.memory_space<vmem>>
      %dma_start3A_107 = arith.constant 0 : i32
      %dma_start3A_108 = arith.constant 0 : i32
      %dma_start3A_109 = tpu.memref_slice %arg2[%dma_start3A_107, %dma_start3A_108] : memref<20480x128xf32, #tpu.memory_space<hbm>> -> memref<20480x128xf32, #tpu.memory_space<hbm>>
      tpu.enqueue_indirect_dma source(%dma_start3A_109 : memref<20480x128xf32, #tpu.memory_space<hbm>>) target(%arg10 : memref<128x128xf32, #tpu.memory_space<vmem>>) offsets(%dma_start3A_106 : memref<128xi32, #tpu.memory_space<vmem>>) semaphore(%arg13 : memref<!tpu.dma_semaphore, #tpu.memory_space<semaphore_mem>>)
    }
    %scan3A_56 = arith.constant 20 : i32
    %dma_wait3A_57 = arith.constant 0 : i32
    %dma_wait3A_58 = tpu.memref_slice %arg7[%dma_wait3A_57] : memref<5376xi32, #tpu.memory_space<vmem>> -> memref<128xi32, #tpu.memory_space<vmem>>
    %dma_wait3A_59 = arith.constant 0 : i32
    %dma_wait3A_60 = arith.constant 0 : i32
    %dma_wait3A_61 = tpu.memref_slice %arg2[%dma_wait3A_59, %dma_wait3A_60] : memref<20480x128xf32, #tpu.memory_space<hbm>> -> memref<20480x128xf32, #tpu.memory_space<hbm>>
    tpu.wait_indirect_dma semaphore(%arg12 : memref<!tpu.dma_semaphore, #tpu.memory_space<semaphore_mem>>) src(%dma_wait3A_61 : memref<20480x128xf32, #tpu.memory_space<hbm>>) dst(%arg9 : memref<128x128xf32, #tpu.memory_space<vmem>>)
    %dma_wait3A_62 = arith.constant 0 : i32
    %dma_wait3A_63 = tpu.memref_slice %arg7[%dma_wait3A_62] : memref<5376xi32, #tpu.memory_space<vmem>> -> memref<128xi32, #tpu.memory_space<vmem>>
    %dma_wait3A_64 = arith.constant 0 : i32
    %dma_wait3A_65 = arith.constant 0 : i32
    %dma_wait3A_66 = tpu.memref_slice %arg2[%dma_wait3A_64, %dma_wait3A_65] : memref<20480x128xf32, #tpu.memory_space<hbm>> -> memref<20480x128xf32, #tpu.memory_space<hbm>>
    tpu.wait_indirect_dma semaphore(%arg13 : memref<!tpu.dma_semaphore, #tpu.memory_space<semaphore_mem>>) src(%dma_wait3A_66 : memref<20480x128xf32, #tpu.memory_space<hbm>>) dst(%arg10 : memref<128x128xf32, #tpu.memory_space<vmem>>)
    %barrier3A_67 = arith.constant 0 : index
    tpu.barrier barrier_id(%barrier3A_67)
    %mul3A_68 = arith.constant 10240 : i32
    %mul3A_69 = arith.muli %add3A_7, %mul3A_68 : i32
    %add3A_70 = arith.addi %mul3A_69, %mul3A_0 : i32
    "tpu.region"() ({
      %run_scoped3A = tpu.sem_alloc : memref<!tpu.dma_semaphore, #tpu.memory_space<semaphore_mem>>
      %dma_start3A_71 = arith.constant 0 : i32
      %dma_start3A_72 = tpu.memref_slice %arg6[%add3A_70, %dma_start3A_71] : memref<20480x128xf32, #tpu.memory_space<hbm>> -> memref<640x128xf32, #tpu.memory_space<hbm>>
      %dma_start3A_73 = arith.constant 0 : i32
      %dma_start3A_74 = tpu.memref_slice %arg11[%mul3A_0, %dma_start3A_73] : memref<10240x128xf32, #tpu.memory_space<vmem_shared>> -> memref<640x128xf32, #tpu.memory_space<vmem_shared>>
      tpu.enqueue_dma source(%dma_start3A_74 : memref<640x128xf32, #tpu.memory_space<vmem_shared>>) target(%dma_start3A_72 : memref<640x128xf32, #tpu.memory_space<hbm>>) target_semaphore(%run_scoped3A : memref<!tpu.dma_semaphore, #tpu.memory_space<semaphore_mem>>)
      %dma_wait3A_75 = arith.constant 0 : i32
      %dma_wait3A_76 = tpu.memref_slice %arg6[%add3A_70, %dma_wait3A_75] : memref<20480x128xf32, #tpu.memory_space<hbm>> -> memref<640x128xf32, #tpu.memory_space<hbm>>
      %dma_wait3A_77 = arith.constant 0 : i32
      %dma_wait3A_78 = tpu.memref_slice %arg11[%mul3A_0, %dma_wait3A_77] : memref<10240x128xf32, #tpu.memory_space<vmem_shared>> -> memref<640x128xf32, #tpu.memory_space<vmem_shared>>
      tpu.wait_dma2 semaphore(%run_scoped3A : memref<!tpu.dma_semaphore, #tpu.memory_space<semaphore_mem>>) src(%dma_wait3A_78 : memref<640x128xf32, #tpu.memory_space<vmem_shared>>) dst(%dma_wait3A_76 : memref<640x128xf32, #tpu.memory_space<hbm>>)
      tpu.yield
    }) : () -> ()
    return
  }
}

#map = affine_map<(d0, d1) -> (0, 0)>
#map1 = affine_map<(d0, d1) -> (0)>
module attributes {stable_mosaic.version = 14 : i64} {
  func.func @body(%arg0: i32, %arg1: i32, %arg2: memref<40960x128xf32, #tpu.memory_space<hbm>>, %arg3: memref<655616xi32, #tpu.memory_space<hbm>>, %arg4: memref<1280x128xi32, #tpu.memory_space<hbm>>, %arg5: memref<10240x128xf32, #tpu.memory_space<hbm>>, %arg6: memref<40960x128xf32, #tpu.memory_space<hbm>>, %arg7: memref<5376xi32, #tpu.memory_space<vmem>>, %arg8: memref<80x128xi32, #tpu.memory_space<vmem>>, %arg9: memref<128x128xf32, #tpu.memory_space<vmem>>, %arg10: memref<128x128xf32, #tpu.memory_space<vmem>>, %arg11: memref<10240x128xf32, #tpu.memory_space<vmem_shared>>, %arg12: memref<!tpu.dma_semaphore, #tpu.memory_space<semaphore_mem>>, %arg13: memref<!tpu.dma_semaphore, #tpu.memory_space<semaphore_mem>>) attributes {dimension_semantics = [#tpu.dimension_semantics<core_parallel>, #tpu.dimension_semantics<subcore_parallel>], iteration_bounds = array<i64: 2, 16>, scalar_prefetch = 0 : i64, scratch_operands = 7 : i64, tpu.core_type = #tpu.core_type<sc_vector_subcore>, window_params = [{transform_indices = #map}, {transform_indices = #map1}, {transform_indices = #map}, {transform_indices = #map}, {transform_indices = #map}]} {
    %mul3A = arith.constant 640 : i32
    %mul3A_0 = arith.muli %arg1, %mul3A : i32
    %mul3A_1 = arith.constant 10240 : i32
    %mul3A_2 = arith.muli %arg1, %mul3A_1 : i32
    %mul3A_3 = arith.constant 80 : i32
    %mul3A_4 = arith.muli %arg1, %mul3A_3 : i32
    "tpu.region"() ({
      %run_scoped3A = tpu.sem_alloc : memref<!tpu.dma_semaphore, #tpu.memory_space<semaphore_mem>>
      %dma_start3A_142 = arith.constant 0 : i32
      %dma_start3A_143 = tpu.memref_slice %arg4[%mul3A_4, %dma_start3A_142] : memref<1280x128xi32, #tpu.memory_space<hbm>> -> memref<80x128xi32, #tpu.memory_space<hbm>>
      %dma_start3A_144 = arith.constant 0 : i32
      %dma_start3A_145 = tpu.memref_slice %arg4[%mul3A_4, %dma_start3A_144] : memref<1280x128xi32, #tpu.memory_space<hbm>> -> memref<80x128xi32, #tpu.memory_space<hbm>>
      tpu.enqueue_dma source(%dma_start3A_145 : memref<80x128xi32, #tpu.memory_space<hbm>>) target(%arg8 : memref<80x128xi32, #tpu.memory_space<vmem>>) target_semaphore(%run_scoped3A : memref<!tpu.dma_semaphore, #tpu.memory_space<semaphore_mem>>)
      %dma_wait3A_146 = arith.constant 0 : i32
      %dma_wait3A_147 = tpu.memref_slice %arg4[%mul3A_4, %dma_wait3A_146] : memref<1280x128xi32, #tpu.memory_space<hbm>> -> memref<80x128xi32, #tpu.memory_space<hbm>>
      %dma_wait3A_148 = arith.constant 0 : i32
      %dma_wait3A_149 = tpu.memref_slice %arg4[%mul3A_4, %dma_wait3A_148] : memref<1280x128xi32, #tpu.memory_space<hbm>> -> memref<80x128xi32, #tpu.memory_space<hbm>>
      tpu.wait_dma2 semaphore(%run_scoped3A : memref<!tpu.dma_semaphore, #tpu.memory_space<semaphore_mem>>) src(%dma_wait3A_149 : memref<80x128xi32, #tpu.memory_space<hbm>>) dst(%arg8 : memref<80x128xi32, #tpu.memory_space<vmem>>)
      tpu.yield
    }) : () -> ()
    %mul3A_5 = arith.constant 2 : i32
    %mul3A_6 = arith.muli %arg0, %mul3A_5 : i32
    %add3A = arith.constant 0 : i32
    %add3A_7 = arith.addi %mul3A_6, %add3A : i32
    "tpu.region"() ({
      %run_scoped3A = tpu.sem_alloc : memref<!tpu.dma_semaphore, #tpu.memory_space<semaphore_mem>>
      %dma_start3A_142 = arith.constant 0 : i32
      %dma_start3A_143 = tpu.memref_slice %arg11[%mul3A_0, %dma_start3A_142] : memref<10240x128xf32, #tpu.memory_space<vmem_shared>> -> memref<640x128xf32, #tpu.memory_space<vmem_shared>>
      %dma_start3A_144 = arith.constant 0 : i32
      %dma_start3A_145 = tpu.memref_slice %arg5[%mul3A_0, %dma_start3A_144] : memref<10240x128xf32, #tpu.memory_space<hbm>> -> memref<640x128xf32, #tpu.memory_space<hbm>>
      tpu.enqueue_dma source(%dma_start3A_145 : memref<640x128xf32, #tpu.memory_space<hbm>>) target(%dma_start3A_143 : memref<640x128xf32, #tpu.memory_space<vmem_shared>>) target_semaphore(%run_scoped3A : memref<!tpu.dma_semaphore, #tpu.memory_space<semaphore_mem>>)
      %dma_wait3A_146 = arith.constant 0 : i32
      %dma_wait3A_147 = tpu.memref_slice %arg11[%mul3A_0, %dma_wait3A_146] : memref<10240x128xf32, #tpu.memory_space<vmem_shared>> -> memref<640x128xf32, #tpu.memory_space<vmem_shared>>
      %dma_wait3A_148 = arith.constant 0 : i32
      %dma_wait3A_149 = tpu.memref_slice %arg5[%mul3A_0, %dma_wait3A_148] : memref<10240x128xf32, #tpu.memory_space<hbm>> -> memref<640x128xf32, #tpu.memory_space<hbm>>
      tpu.wait_dma2 semaphore(%run_scoped3A : memref<!tpu.dma_semaphore, #tpu.memory_space<semaphore_mem>>) src(%dma_wait3A_149 : memref<640x128xf32, #tpu.memory_space<hbm>>) dst(%dma_wait3A_147 : memref<640x128xf32, #tpu.memory_space<vmem_shared>>)
      tpu.yield
    }) : () -> ()
    %barrier3A = arith.constant 0 : index
    tpu.barrier barrier_id(%barrier3A)
    %mul3A_8 = arith.constant 163840 : i32
    %mul3A_9 = arith.muli %add3A_7, %mul3A_8 : i32
    %add3A_10 = arith.addi %mul3A_9, %mul3A_2 : i32
    %add3A_11 = arith.constant 0 : i32
    %add3A_12 = arith.addi %add3A_10, %add3A_11 : i32
    "tpu.region"() ({
      %run_scoped3A = tpu.sem_alloc : memref<!tpu.dma_semaphore, #tpu.memory_space<semaphore_mem>>
      %dma_start3A_142 = tpu.memref_slice %arg3[%add3A_12] : memref<655616xi32, #tpu.memory_space<hbm>> -> memref<5376xi32, #tpu.memory_space<hbm>>
      %dma_start3A_143 = tpu.memref_slice %arg3[%add3A_12] : memref<655616xi32, #tpu.memory_space<hbm>> -> memref<5376xi32, #tpu.memory_space<hbm>>
      tpu.enqueue_dma source(%dma_start3A_143 : memref<5376xi32, #tpu.memory_space<hbm>>) target(%arg7 : memref<5376xi32, #tpu.memory_space<vmem>>) target_semaphore(%run_scoped3A : memref<!tpu.dma_semaphore, #tpu.memory_space<semaphore_mem>>)
      %dma_wait3A_144 = tpu.memref_slice %arg3[%add3A_12] : memref<655616xi32, #tpu.memory_space<hbm>> -> memref<5376xi32, #tpu.memory_space<hbm>>
      %dma_wait3A_145 = tpu.memref_slice %arg3[%add3A_12] : memref<655616xi32, #tpu.memory_space<hbm>> -> memref<5376xi32, #tpu.memory_space<hbm>>
      tpu.wait_dma2 semaphore(%run_scoped3A : memref<!tpu.dma_semaphore, #tpu.memory_space<semaphore_mem>>) src(%dma_wait3A_145 : memref<5376xi32, #tpu.memory_space<hbm>>) dst(%arg7 : memref<5376xi32, #tpu.memory_space<vmem>>)
      tpu.yield
    }) : () -> ()
    %dma_start3A = arith.constant 0 : i32
    %dma_start3A_13 = tpu.memref_slice %arg7[%dma_start3A] : memref<5376xi32, #tpu.memory_space<vmem>> -> memref<128xi32, #tpu.memory_space<vmem>>
    %dma_start3A_14 = arith.constant 0 : i32
    %dma_start3A_15 = arith.constant 0 : i32
    %dma_start3A_16 = tpu.memref_slice %arg2[%dma_start3A_14, %dma_start3A_15] : memref<40960x128xf32, #tpu.memory_space<hbm>> -> memref<40960x128xf32, #tpu.memory_space<hbm>>
    tpu.enqueue_indirect_dma source(%dma_start3A_16 : memref<40960x128xf32, #tpu.memory_space<hbm>>) target(%arg9 : memref<128x128xf32, #tpu.memory_space<vmem>>) offsets(%dma_start3A_13 : memref<128xi32, #tpu.memory_space<vmem>>) semaphore(%arg12 : memref<!tpu.dma_semaphore, #tpu.memory_space<semaphore_mem>>)
    %dma_start3A_17 = arith.constant 128 : i32
    %dma_start3A_18 = tpu.memref_slice %arg7[%dma_start3A_17] : memref<5376xi32, #tpu.memory_space<vmem>> -> memref<128xi32, #tpu.memory_space<vmem>>
    %dma_start3A_19 = arith.constant 0 : i32
    %dma_start3A_20 = arith.constant 0 : i32
    %dma_start3A_21 = tpu.memref_slice %arg2[%dma_start3A_19, %dma_start3A_20] : memref<40960x128xf32, #tpu.memory_space<hbm>> -> memref<40960x128xf32, #tpu.memory_space<hbm>>
    tpu.enqueue_indirect_dma source(%dma_start3A_21 : memref<40960x128xf32, #tpu.memory_space<hbm>>) target(%arg10 : memref<128x128xf32, #tpu.memory_space<vmem>>) offsets(%dma_start3A_18 : memref<128xi32, #tpu.memory_space<vmem>>) semaphore(%arg13 : memref<!tpu.dma_semaphore, #tpu.memory_space<semaphore_mem>>)
    %scan3A = arith.constant 0 : i32
    %scan3A_22 = arith.constant 0 : i32
    %scan3A_23 = arith.constant 20 : i32
    %scan3A_24 = arith.addi %scan3A_22, %scan3A_23 : i32
    %scan3A_25 = arith.constant 1 : i32
    scf.for %scan3A_142 = %scan3A_22 to %scan3A_24 step %scan3A_25  : i32 {
      %mul3A_143 = arith.constant 2 : i32
      %mul3A_144 = arith.muli %mul3A_143, %scan3A_142 : i32
      %add3A_145 = arith.constant 0 : i32
      %add3A_146 = arith.addi %mul3A_144, %add3A_145 : i32
      %dma_wait3A_147 = arith.constant 0 : i32
      %dma_wait3A_148 = tpu.memref_slice %arg7[%dma_wait3A_147] : memref<5376xi32, #tpu.memory_space<vmem>> -> memref<128xi32, #tpu.memory_space<vmem>>
      %dma_wait3A_149 = arith.constant 0 : i32
      %dma_wait3A_150 = arith.constant 0 : i32
      %dma_wait3A_151 = tpu.memref_slice %arg2[%dma_wait3A_149, %dma_wait3A_150] : memref<40960x128xf32, #tpu.memory_space<hbm>> -> memref<40960x128xf32, #tpu.memory_space<hbm>>
      tpu.wait_indirect_dma semaphore(%arg12 : memref<!tpu.dma_semaphore, #tpu.memory_space<semaphore_mem>>) src(%dma_wait3A_151 : memref<40960x128xf32, #tpu.memory_space<hbm>>) dst(%arg9 : memref<128x128xf32, #tpu.memory_space<vmem>>)
      %add3A_152 = arith.constant 0 : i32
      %add3A_153 = arith.addi %add3A_152, %add3A_146 : i32
      "tpu.region"() ({
        %run_scoped3A = tpu.sem_alloc : memref<!tpu.dma_semaphore, #tpu.memory_space<semaphore_mem>>
        %dma_start3A_181 = arith.constant 0 : i32
        %dma_start3A_182 = tpu.memref_slice %arg8[%add3A_153, %dma_start3A_181] : memref<80x128xi32, #tpu.memory_space<vmem>> -> memref<1x128xi32, #tpu.memory_space<vmem>>
        %dma_start3A_183 = tpu.memref_squeeze %dma_start3A_182 : memref<1x128xi32, #tpu.memory_space<vmem>> -> memref<128xi32, #tpu.memory_space<vmem>>
        %dma_start3A_184 = arith.constant 0 : i32
        %dma_start3A_185 = arith.constant 0 : i32
        %dma_start3A_186 = tpu.memref_slice %arg11[%dma_start3A_184, %dma_start3A_185] : memref<10240x128xf32, #tpu.memory_space<vmem_shared>> -> memref<10240x128xf32, #tpu.memory_space<vmem_shared>>
        tpu.enqueue_indirect_dma source(%arg9 : memref<128x128xf32, #tpu.memory_space<vmem>>) target(%dma_start3A_186 : memref<10240x128xf32, #tpu.memory_space<vmem_shared>>) offsets(%dma_start3A_183 : memref<128xi32, #tpu.memory_space<vmem>>) semaphore(%run_scoped3A : memref<!tpu.dma_semaphore, #tpu.memory_space<semaphore_mem>>) {add = true}
        %dma_wait3A_187 = arith.constant 0 : i32
        %dma_wait3A_188 = tpu.memref_slice %arg8[%add3A_153, %dma_wait3A_187] : memref<80x128xi32, #tpu.memory_space<vmem>> -> memref<1x128xi32, #tpu.memory_space<vmem>>
        %dma_wait3A_189 = tpu.memref_squeeze %dma_wait3A_188 : memref<1x128xi32, #tpu.memory_space<vmem>> -> memref<128xi32, #tpu.memory_space<vmem>>
        %dma_wait3A_190 = arith.constant 0 : i32
        %dma_wait3A_191 = arith.constant 0 : i32
        %dma_wait3A_192 = tpu.memref_slice %arg11[%dma_wait3A_190, %dma_wait3A_191] : memref<10240x128xf32, #tpu.memory_space<vmem_shared>> -> memref<10240x128xf32, #tpu.memory_space<vmem_shared>>
        tpu.wait_indirect_dma semaphore(%run_scoped3A : memref<!tpu.dma_semaphore, #tpu.memory_space<semaphore_mem>>) src(%arg9 : memref<128x128xf32, #tpu.memory_space<vmem>>) dst(%dma_wait3A_192 : memref<10240x128xf32, #tpu.memory_space<vmem_shared>>)
        tpu.yield
      }) : () -> ()
      %add3A_154 = arith.constant 2 : i32
      %add3A_155 = arith.addi %add3A_146, %add3A_154 : i32
      %mul3A_156 = arith.constant 128 : i32
      %mul3A_157 = arith.muli %add3A_155, %mul3A_156 : i32
      %dma_start3A_158 = tpu.memref_slice %arg7[%mul3A_157] : memref<5376xi32, #tpu.memory_space<vmem>> -> memref<128xi32, #tpu.memory_space<vmem>>
      %dma_start3A_159 = arith.constant 0 : i32
      %dma_start3A_160 = arith.constant 0 : i32
      %dma_start3A_161 = tpu.memref_slice %arg2[%dma_start3A_159, %dma_start3A_160] : memref<40960x128xf32, #tpu.memory_space<hbm>> -> memref<40960x128xf32, #tpu.memory_space<hbm>>
      tpu.enqueue_indirect_dma source(%dma_start3A_161 : memref<40960x128xf32, #tpu.memory_space<hbm>>) target(%arg9 : memref<128x128xf32, #tpu.memory_space<vmem>>) offsets(%dma_start3A_158 : memref<128xi32, #tpu.memory_space<vmem>>) semaphore(%arg12 : memref<!tpu.dma_semaphore, #tpu.memory_space<semaphore_mem>>)
      %mul3A_162 = arith.constant 2 : i32
      %mul3A_163 = arith.muli %mul3A_162, %scan3A_142 : i32
      %add3A_164 = arith.constant 1 : i32
      %add3A_165 = arith.addi %mul3A_163, %add3A_164 : i32
      %dma_wait3A_166 = arith.constant 0 : i32
      %dma_wait3A_167 = tpu.memref_slice %arg7[%dma_wait3A_166] : memref<5376xi32, #tpu.memory_space<vmem>> -> memref<128xi32, #tpu.memory_space<vmem>>
      %dma_wait3A_168 = arith.constant 0 : i32
      %dma_wait3A_169 = arith.constant 0 : i32
      %dma_wait3A_170 = tpu.memref_slice %arg2[%dma_wait3A_168, %dma_wait3A_169] : memref<40960x128xf32, #tpu.memory_space<hbm>> -> memref<40960x128xf32, #tpu.memory_space<hbm>>
      tpu.wait_indirect_dma semaphore(%arg13 : memref<!tpu.dma_semaphore, #tpu.memory_space<semaphore_mem>>) src(%dma_wait3A_170 : memref<40960x128xf32, #tpu.memory_space<hbm>>) dst(%arg10 : memref<128x128xf32, #tpu.memory_space<vmem>>)
      %add3A_171 = arith.constant 0 : i32
      %add3A_172 = arith.addi %add3A_171, %add3A_165 : i32
      "tpu.region"() ({
        %run_scoped3A = tpu.sem_alloc : memref<!tpu.dma_semaphore, #tpu.memory_space<semaphore_mem>>
        %dma_start3A_181 = arith.constant 0 : i32
        %dma_start3A_182 = tpu.memref_slice %arg8[%add3A_172, %dma_start3A_181] : memref<80x128xi32, #tpu.memory_space<vmem>> -> memref<1x128xi32, #tpu.memory_space<vmem>>
        %dma_start3A_183 = tpu.memref_squeeze %dma_start3A_182 : memref<1x128xi32, #tpu.memory_space<vmem>> -> memref<128xi32, #tpu.memory_space<vmem>>
        %dma_start3A_184 = arith.constant 0 : i32
        %dma_start3A_185 = arith.constant 0 : i32
        %dma_start3A_186 = tpu.memref_slice %arg11[%dma_start3A_184, %dma_start3A_185] : memref<10240x128xf32, #tpu.memory_space<vmem_shared>> -> memref<10240x128xf32, #tpu.memory_space<vmem_shared>>
        tpu.enqueue_indirect_dma source(%arg10 : memref<128x128xf32, #tpu.memory_space<vmem>>) target(%dma_start3A_186 : memref<10240x128xf32, #tpu.memory_space<vmem_shared>>) offsets(%dma_start3A_183 : memref<128xi32, #tpu.memory_space<vmem>>) semaphore(%run_scoped3A : memref<!tpu.dma_semaphore, #tpu.memory_space<semaphore_mem>>) {add = true}
        %dma_wait3A_187 = arith.constant 0 : i32
        %dma_wait3A_188 = tpu.memref_slice %arg8[%add3A_172, %dma_wait3A_187] : memref<80x128xi32, #tpu.memory_space<vmem>> -> memref<1x128xi32, #tpu.memory_space<vmem>>
        %dma_wait3A_189 = tpu.memref_squeeze %dma_wait3A_188 : memref<1x128xi32, #tpu.memory_space<vmem>> -> memref<128xi32, #tpu.memory_space<vmem>>
        %dma_wait3A_190 = arith.constant 0 : i32
        %dma_wait3A_191 = arith.constant 0 : i32
        %dma_wait3A_192 = tpu.memref_slice %arg11[%dma_wait3A_190, %dma_wait3A_191] : memref<10240x128xf32, #tpu.memory_space<vmem_shared>> -> memref<10240x128xf32, #tpu.memory_space<vmem_shared>>
        tpu.wait_indirect_dma semaphore(%run_scoped3A : memref<!tpu.dma_semaphore, #tpu.memory_space<semaphore_mem>>) src(%arg10 : memref<128x128xf32, #tpu.memory_space<vmem>>) dst(%dma_wait3A_192 : memref<10240x128xf32, #tpu.memory_space<vmem_shared>>)
        tpu.yield
      }) : () -> ()
      %add3A_173 = arith.constant 2 : i32
      %add3A_174 = arith.addi %add3A_165, %add3A_173 : i32
      %mul3A_175 = arith.constant 128 : i32
      %mul3A_176 = arith.muli %add3A_174, %mul3A_175 : i32
      %dma_start3A_177 = tpu.memref_slice %arg7[%mul3A_176] : memref<5376xi32, #tpu.memory_space<vmem>> -> memref<128xi32, #tpu.memory_space<vmem>>
      %dma_start3A_178 = arith.constant 0 : i32
      %dma_start3A_179 = arith.constant 0 : i32
      %dma_start3A_180 = tpu.memref_slice %arg2[%dma_start3A_178, %dma_start3A_179] : memref<40960x128xf32, #tpu.memory_space<hbm>> -> memref<40960x128xf32, #tpu.memory_space<hbm>>
      tpu.enqueue_indirect_dma source(%dma_start3A_180 : memref<40960x128xf32, #tpu.memory_space<hbm>>) target(%arg10 : memref<128x128xf32, #tpu.memory_space<vmem>>) offsets(%dma_start3A_177 : memref<128xi32, #tpu.memory_space<vmem>>) semaphore(%arg13 : memref<!tpu.dma_semaphore, #tpu.memory_space<semaphore_mem>>)
    }
    %scan3A_26 = arith.constant 20 : i32
    %dma_wait3A = arith.constant 0 : i32
    %dma_wait3A_27 = tpu.memref_slice %arg7[%dma_wait3A] : memref<5376xi32, #tpu.memory_space<vmem>> -> memref<128xi32, #tpu.memory_space<vmem>>
    %dma_wait3A_28 = arith.constant 0 : i32
    %dma_wait3A_29 = arith.constant 0 : i32
    %dma_wait3A_30 = tpu.memref_slice %arg2[%dma_wait3A_28, %dma_wait3A_29] : memref<40960x128xf32, #tpu.memory_space<hbm>> -> memref<40960x128xf32, #tpu.memory_space<hbm>>
    tpu.wait_indirect_dma semaphore(%arg12 : memref<!tpu.dma_semaphore, #tpu.memory_space<semaphore_mem>>) src(%dma_wait3A_30 : memref<40960x128xf32, #tpu.memory_space<hbm>>) dst(%arg9 : memref<128x128xf32, #tpu.memory_space<vmem>>)
    %dma_wait3A_31 = arith.constant 0 : i32
    %dma_wait3A_32 = tpu.memref_slice %arg7[%dma_wait3A_31] : memref<5376xi32, #tpu.memory_space<vmem>> -> memref<128xi32, #tpu.memory_space<vmem>>
    %dma_wait3A_33 = arith.constant 0 : i32
    %dma_wait3A_34 = arith.constant 0 : i32
    %dma_wait3A_35 = tpu.memref_slice %arg2[%dma_wait3A_33, %dma_wait3A_34] : memref<40960x128xf32, #tpu.memory_space<hbm>> -> memref<40960x128xf32, #tpu.memory_space<hbm>>
    tpu.wait_indirect_dma semaphore(%arg13 : memref<!tpu.dma_semaphore, #tpu.memory_space<semaphore_mem>>) src(%dma_wait3A_35 : memref<40960x128xf32, #tpu.memory_space<hbm>>) dst(%arg10 : memref<128x128xf32, #tpu.memory_space<vmem>>)
    %mul3A_36 = arith.constant 163840 : i32
    %mul3A_37 = arith.muli %add3A_7, %mul3A_36 : i32
    %add3A_38 = arith.addi %mul3A_37, %mul3A_2 : i32
    %add3A_39 = arith.constant 5120 : i32
    %add3A_40 = arith.addi %add3A_38, %add3A_39 : i32
    "tpu.region"() ({
      %run_scoped3A = tpu.sem_alloc : memref<!tpu.dma_semaphore, #tpu.memory_space<semaphore_mem>>
      %dma_start3A_142 = tpu.memref_slice %arg3[%add3A_40] : memref<655616xi32, #tpu.memory_space<hbm>> -> memref<5376xi32, #tpu.memory_space<hbm>>
      %dma_start3A_143 = tpu.memref_slice %arg3[%add3A_40] : memref<655616xi32, #tpu.memory_space<hbm>> -> memref<5376xi32, #tpu.memory_space<hbm>>
      tpu.enqueue_dma source(%dma_start3A_143 : memref<5376xi32, #tpu.memory_space<hbm>>) target(%arg7 : memref<5376xi32, #tpu.memory_space<vmem>>) target_semaphore(%run_scoped3A : memref<!tpu.dma_semaphore, #tpu.memory_space<semaphore_mem>>)
      %dma_wait3A_144 = tpu.memref_slice %arg3[%add3A_40] : memref<655616xi32, #tpu.memory_space<hbm>> -> memref<5376xi32, #tpu.memory_space<hbm>>
      %dma_wait3A_145 = tpu.memref_slice %arg3[%add3A_40] : memref<655616xi32, #tpu.memory_space<hbm>> -> memref<5376xi32, #tpu.memory_space<hbm>>
      tpu.wait_dma2 semaphore(%run_scoped3A : memref<!tpu.dma_semaphore, #tpu.memory_space<semaphore_mem>>) src(%dma_wait3A_145 : memref<5376xi32, #tpu.memory_space<hbm>>) dst(%arg7 : memref<5376xi32, #tpu.memory_space<vmem>>)
      tpu.yield
    }) : () -> ()
    %dma_start3A_41 = arith.constant 0 : i32
    %dma_start3A_42 = tpu.memref_slice %arg7[%dma_start3A_41] : memref<5376xi32, #tpu.memory_space<vmem>> -> memref<128xi32, #tpu.memory_space<vmem>>
    %dma_start3A_43 = arith.constant 0 : i32
    %dma_start3A_44 = arith.constant 0 : i32
    %dma_start3A_45 = tpu.memref_slice %arg2[%dma_start3A_43, %dma_start3A_44] : memref<40960x128xf32, #tpu.memory_space<hbm>> -> memref<40960x128xf32, #tpu.memory_space<hbm>>
    tpu.enqueue_indirect_dma source(%dma_start3A_45 : memref<40960x128xf32, #tpu.memory_space<hbm>>) target(%arg9 : memref<128x128xf32, #tpu.memory_space<vmem>>) offsets(%dma_start3A_42 : memref<128xi32, #tpu.memory_space<vmem>>) semaphore(%arg12 : memref<!tpu.dma_semaphore, #tpu.memory_space<semaphore_mem>>)
    %dma_start3A_46 = arith.constant 128 : i32
    %dma_start3A_47 = tpu.memref_slice %arg7[%dma_start3A_46] : memref<5376xi32, #tpu.memory_space<vmem>> -> memref<128xi32, #tpu.memory_space<vmem>>
    %dma_start3A_48 = arith.constant 0 : i32
    %dma_start3A_49 = arith.constant 0 : i32
    %dma_start3A_50 = tpu.memref_slice %arg2[%dma_start3A_48, %dma_start3A_49] : memref<40960x128xf32, #tpu.memory_space<hbm>> -> memref<40960x128xf32, #tpu.memory_space<hbm>>
    tpu.enqueue_indirect_dma source(%dma_start3A_50 : memref<40960x128xf32, #tpu.memory_space<hbm>>) target(%arg10 : memref<128x128xf32, #tpu.memory_space<vmem>>) offsets(%dma_start3A_47 : memref<128xi32, #tpu.memory_space<vmem>>) semaphore(%arg13 : memref<!tpu.dma_semaphore, #tpu.memory_space<semaphore_mem>>)
    %scan3A_51 = arith.constant 0 : i32
    %scan3A_52 = arith.constant 0 : i32
    %scan3A_53 = arith.constant 20 : i32
    %scan3A_54 = arith.addi %scan3A_52, %scan3A_53 : i32
    %scan3A_55 = arith.constant 1 : i32
    scf.for %scan3A_142 = %scan3A_52 to %scan3A_54 step %scan3A_55  : i32 {
      %mul3A_143 = arith.constant 2 : i32
      %mul3A_144 = arith.muli %mul3A_143, %scan3A_142 : i32
      %add3A_145 = arith.constant 0 : i32
      %add3A_146 = arith.addi %mul3A_144, %add3A_145 : i32
      %dma_wait3A_147 = arith.constant 0 : i32
      %dma_wait3A_148 = tpu.memref_slice %arg7[%dma_wait3A_147] : memref<5376xi32, #tpu.memory_space<vmem>> -> memref<128xi32, #tpu.memory_space<vmem>>
      %dma_wait3A_149 = arith.constant 0 : i32
      %dma_wait3A_150 = arith.constant 0 : i32
      %dma_wait3A_151 = tpu.memref_slice %arg2[%dma_wait3A_149, %dma_wait3A_150] : memref<40960x128xf32, #tpu.memory_space<hbm>> -> memref<40960x128xf32, #tpu.memory_space<hbm>>
      tpu.wait_indirect_dma semaphore(%arg12 : memref<!tpu.dma_semaphore, #tpu.memory_space<semaphore_mem>>) src(%dma_wait3A_151 : memref<40960x128xf32, #tpu.memory_space<hbm>>) dst(%arg9 : memref<128x128xf32, #tpu.memory_space<vmem>>)
      %add3A_152 = arith.constant 40 : i32
      %add3A_153 = arith.addi %add3A_152, %add3A_146 : i32
      "tpu.region"() ({
        %run_scoped3A = tpu.sem_alloc : memref<!tpu.dma_semaphore, #tpu.memory_space<semaphore_mem>>
        %dma_start3A_181 = arith.constant 0 : i32
        %dma_start3A_182 = tpu.memref_slice %arg8[%add3A_153, %dma_start3A_181] : memref<80x128xi32, #tpu.memory_space<vmem>> -> memref<1x128xi32, #tpu.memory_space<vmem>>
        %dma_start3A_183 = tpu.memref_squeeze %dma_start3A_182 : memref<1x128xi32, #tpu.memory_space<vmem>> -> memref<128xi32, #tpu.memory_space<vmem>>
        %dma_start3A_184 = arith.constant 0 : i32
        %dma_start3A_185 = arith.constant 0 : i32
        %dma_start3A_186 = tpu.memref_slice %arg11[%dma_start3A_184, %dma_start3A_185] : memref<10240x128xf32, #tpu.memory_space<vmem_shared>> -> memref<10240x128xf32, #tpu.memory_space<vmem_shared>>
        tpu.enqueue_indirect_dma source(%arg9 : memref<128x128xf32, #tpu.memory_space<vmem>>) target(%dma_start3A_186 : memref<10240x128xf32, #tpu.memory_space<vmem_shared>>) offsets(%dma_start3A_183 : memref<128xi32, #tpu.memory_space<vmem>>) semaphore(%run_scoped3A : memref<!tpu.dma_semaphore, #tpu.memory_space<semaphore_mem>>) {add = true}
        %dma_wait3A_187 = arith.constant 0 : i32
        %dma_wait3A_188 = tpu.memref_slice %arg8[%add3A_153, %dma_wait3A_187] : memref<80x128xi32, #tpu.memory_space<vmem>> -> memref<1x128xi32, #tpu.memory_space<vmem>>
        %dma_wait3A_189 = tpu.memref_squeeze %dma_wait3A_188 : memref<1x128xi32, #tpu.memory_space<vmem>> -> memref<128xi32, #tpu.memory_space<vmem>>
        %dma_wait3A_190 = arith.constant 0 : i32
        %dma_wait3A_191 = arith.constant 0 : i32
        %dma_wait3A_192 = tpu.memref_slice %arg11[%dma_wait3A_190, %dma_wait3A_191] : memref<10240x128xf32, #tpu.memory_space<vmem_shared>> -> memref<10240x128xf32, #tpu.memory_space<vmem_shared>>
        tpu.wait_indirect_dma semaphore(%run_scoped3A : memref<!tpu.dma_semaphore, #tpu.memory_space<semaphore_mem>>) src(%arg9 : memref<128x128xf32, #tpu.memory_space<vmem>>) dst(%dma_wait3A_192 : memref<10240x128xf32, #tpu.memory_space<vmem_shared>>)
        tpu.yield
      }) : () -> ()
      %add3A_154 = arith.constant 2 : i32
      %add3A_155 = arith.addi %add3A_146, %add3A_154 : i32
      %mul3A_156 = arith.constant 128 : i32
      %mul3A_157 = arith.muli %add3A_155, %mul3A_156 : i32
      %dma_start3A_158 = tpu.memref_slice %arg7[%mul3A_157] : memref<5376xi32, #tpu.memory_space<vmem>> -> memref<128xi32, #tpu.memory_space<vmem>>
      %dma_start3A_159 = arith.constant 0 : i32
      %dma_start3A_160 = arith.constant 0 : i32
      %dma_start3A_161 = tpu.memref_slice %arg2[%dma_start3A_159, %dma_start3A_160] : memref<40960x128xf32, #tpu.memory_space<hbm>> -> memref<40960x128xf32, #tpu.memory_space<hbm>>
      tpu.enqueue_indirect_dma source(%dma_start3A_161 : memref<40960x128xf32, #tpu.memory_space<hbm>>) target(%arg9 : memref<128x128xf32, #tpu.memory_space<vmem>>) offsets(%dma_start3A_158 : memref<128xi32, #tpu.memory_space<vmem>>) semaphore(%arg12 : memref<!tpu.dma_semaphore, #tpu.memory_space<semaphore_mem>>)
      %mul3A_162 = arith.constant 2 : i32
      %mul3A_163 = arith.muli %mul3A_162, %scan3A_142 : i32
      %add3A_164 = arith.constant 1 : i32
      %add3A_165 = arith.addi %mul3A_163, %add3A_164 : i32
      %dma_wait3A_166 = arith.constant 0 : i32
      %dma_wait3A_167 = tpu.memref_slice %arg7[%dma_wait3A_166] : memref<5376xi32, #tpu.memory_space<vmem>> -> memref<128xi32, #tpu.memory_space<vmem>>
      %dma_wait3A_168 = arith.constant 0 : i32
      %dma_wait3A_169 = arith.constant 0 : i32
      %dma_wait3A_170 = tpu.memref_slice %arg2[%dma_wait3A_168, %dma_wait3A_169] : memref<40960x128xf32, #tpu.memory_space<hbm>> -> memref<40960x128xf32, #tpu.memory_space<hbm>>
      tpu.wait_indirect_dma semaphore(%arg13 : memref<!tpu.dma_semaphore, #tpu.memory_space<semaphore_mem>>) src(%dma_wait3A_170 : memref<40960x128xf32, #tpu.memory_space<hbm>>) dst(%arg10 : memref<128x128xf32, #tpu.memory_space<vmem>>)
      %add3A_171 = arith.constant 40 : i32
      %add3A_172 = arith.addi %add3A_171, %add3A_165 : i32
      "tpu.region"() ({
        %run_scoped3A = tpu.sem_alloc : memref<!tpu.dma_semaphore, #tpu.memory_space<semaphore_mem>>
        %dma_start3A_181 = arith.constant 0 : i32
        %dma_start3A_182 = tpu.memref_slice %arg8[%add3A_172, %dma_start3A_181] : memref<80x128xi32, #tpu.memory_space<vmem>> -> memref<1x128xi32, #tpu.memory_space<vmem>>
        %dma_start3A_183 = tpu.memref_squeeze %dma_start3A_182 : memref<1x128xi32, #tpu.memory_space<vmem>> -> memref<128xi32, #tpu.memory_space<vmem>>
        %dma_start3A_184 = arith.constant 0 : i32
        %dma_start3A_185 = arith.constant 0 : i32
        %dma_start3A_186 = tpu.memref_slice %arg11[%dma_start3A_184, %dma_start3A_185] : memref<10240x128xf32, #tpu.memory_space<vmem_shared>> -> memref<10240x128xf32, #tpu.memory_space<vmem_shared>>
        tpu.enqueue_indirect_dma source(%arg10 : memref<128x128xf32, #tpu.memory_space<vmem>>) target(%dma_start3A_186 : memref<10240x128xf32, #tpu.memory_space<vmem_shared>>) offsets(%dma_start3A_183 : memref<128xi32, #tpu.memory_space<vmem>>) semaphore(%run_scoped3A : memref<!tpu.dma_semaphore, #tpu.memory_space<semaphore_mem>>) {add = true}
        %dma_wait3A_187 = arith.constant 0 : i32
        %dma_wait3A_188 = tpu.memref_slice %arg8[%add3A_172, %dma_wait3A_187] : memref<80x128xi32, #tpu.memory_space<vmem>> -> memref<1x128xi32, #tpu.memory_space<vmem>>
        %dma_wait3A_189 = tpu.memref_squeeze %dma_wait3A_188 : memref<1x128xi32, #tpu.memory_space<vmem>> -> memref<128xi32, #tpu.memory_space<vmem>>
        %dma_wait3A_190 = arith.constant 0 : i32
        %dma_wait3A_191 = arith.constant 0 : i32
        %dma_wait3A_192 = tpu.memref_slice %arg11[%dma_wait3A_190, %dma_wait3A_191] : memref<10240x128xf32, #tpu.memory_space<vmem_shared>> -> memref<10240x128xf32, #tpu.memory_space<vmem_shared>>
        tpu.wait_indirect_dma semaphore(%run_scoped3A : memref<!tpu.dma_semaphore, #tpu.memory_space<semaphore_mem>>) src(%arg10 : memref<128x128xf32, #tpu.memory_space<vmem>>) dst(%dma_wait3A_192 : memref<10240x128xf32, #tpu.memory_space<vmem_shared>>)
        tpu.yield
      }) : () -> ()
      %add3A_173 = arith.constant 2 : i32
      %add3A_174 = arith.addi %add3A_165, %add3A_173 : i32
      %mul3A_175 = arith.constant 128 : i32
      %mul3A_176 = arith.muli %add3A_174, %mul3A_175 : i32
      %dma_start3A_177 = tpu.memref_slice %arg7[%mul3A_176] : memref<5376xi32, #tpu.memory_space<vmem>> -> memref<128xi32, #tpu.memory_space<vmem>>
      %dma_start3A_178 = arith.constant 0 : i32
      %dma_start3A_179 = arith.constant 0 : i32
      %dma_start3A_180 = tpu.memref_slice %arg2[%dma_start3A_178, %dma_start3A_179] : memref<40960x128xf32, #tpu.memory_space<hbm>> -> memref<40960x128xf32, #tpu.memory_space<hbm>>
      tpu.enqueue_indirect_dma source(%dma_start3A_180 : memref<40960x128xf32, #tpu.memory_space<hbm>>) target(%arg10 : memref<128x128xf32, #tpu.memory_space<vmem>>) offsets(%dma_start3A_177 : memref<128xi32, #tpu.memory_space<vmem>>) semaphore(%arg13 : memref<!tpu.dma_semaphore, #tpu.memory_space<semaphore_mem>>)
    }
    %scan3A_56 = arith.constant 20 : i32
    %dma_wait3A_57 = arith.constant 0 : i32
    %dma_wait3A_58 = tpu.memref_slice %arg7[%dma_wait3A_57] : memref<5376xi32, #tpu.memory_space<vmem>> -> memref<128xi32, #tpu.memory_space<vmem>>
    %dma_wait3A_59 = arith.constant 0 : i32
    %dma_wait3A_60 = arith.constant 0 : i32
    %dma_wait3A_61 = tpu.memref_slice %arg2[%dma_wait3A_59, %dma_wait3A_60] : memref<40960x128xf32, #tpu.memory_space<hbm>> -> memref<40960x128xf32, #tpu.memory_space<hbm>>
    tpu.wait_indirect_dma semaphore(%arg12 : memref<!tpu.dma_semaphore, #tpu.memory_space<semaphore_mem>>) src(%dma_wait3A_61 : memref<40960x128xf32, #tpu.memory_space<hbm>>) dst(%arg9 : memref<128x128xf32, #tpu.memory_space<vmem>>)
    %dma_wait3A_62 = arith.constant 0 : i32
    %dma_wait3A_63 = tpu.memref_slice %arg7[%dma_wait3A_62] : memref<5376xi32, #tpu.memory_space<vmem>> -> memref<128xi32, #tpu.memory_space<vmem>>
    %dma_wait3A_64 = arith.constant 0 : i32
    %dma_wait3A_65 = arith.constant 0 : i32
    %dma_wait3A_66 = tpu.memref_slice %arg2[%dma_wait3A_64, %dma_wait3A_65] : memref<40960x128xf32, #tpu.memory_space<hbm>> -> memref<40960x128xf32, #tpu.memory_space<hbm>>
    tpu.wait_indirect_dma semaphore(%arg13 : memref<!tpu.dma_semaphore, #tpu.memory_space<semaphore_mem>>) src(%dma_wait3A_66 : memref<40960x128xf32, #tpu.memory_space<hbm>>) dst(%arg10 : memref<128x128xf32, #tpu.memory_space<vmem>>)
    %barrier3A_67 = arith.constant 0 : index
    tpu.barrier barrier_id(%barrier3A_67)
    %mul3A_68 = arith.constant 10240 : i32
    %mul3A_69 = arith.muli %add3A_7, %mul3A_68 : i32
    %add3A_70 = arith.addi %mul3A_69, %mul3A_0 : i32
    "tpu.region"() ({
      %run_scoped3A = tpu.sem_alloc : memref<!tpu.dma_semaphore, #tpu.memory_space<semaphore_mem>>
      %dma_start3A_142 = arith.constant 0 : i32
      %dma_start3A_143 = tpu.memref_slice %arg6[%add3A_70, %dma_start3A_142] : memref<40960x128xf32, #tpu.memory_space<hbm>> -> memref<640x128xf32, #tpu.memory_space<hbm>>
      %dma_start3A_144 = arith.constant 0 : i32
      %dma_start3A_145 = tpu.memref_slice %arg11[%mul3A_0, %dma_start3A_144] : memref<10240x128xf32, #tpu.memory_space<vmem_shared>> -> memref<640x128xf32, #tpu.memory_space<vmem_shared>>
      tpu.enqueue_dma source(%dma_start3A_145 : memref<640x128xf32, #tpu.memory_space<vmem_shared>>) target(%dma_start3A_143 : memref<640x128xf32, #tpu.memory_space<hbm>>) target_semaphore(%run_scoped3A : memref<!tpu.dma_semaphore, #tpu.memory_space<semaphore_mem>>)
      %dma_wait3A_146 = arith.constant 0 : i32
      %dma_wait3A_147 = tpu.memref_slice %arg6[%add3A_70, %dma_wait3A_146] : memref<40960x128xf32, #tpu.memory_space<hbm>> -> memref<640x128xf32, #tpu.memory_space<hbm>>
      %dma_wait3A_148 = arith.constant 0 : i32
      %dma_wait3A_149 = tpu.memref_slice %arg11[%mul3A_0, %dma_wait3A_148] : memref<10240x128xf32, #tpu.memory_space<vmem_shared>> -> memref<640x128xf32, #tpu.memory_space<vmem_shared>>
      tpu.wait_dma2 semaphore(%run_scoped3A : memref<!tpu.dma_semaphore, #tpu.memory_space<semaphore_mem>>) src(%dma_wait3A_149 : memref<640x128xf32, #tpu.memory_space<vmem_shared>>) dst(%dma_wait3A_147 : memref<640x128xf32, #tpu.memory_space<hbm>>)
      tpu.yield
    }) : () -> ()
    %mul3A_71 = arith.constant 2 : i32
    %mul3A_72 = arith.muli %arg0, %mul3A_71 : i32
    %add3A_73 = arith.constant 1 : i32
    %add3A_74 = arith.addi %mul3A_72, %add3A_73 : i32
    "tpu.region"() ({
      %run_scoped3A = tpu.sem_alloc : memref<!tpu.dma_semaphore, #tpu.memory_space<semaphore_mem>>
      %dma_start3A_142 = arith.constant 0 : i32
      %dma_start3A_143 = tpu.memref_slice %arg11[%mul3A_0, %dma_start3A_142] : memref<10240x128xf32, #tpu.memory_space<vmem_shared>> -> memref<640x128xf32, #tpu.memory_space<vmem_shared>>
      %dma_start3A_144 = arith.constant 0 : i32
      %dma_start3A_145 = tpu.memref_slice %arg5[%mul3A_0, %dma_start3A_144] : memref<10240x128xf32, #tpu.memory_space<hbm>> -> memref<640x128xf32, #tpu.memory_space<hbm>>
      tpu.enqueue_dma source(%dma_start3A_145 : memref<640x128xf32, #tpu.memory_space<hbm>>) target(%dma_start3A_143 : memref<640x128xf32, #tpu.memory_space<vmem_shared>>) target_semaphore(%run_scoped3A : memref<!tpu.dma_semaphore, #tpu.memory_space<semaphore_mem>>)
      %dma_wait3A_146 = arith.constant 0 : i32
      %dma_wait3A_147 = tpu.memref_slice %arg11[%mul3A_0, %dma_wait3A_146] : memref<10240x128xf32, #tpu.memory_space<vmem_shared>> -> memref<640x128xf32, #tpu.memory_space<vmem_shared>>
      %dma_wait3A_148 = arith.constant 0 : i32
      %dma_wait3A_149 = tpu.memref_slice %arg5[%mul3A_0, %dma_wait3A_148] : memref<10240x128xf32, #tpu.memory_space<hbm>> -> memref<640x128xf32, #tpu.memory_space<hbm>>
      tpu.wait_dma2 semaphore(%run_scoped3A : memref<!tpu.dma_semaphore, #tpu.memory_space<semaphore_mem>>) src(%dma_wait3A_149 : memref<640x128xf32, #tpu.memory_space<hbm>>) dst(%dma_wait3A_147 : memref<640x128xf32, #tpu.memory_space<vmem_shared>>)
      tpu.yield
    }) : () -> ()
    %barrier3A_75 = arith.constant 0 : index
    tpu.barrier barrier_id(%barrier3A_75)
    %mul3A_76 = arith.constant 163840 : i32
    %mul3A_77 = arith.muli %add3A_74, %mul3A_76 : i32
    %add3A_78 = arith.addi %mul3A_77, %mul3A_2 : i32
    %add3A_79 = arith.constant 0 : i32
    %add3A_80 = arith.addi %add3A_78, %add3A_79 : i32
    "tpu.region"() ({
      %run_scoped3A = tpu.sem_alloc : memref<!tpu.dma_semaphore, #tpu.memory_space<semaphore_mem>>
      %dma_start3A_142 = tpu.memref_slice %arg3[%add3A_80] : memref<655616xi32, #tpu.memory_space<hbm>> -> memref<5376xi32, #tpu.memory_space<hbm>>
      %dma_start3A_143 = tpu.memref_slice %arg3[%add3A_80] : memref<655616xi32, #tpu.memory_space<hbm>> -> memref<5376xi32, #tpu.memory_space<hbm>>
      tpu.enqueue_dma source(%dma_start3A_143 : memref<5376xi32, #tpu.memory_space<hbm>>) target(%arg7 : memref<5376xi32, #tpu.memory_space<vmem>>) target_semaphore(%run_scoped3A : memref<!tpu.dma_semaphore, #tpu.memory_space<semaphore_mem>>)
      %dma_wait3A_144 = tpu.memref_slice %arg3[%add3A_80] : memref<655616xi32, #tpu.memory_space<hbm>> -> memref<5376xi32, #tpu.memory_space<hbm>>
      %dma_wait3A_145 = tpu.memref_slice %arg3[%add3A_80] : memref<655616xi32, #tpu.memory_space<hbm>> -> memref<5376xi32, #tpu.memory_space<hbm>>
      tpu.wait_dma2 semaphore(%run_scoped3A : memref<!tpu.dma_semaphore, #tpu.memory_space<semaphore_mem>>) src(%dma_wait3A_145 : memref<5376xi32, #tpu.memory_space<hbm>>) dst(%arg7 : memref<5376xi32, #tpu.memory_space<vmem>>)
      tpu.yield
    }) : () -> ()
    %dma_start3A_81 = arith.constant 0 : i32
    %dma_start3A_82 = tpu.memref_slice %arg7[%dma_start3A_81] : memref<5376xi32, #tpu.memory_space<vmem>> -> memref<128xi32, #tpu.memory_space<vmem>>
    %dma_start3A_83 = arith.constant 0 : i32
    %dma_start3A_84 = arith.constant 0 : i32
    %dma_start3A_85 = tpu.memref_slice %arg2[%dma_start3A_83, %dma_start3A_84] : memref<40960x128xf32, #tpu.memory_space<hbm>> -> memref<40960x128xf32, #tpu.memory_space<hbm>>
    tpu.enqueue_indirect_dma source(%dma_start3A_85 : memref<40960x128xf32, #tpu.memory_space<hbm>>) target(%arg9 : memref<128x128xf32, #tpu.memory_space<vmem>>) offsets(%dma_start3A_82 : memref<128xi32, #tpu.memory_space<vmem>>) semaphore(%arg12 : memref<!tpu.dma_semaphore, #tpu.memory_space<semaphore_mem>>)
    %dma_start3A_86 = arith.constant 128 : i32
    %dma_start3A_87 = tpu.memref_slice %arg7[%dma_start3A_86] : memref<5376xi32, #tpu.memory_space<vmem>> -> memref<128xi32, #tpu.memory_space<vmem>>
    %dma_start3A_88 = arith.constant 0 : i32
    %dma_start3A_89 = arith.constant 0 : i32
    %dma_start3A_90 = tpu.memref_slice %arg2[%dma_start3A_88, %dma_start3A_89] : memref<40960x128xf32, #tpu.memory_space<hbm>> -> memref<40960x128xf32, #tpu.memory_space<hbm>>
    tpu.enqueue_indirect_dma source(%dma_start3A_90 : memref<40960x128xf32, #tpu.memory_space<hbm>>) target(%arg10 : memref<128x128xf32, #tpu.memory_space<vmem>>) offsets(%dma_start3A_87 : memref<128xi32, #tpu.memory_space<vmem>>) semaphore(%arg13 : memref<!tpu.dma_semaphore, #tpu.memory_space<semaphore_mem>>)
    %scan3A_91 = arith.constant 0 : i32
    %scan3A_92 = arith.constant 0 : i32
    %scan3A_93 = arith.constant 20 : i32
    %scan3A_94 = arith.addi %scan3A_92, %scan3A_93 : i32
    %scan3A_95 = arith.constant 1 : i32
    scf.for %scan3A_142 = %scan3A_92 to %scan3A_94 step %scan3A_95  : i32 {
      %mul3A_143 = arith.constant 2 : i32
      %mul3A_144 = arith.muli %mul3A_143, %scan3A_142 : i32
      %add3A_145 = arith.constant 0 : i32
      %add3A_146 = arith.addi %mul3A_144, %add3A_145 : i32
      %dma_wait3A_147 = arith.constant 0 : i32
      %dma_wait3A_148 = tpu.memref_slice %arg7[%dma_wait3A_147] : memref<5376xi32, #tpu.memory_space<vmem>> -> memref<128xi32, #tpu.memory_space<vmem>>
      %dma_wait3A_149 = arith.constant 0 : i32
      %dma_wait3A_150 = arith.constant 0 : i32
      %dma_wait3A_151 = tpu.memref_slice %arg2[%dma_wait3A_149, %dma_wait3A_150] : memref<40960x128xf32, #tpu.memory_space<hbm>> -> memref<40960x128xf32, #tpu.memory_space<hbm>>
      tpu.wait_indirect_dma semaphore(%arg12 : memref<!tpu.dma_semaphore, #tpu.memory_space<semaphore_mem>>) src(%dma_wait3A_151 : memref<40960x128xf32, #tpu.memory_space<hbm>>) dst(%arg9 : memref<128x128xf32, #tpu.memory_space<vmem>>)
      %add3A_152 = arith.constant 0 : i32
      %add3A_153 = arith.addi %add3A_152, %add3A_146 : i32
      "tpu.region"() ({
        %run_scoped3A = tpu.sem_alloc : memref<!tpu.dma_semaphore, #tpu.memory_space<semaphore_mem>>
        %dma_start3A_181 = arith.constant 0 : i32
        %dma_start3A_182 = tpu.memref_slice %arg8[%add3A_153, %dma_start3A_181] : memref<80x128xi32, #tpu.memory_space<vmem>> -> memref<1x128xi32, #tpu.memory_space<vmem>>
        %dma_start3A_183 = tpu.memref_squeeze %dma_start3A_182 : memref<1x128xi32, #tpu.memory_space<vmem>> -> memref<128xi32, #tpu.memory_space<vmem>>
        %dma_start3A_184 = arith.constant 0 : i32
        %dma_start3A_185 = arith.constant 0 : i32
        %dma_start3A_186 = tpu.memref_slice %arg11[%dma_start3A_184, %dma_start3A_185] : memref<10240x128xf32, #tpu.memory_space<vmem_shared>> -> memref<10240x128xf32, #tpu.memory_space<vmem_shared>>
        tpu.enqueue_indirect_dma source(%arg9 : memref<128x128xf32, #tpu.memory_space<vmem>>) target(%dma_start3A_186 : memref<10240x128xf32, #tpu.memory_space<vmem_shared>>) offsets(%dma_start3A_183 : memref<128xi32, #tpu.memory_space<vmem>>) semaphore(%run_scoped3A : memref<!tpu.dma_semaphore, #tpu.memory_space<semaphore_mem>>) {add = true}
        %dma_wait3A_187 = arith.constant 0 : i32
        %dma_wait3A_188 = tpu.memref_slice %arg8[%add3A_153, %dma_wait3A_187] : memref<80x128xi32, #tpu.memory_space<vmem>> -> memref<1x128xi32, #tpu.memory_space<vmem>>
        %dma_wait3A_189 = tpu.memref_squeeze %dma_wait3A_188 : memref<1x128xi32, #tpu.memory_space<vmem>> -> memref<128xi32, #tpu.memory_space<vmem>>
        %dma_wait3A_190 = arith.constant 0 : i32
        %dma_wait3A_191 = arith.constant 0 : i32
        %dma_wait3A_192 = tpu.memref_slice %arg11[%dma_wait3A_190, %dma_wait3A_191] : memref<10240x128xf32, #tpu.memory_space<vmem_shared>> -> memref<10240x128xf32, #tpu.memory_space<vmem_shared>>
        tpu.wait_indirect_dma semaphore(%run_scoped3A : memref<!tpu.dma_semaphore, #tpu.memory_space<semaphore_mem>>) src(%arg9 : memref<128x128xf32, #tpu.memory_space<vmem>>) dst(%dma_wait3A_192 : memref<10240x128xf32, #tpu.memory_space<vmem_shared>>)
        tpu.yield
      }) : () -> ()
      %add3A_154 = arith.constant 2 : i32
      %add3A_155 = arith.addi %add3A_146, %add3A_154 : i32
      %mul3A_156 = arith.constant 128 : i32
      %mul3A_157 = arith.muli %add3A_155, %mul3A_156 : i32
      %dma_start3A_158 = tpu.memref_slice %arg7[%mul3A_157] : memref<5376xi32, #tpu.memory_space<vmem>> -> memref<128xi32, #tpu.memory_space<vmem>>
      %dma_start3A_159 = arith.constant 0 : i32
      %dma_start3A_160 = arith.constant 0 : i32
      %dma_start3A_161 = tpu.memref_slice %arg2[%dma_start3A_159, %dma_start3A_160] : memref<40960x128xf32, #tpu.memory_space<hbm>> -> memref<40960x128xf32, #tpu.memory_space<hbm>>
      tpu.enqueue_indirect_dma source(%dma_start3A_161 : memref<40960x128xf32, #tpu.memory_space<hbm>>) target(%arg9 : memref<128x128xf32, #tpu.memory_space<vmem>>) offsets(%dma_start3A_158 : memref<128xi32, #tpu.memory_space<vmem>>) semaphore(%arg12 : memref<!tpu.dma_semaphore, #tpu.memory_space<semaphore_mem>>)
      %mul3A_162 = arith.constant 2 : i32
      %mul3A_163 = arith.muli %mul3A_162, %scan3A_142 : i32
      %add3A_164 = arith.constant 1 : i32
      %add3A_165 = arith.addi %mul3A_163, %add3A_164 : i32
      %dma_wait3A_166 = arith.constant 0 : i32
      %dma_wait3A_167 = tpu.memref_slice %arg7[%dma_wait3A_166] : memref<5376xi32, #tpu.memory_space<vmem>> -> memref<128xi32, #tpu.memory_space<vmem>>
      %dma_wait3A_168 = arith.constant 0 : i32
      %dma_wait3A_169 = arith.constant 0 : i32
      %dma_wait3A_170 = tpu.memref_slice %arg2[%dma_wait3A_168, %dma_wait3A_169] : memref<40960x128xf32, #tpu.memory_space<hbm>> -> memref<40960x128xf32, #tpu.memory_space<hbm>>
      tpu.wait_indirect_dma semaphore(%arg13 : memref<!tpu.dma_semaphore, #tpu.memory_space<semaphore_mem>>) src(%dma_wait3A_170 : memref<40960x128xf32, #tpu.memory_space<hbm>>) dst(%arg10 : memref<128x128xf32, #tpu.memory_space<vmem>>)
      %add3A_171 = arith.constant 0 : i32
      %add3A_172 = arith.addi %add3A_171, %add3A_165 : i32
      "tpu.region"() ({
        %run_scoped3A = tpu.sem_alloc : memref<!tpu.dma_semaphore, #tpu.memory_space<semaphore_mem>>
        %dma_start3A_181 = arith.constant 0 : i32
        %dma_start3A_182 = tpu.memref_slice %arg8[%add3A_172, %dma_start3A_181] : memref<80x128xi32, #tpu.memory_space<vmem>> -> memref<1x128xi32, #tpu.memory_space<vmem>>
        %dma_start3A_183 = tpu.memref_squeeze %dma_start3A_182 : memref<1x128xi32, #tpu.memory_space<vmem>> -> memref<128xi32, #tpu.memory_space<vmem>>
        %dma_start3A_184 = arith.constant 0 : i32
        %dma_start3A_185 = arith.constant 0 : i32
        %dma_start3A_186 = tpu.memref_slice %arg11[%dma_start3A_184, %dma_start3A_185] : memref<10240x128xf32, #tpu.memory_space<vmem_shared>> -> memref<10240x128xf32, #tpu.memory_space<vmem_shared>>
        tpu.enqueue_indirect_dma source(%arg10 : memref<128x128xf32, #tpu.memory_space<vmem>>) target(%dma_start3A_186 : memref<10240x128xf32, #tpu.memory_space<vmem_shared>>) offsets(%dma_start3A_183 : memref<128xi32, #tpu.memory_space<vmem>>) semaphore(%run_scoped3A : memref<!tpu.dma_semaphore, #tpu.memory_space<semaphore_mem>>) {add = true}
        %dma_wait3A_187 = arith.constant 0 : i32
        %dma_wait3A_188 = tpu.memref_slice %arg8[%add3A_172, %dma_wait3A_187] : memref<80x128xi32, #tpu.memory_space<vmem>> -> memref<1x128xi32, #tpu.memory_space<vmem>>
        %dma_wait3A_189 = tpu.memref_squeeze %dma_wait3A_188 : memref<1x128xi32, #tpu.memory_space<vmem>> -> memref<128xi32, #tpu.memory_space<vmem>>
        %dma_wait3A_190 = arith.constant 0 : i32
        %dma_wait3A_191 = arith.constant 0 : i32
        %dma_wait3A_192 = tpu.memref_slice %arg11[%dma_wait3A_190, %dma_wait3A_191] : memref<10240x128xf32, #tpu.memory_space<vmem_shared>> -> memref<10240x128xf32, #tpu.memory_space<vmem_shared>>
        tpu.wait_indirect_dma semaphore(%run_scoped3A : memref<!tpu.dma_semaphore, #tpu.memory_space<semaphore_mem>>) src(%arg10 : memref<128x128xf32, #tpu.memory_space<vmem>>) dst(%dma_wait3A_192 : memref<10240x128xf32, #tpu.memory_space<vmem_shared>>)
        tpu.yield
      }) : () -> ()
      %add3A_173 = arith.constant 2 : i32
      %add3A_174 = arith.addi %add3A_165, %add3A_173 : i32
      %mul3A_175 = arith.constant 128 : i32
      %mul3A_176 = arith.muli %add3A_174, %mul3A_175 : i32
      %dma_start3A_177 = tpu.memref_slice %arg7[%mul3A_176] : memref<5376xi32, #tpu.memory_space<vmem>> -> memref<128xi32, #tpu.memory_space<vmem>>
      %dma_start3A_178 = arith.constant 0 : i32
      %dma_start3A_179 = arith.constant 0 : i32
      %dma_start3A_180 = tpu.memref_slice %arg2[%dma_start3A_178, %dma_start3A_179] : memref<40960x128xf32, #tpu.memory_space<hbm>> -> memref<40960x128xf32, #tpu.memory_space<hbm>>
      tpu.enqueue_indirect_dma source(%dma_start3A_180 : memref<40960x128xf32, #tpu.memory_space<hbm>>) target(%arg10 : memref<128x128xf32, #tpu.memory_space<vmem>>) offsets(%dma_start3A_177 : memref<128xi32, #tpu.memory_space<vmem>>) semaphore(%arg13 : memref<!tpu.dma_semaphore, #tpu.memory_space<semaphore_mem>>)
    }
    %scan3A_96 = arith.constant 20 : i32
    %dma_wait3A_97 = arith.constant 0 : i32
    %dma_wait3A_98 = tpu.memref_slice %arg7[%dma_wait3A_97] : memref<5376xi32, #tpu.memory_space<vmem>> -> memref<128xi32, #tpu.memory_space<vmem>>
    %dma_wait3A_99 = arith.constant 0 : i32
    %dma_wait3A_100 = arith.constant 0 : i32
    %dma_wait3A_101 = tpu.memref_slice %arg2[%dma_wait3A_99, %dma_wait3A_100] : memref<40960x128xf32, #tpu.memory_space<hbm>> -> memref<40960x128xf32, #tpu.memory_space<hbm>>
    tpu.wait_indirect_dma semaphore(%arg12 : memref<!tpu.dma_semaphore, #tpu.memory_space<semaphore_mem>>) src(%dma_wait3A_101 : memref<40960x128xf32, #tpu.memory_space<hbm>>) dst(%arg9 : memref<128x128xf32, #tpu.memory_space<vmem>>)
    %dma_wait3A_102 = arith.constant 0 : i32
    %dma_wait3A_103 = tpu.memref_slice %arg7[%dma_wait3A_102] : memref<5376xi32, #tpu.memory_space<vmem>> -> memref<128xi32, #tpu.memory_space<vmem>>
    %dma_wait3A_104 = arith.constant 0 : i32
    %dma_wait3A_105 = arith.constant 0 : i32
    %dma_wait3A_106 = tpu.memref_slice %arg2[%dma_wait3A_104, %dma_wait3A_105] : memref<40960x128xf32, #tpu.memory_space<hbm>> -> memref<40960x128xf32, #tpu.memory_space<hbm>>
    tpu.wait_indirect_dma semaphore(%arg13 : memref<!tpu.dma_semaphore, #tpu.memory_space<semaphore_mem>>) src(%dma_wait3A_106 : memref<40960x128xf32, #tpu.memory_space<hbm>>) dst(%arg10 : memref<128x128xf32, #tpu.memory_space<vmem>>)
    %mul3A_107 = arith.constant 163840 : i32
    %mul3A_108 = arith.muli %add3A_74, %mul3A_107 : i32
    %add3A_109 = arith.addi %mul3A_108, %mul3A_2 : i32
    %add3A_110 = arith.constant 5120 : i32
    %add3A_111 = arith.addi %add3A_109, %add3A_110 : i32
    "tpu.region"() ({
      %run_scoped3A = tpu.sem_alloc : memref<!tpu.dma_semaphore, #tpu.memory_space<semaphore_mem>>
      %dma_start3A_142 = tpu.memref_slice %arg3[%add3A_111] : memref<655616xi32, #tpu.memory_space<hbm>> -> memref<5376xi32, #tpu.memory_space<hbm>>
      %dma_start3A_143 = tpu.memref_slice %arg3[%add3A_111] : memref<655616xi32, #tpu.memory_space<hbm>> -> memref<5376xi32, #tpu.memory_space<hbm>>
      tpu.enqueue_dma source(%dma_start3A_143 : memref<5376xi32, #tpu.memory_space<hbm>>) target(%arg7 : memref<5376xi32, #tpu.memory_space<vmem>>) target_semaphore(%run_scoped3A : memref<!tpu.dma_semaphore, #tpu.memory_space<semaphore_mem>>)
      %dma_wait3A_144 = tpu.memref_slice %arg3[%add3A_111] : memref<655616xi32, #tpu.memory_space<hbm>> -> memref<5376xi32, #tpu.memory_space<hbm>>
      %dma_wait3A_145 = tpu.memref_slice %arg3[%add3A_111] : memref<655616xi32, #tpu.memory_space<hbm>> -> memref<5376xi32, #tpu.memory_space<hbm>>
      tpu.wait_dma2 semaphore(%run_scoped3A : memref<!tpu.dma_semaphore, #tpu.memory_space<semaphore_mem>>) src(%dma_wait3A_145 : memref<5376xi32, #tpu.memory_space<hbm>>) dst(%arg7 : memref<5376xi32, #tpu.memory_space<vmem>>)
      tpu.yield
    }) : () -> ()
    %dma_start3A_112 = arith.constant 0 : i32
    %dma_start3A_113 = tpu.memref_slice %arg7[%dma_start3A_112] : memref<5376xi32, #tpu.memory_space<vmem>> -> memref<128xi32, #tpu.memory_space<vmem>>
    %dma_start3A_114 = arith.constant 0 : i32
    %dma_start3A_115 = arith.constant 0 : i32
    %dma_start3A_116 = tpu.memref_slice %arg2[%dma_start3A_114, %dma_start3A_115] : memref<40960x128xf32, #tpu.memory_space<hbm>> -> memref<40960x128xf32, #tpu.memory_space<hbm>>
    tpu.enqueue_indirect_dma source(%dma_start3A_116 : memref<40960x128xf32, #tpu.memory_space<hbm>>) target(%arg9 : memref<128x128xf32, #tpu.memory_space<vmem>>) offsets(%dma_start3A_113 : memref<128xi32, #tpu.memory_space<vmem>>) semaphore(%arg12 : memref<!tpu.dma_semaphore, #tpu.memory_space<semaphore_mem>>)
    %dma_start3A_117 = arith.constant 128 : i32
    %dma_start3A_118 = tpu.memref_slice %arg7[%dma_start3A_117] : memref<5376xi32, #tpu.memory_space<vmem>> -> memref<128xi32, #tpu.memory_space<vmem>>
    %dma_start3A_119 = arith.constant 0 : i32
    %dma_start3A_120 = arith.constant 0 : i32
    %dma_start3A_121 = tpu.memref_slice %arg2[%dma_start3A_119, %dma_start3A_120] : memref<40960x128xf32, #tpu.memory_space<hbm>> -> memref<40960x128xf32, #tpu.memory_space<hbm>>
    tpu.enqueue_indirect_dma source(%dma_start3A_121 : memref<40960x128xf32, #tpu.memory_space<hbm>>) target(%arg10 : memref<128x128xf32, #tpu.memory_space<vmem>>) offsets(%dma_start3A_118 : memref<128xi32, #tpu.memory_space<vmem>>) semaphore(%arg13 : memref<!tpu.dma_semaphore, #tpu.memory_space<semaphore_mem>>)
    %scan3A_122 = arith.constant 0 : i32
    %scan3A_123 = arith.constant 0 : i32
    %scan3A_124 = arith.constant 20 : i32
    %scan3A_125 = arith.addi %scan3A_123, %scan3A_124 : i32
    %scan3A_126 = arith.constant 1 : i32
    scf.for %scan3A_142 = %scan3A_123 to %scan3A_125 step %scan3A_126  : i32 {
      %mul3A_143 = arith.constant 2 : i32
      %mul3A_144 = arith.muli %mul3A_143, %scan3A_142 : i32
      %add3A_145 = arith.constant 0 : i32
      %add3A_146 = arith.addi %mul3A_144, %add3A_145 : i32
      %dma_wait3A_147 = arith.constant 0 : i32
      %dma_wait3A_148 = tpu.memref_slice %arg7[%dma_wait3A_147] : memref<5376xi32, #tpu.memory_space<vmem>> -> memref<128xi32, #tpu.memory_space<vmem>>
      %dma_wait3A_149 = arith.constant 0 : i32
      %dma_wait3A_150 = arith.constant 0 : i32
      %dma_wait3A_151 = tpu.memref_slice %arg2[%dma_wait3A_149, %dma_wait3A_150] : memref<40960x128xf32, #tpu.memory_space<hbm>> -> memref<40960x128xf32, #tpu.memory_space<hbm>>
      tpu.wait_indirect_dma semaphore(%arg12 : memref<!tpu.dma_semaphore, #tpu.memory_space<semaphore_mem>>) src(%dma_wait3A_151 : memref<40960x128xf32, #tpu.memory_space<hbm>>) dst(%arg9 : memref<128x128xf32, #tpu.memory_space<vmem>>)
      %add3A_152 = arith.constant 40 : i32
      %add3A_153 = arith.addi %add3A_152, %add3A_146 : i32
      "tpu.region"() ({
        %run_scoped3A = tpu.sem_alloc : memref<!tpu.dma_semaphore, #tpu.memory_space<semaphore_mem>>
        %dma_start3A_181 = arith.constant 0 : i32
        %dma_start3A_182 = tpu.memref_slice %arg8[%add3A_153, %dma_start3A_181] : memref<80x128xi32, #tpu.memory_space<vmem>> -> memref<1x128xi32, #tpu.memory_space<vmem>>
        %dma_start3A_183 = tpu.memref_squeeze %dma_start3A_182 : memref<1x128xi32, #tpu.memory_space<vmem>> -> memref<128xi32, #tpu.memory_space<vmem>>
        %dma_start3A_184 = arith.constant 0 : i32
        %dma_start3A_185 = arith.constant 0 : i32
        %dma_start3A_186 = tpu.memref_slice %arg11[%dma_start3A_184, %dma_start3A_185] : memref<10240x128xf32, #tpu.memory_space<vmem_shared>> -> memref<10240x128xf32, #tpu.memory_space<vmem_shared>>
        tpu.enqueue_indirect_dma source(%arg9 : memref<128x128xf32, #tpu.memory_space<vmem>>) target(%dma_start3A_186 : memref<10240x128xf32, #tpu.memory_space<vmem_shared>>) offsets(%dma_start3A_183 : memref<128xi32, #tpu.memory_space<vmem>>) semaphore(%run_scoped3A : memref<!tpu.dma_semaphore, #tpu.memory_space<semaphore_mem>>) {add = true}
        %dma_wait3A_187 = arith.constant 0 : i32
        %dma_wait3A_188 = tpu.memref_slice %arg8[%add3A_153, %dma_wait3A_187] : memref<80x128xi32, #tpu.memory_space<vmem>> -> memref<1x128xi32, #tpu.memory_space<vmem>>
        %dma_wait3A_189 = tpu.memref_squeeze %dma_wait3A_188 : memref<1x128xi32, #tpu.memory_space<vmem>> -> memref<128xi32, #tpu.memory_space<vmem>>
        %dma_wait3A_190 = arith.constant 0 : i32
        %dma_wait3A_191 = arith.constant 0 : i32
        %dma_wait3A_192 = tpu.memref_slice %arg11[%dma_wait3A_190, %dma_wait3A_191] : memref<10240x128xf32, #tpu.memory_space<vmem_shared>> -> memref<10240x128xf32, #tpu.memory_space<vmem_shared>>
        tpu.wait_indirect_dma semaphore(%run_scoped3A : memref<!tpu.dma_semaphore, #tpu.memory_space<semaphore_mem>>) src(%arg9 : memref<128x128xf32, #tpu.memory_space<vmem>>) dst(%dma_wait3A_192 : memref<10240x128xf32, #tpu.memory_space<vmem_shared>>)
        tpu.yield
      }) : () -> ()
      %add3A_154 = arith.constant 2 : i32
      %add3A_155 = arith.addi %add3A_146, %add3A_154 : i32
      %mul3A_156 = arith.constant 128 : i32
      %mul3A_157 = arith.muli %add3A_155, %mul3A_156 : i32
      %dma_start3A_158 = tpu.memref_slice %arg7[%mul3A_157] : memref<5376xi32, #tpu.memory_space<vmem>> -> memref<128xi32, #tpu.memory_space<vmem>>
      %dma_start3A_159 = arith.constant 0 : i32
      %dma_start3A_160 = arith.constant 0 : i32
      %dma_start3A_161 = tpu.memref_slice %arg2[%dma_start3A_159, %dma_start3A_160] : memref<40960x128xf32, #tpu.memory_space<hbm>> -> memref<40960x128xf32, #tpu.memory_space<hbm>>
      tpu.enqueue_indirect_dma source(%dma_start3A_161 : memref<40960x128xf32, #tpu.memory_space<hbm>>) target(%arg9 : memref<128x128xf32, #tpu.memory_space<vmem>>) offsets(%dma_start3A_158 : memref<128xi32, #tpu.memory_space<vmem>>) semaphore(%arg12 : memref<!tpu.dma_semaphore, #tpu.memory_space<semaphore_mem>>)
      %mul3A_162 = arith.constant 2 : i32
      %mul3A_163 = arith.muli %mul3A_162, %scan3A_142 : i32
      %add3A_164 = arith.constant 1 : i32
      %add3A_165 = arith.addi %mul3A_163, %add3A_164 : i32
      %dma_wait3A_166 = arith.constant 0 : i32
      %dma_wait3A_167 = tpu.memref_slice %arg7[%dma_wait3A_166] : memref<5376xi32, #tpu.memory_space<vmem>> -> memref<128xi32, #tpu.memory_space<vmem>>
      %dma_wait3A_168 = arith.constant 0 : i32
      %dma_wait3A_169 = arith.constant 0 : i32
      %dma_wait3A_170 = tpu.memref_slice %arg2[%dma_wait3A_168, %dma_wait3A_169] : memref<40960x128xf32, #tpu.memory_space<hbm>> -> memref<40960x128xf32, #tpu.memory_space<hbm>>
      tpu.wait_indirect_dma semaphore(%arg13 : memref<!tpu.dma_semaphore, #tpu.memory_space<semaphore_mem>>) src(%dma_wait3A_170 : memref<40960x128xf32, #tpu.memory_space<hbm>>) dst(%arg10 : memref<128x128xf32, #tpu.memory_space<vmem>>)
      %add3A_171 = arith.constant 40 : i32
      %add3A_172 = arith.addi %add3A_171, %add3A_165 : i32
      "tpu.region"() ({
        %run_scoped3A = tpu.sem_alloc : memref<!tpu.dma_semaphore, #tpu.memory_space<semaphore_mem>>
        %dma_start3A_181 = arith.constant 0 : i32
        %dma_start3A_182 = tpu.memref_slice %arg8[%add3A_172, %dma_start3A_181] : memref<80x128xi32, #tpu.memory_space<vmem>> -> memref<1x128xi32, #tpu.memory_space<vmem>>
        %dma_start3A_183 = tpu.memref_squeeze %dma_start3A_182 : memref<1x128xi32, #tpu.memory_space<vmem>> -> memref<128xi32, #tpu.memory_space<vmem>>
        %dma_start3A_184 = arith.constant 0 : i32
        %dma_start3A_185 = arith.constant 0 : i32
        %dma_start3A_186 = tpu.memref_slice %arg11[%dma_start3A_184, %dma_start3A_185] : memref<10240x128xf32, #tpu.memory_space<vmem_shared>> -> memref<10240x128xf32, #tpu.memory_space<vmem_shared>>
        tpu.enqueue_indirect_dma source(%arg10 : memref<128x128xf32, #tpu.memory_space<vmem>>) target(%dma_start3A_186 : memref<10240x128xf32, #tpu.memory_space<vmem_shared>>) offsets(%dma_start3A_183 : memref<128xi32, #tpu.memory_space<vmem>>) semaphore(%run_scoped3A : memref<!tpu.dma_semaphore, #tpu.memory_space<semaphore_mem>>) {add = true}
        %dma_wait3A_187 = arith.constant 0 : i32
        %dma_wait3A_188 = tpu.memref_slice %arg8[%add3A_172, %dma_wait3A_187] : memref<80x128xi32, #tpu.memory_space<vmem>> -> memref<1x128xi32, #tpu.memory_space<vmem>>
        %dma_wait3A_189 = tpu.memref_squeeze %dma_wait3A_188 : memref<1x128xi32, #tpu.memory_space<vmem>> -> memref<128xi32, #tpu.memory_space<vmem>>
        %dma_wait3A_190 = arith.constant 0 : i32
        %dma_wait3A_191 = arith.constant 0 : i32
        %dma_wait3A_192 = tpu.memref_slice %arg11[%dma_wait3A_190, %dma_wait3A_191] : memref<10240x128xf32, #tpu.memory_space<vmem_shared>> -> memref<10240x128xf32, #tpu.memory_space<vmem_shared>>
        tpu.wait_indirect_dma semaphore(%run_scoped3A : memref<!tpu.dma_semaphore, #tpu.memory_space<semaphore_mem>>) src(%arg10 : memref<128x128xf32, #tpu.memory_space<vmem>>) dst(%dma_wait3A_192 : memref<10240x128xf32, #tpu.memory_space<vmem_shared>>)
        tpu.yield
      }) : () -> ()
      %add3A_173 = arith.constant 2 : i32
      %add3A_174 = arith.addi %add3A_165, %add3A_173 : i32
      %mul3A_175 = arith.constant 128 : i32
      %mul3A_176 = arith.muli %add3A_174, %mul3A_175 : i32
      %dma_start3A_177 = tpu.memref_slice %arg7[%mul3A_176] : memref<5376xi32, #tpu.memory_space<vmem>> -> memref<128xi32, #tpu.memory_space<vmem>>
      %dma_start3A_178 = arith.constant 0 : i32
      %dma_start3A_179 = arith.constant 0 : i32
      %dma_start3A_180 = tpu.memref_slice %arg2[%dma_start3A_178, %dma_start3A_179] : memref<40960x128xf32, #tpu.memory_space<hbm>> -> memref<40960x128xf32, #tpu.memory_space<hbm>>
      tpu.enqueue_indirect_dma source(%dma_start3A_180 : memref<40960x128xf32, #tpu.memory_space<hbm>>) target(%arg10 : memref<128x128xf32, #tpu.memory_space<vmem>>) offsets(%dma_start3A_177 : memref<128xi32, #tpu.memory_space<vmem>>) semaphore(%arg13 : memref<!tpu.dma_semaphore, #tpu.memory_space<semaphore_mem>>)
    }
    %scan3A_127 = arith.constant 20 : i32
    %dma_wait3A_128 = arith.constant 0 : i32
    %dma_wait3A_129 = tpu.memref_slice %arg7[%dma_wait3A_128] : memref<5376xi32, #tpu.memory_space<vmem>> -> memref<128xi32, #tpu.memory_space<vmem>>
    %dma_wait3A_130 = arith.constant 0 : i32
    %dma_wait3A_131 = arith.constant 0 : i32
    %dma_wait3A_132 = tpu.memref_slice %arg2[%dma_wait3A_130, %dma_wait3A_131] : memref<40960x128xf32, #tpu.memory_space<hbm>> -> memref<40960x128xf32, #tpu.memory_space<hbm>>
    tpu.wait_indirect_dma semaphore(%arg12 : memref<!tpu.dma_semaphore, #tpu.memory_space<semaphore_mem>>) src(%dma_wait3A_132 : memref<40960x128xf32, #tpu.memory_space<hbm>>) dst(%arg9 : memref<128x128xf32, #tpu.memory_space<vmem>>)
    %dma_wait3A_133 = arith.constant 0 : i32
    %dma_wait3A_134 = tpu.memref_slice %arg7[%dma_wait3A_133] : memref<5376xi32, #tpu.memory_space<vmem>> -> memref<128xi32, #tpu.memory_space<vmem>>
    %dma_wait3A_135 = arith.constant 0 : i32
    %dma_wait3A_136 = arith.constant 0 : i32
    %dma_wait3A_137 = tpu.memref_slice %arg2[%dma_wait3A_135, %dma_wait3A_136] : memref<40960x128xf32, #tpu.memory_space<hbm>> -> memref<40960x128xf32, #tpu.memory_space<hbm>>
    tpu.wait_indirect_dma semaphore(%arg13 : memref<!tpu.dma_semaphore, #tpu.memory_space<semaphore_mem>>) src(%dma_wait3A_137 : memref<40960x128xf32, #tpu.memory_space<hbm>>) dst(%arg10 : memref<128x128xf32, #tpu.memory_space<vmem>>)
    %barrier3A_138 = arith.constant 0 : index
    tpu.barrier barrier_id(%barrier3A_138)
    %mul3A_139 = arith.constant 10240 : i32
    %mul3A_140 = arith.muli %add3A_74, %mul3A_139 : i32
    %add3A_141 = arith.addi %mul3A_140, %mul3A_0 : i32
    "tpu.region"() ({
      %run_scoped3A = tpu.sem_alloc : memref<!tpu.dma_semaphore, #tpu.memory_space<semaphore_mem>>
      %dma_start3A_142 = arith.constant 0 : i32
      %dma_start3A_143 = tpu.memref_slice %arg6[%add3A_141, %dma_start3A_142] : memref<40960x128xf32, #tpu.memory_space<hbm>> -> memref<640x128xf32, #tpu.memory_space<hbm>>
      %dma_start3A_144 = arith.constant 0 : i32
      %dma_start3A_145 = tpu.memref_slice %arg11[%mul3A_0, %dma_start3A_144] : memref<10240x128xf32, #tpu.memory_space<vmem_shared>> -> memref<640x128xf32, #tpu.memory_space<vmem_shared>>
      tpu.enqueue_dma source(%dma_start3A_145 : memref<640x128xf32, #tpu.memory_space<vmem_shared>>) target(%dma_start3A_143 : memref<640x128xf32, #tpu.memory_space<hbm>>) target_semaphore(%run_scoped3A : memref<!tpu.dma_semaphore, #tpu.memory_space<semaphore_mem>>)
      %dma_wait3A_146 = arith.constant 0 : i32
      %dma_wait3A_147 = tpu.memref_slice %arg6[%add3A_141, %dma_wait3A_146] : memref<40960x128xf32, #tpu.memory_space<hbm>> -> memref<640x128xf32, #tpu.memory_space<hbm>>
      %dma_wait3A_148 = arith.constant 0 : i32
      %dma_wait3A_149 = tpu.memref_slice %arg11[%mul3A_0, %dma_wait3A_148] : memref<10240x128xf32, #tpu.memory_space<vmem_shared>> -> memref<640x128xf32, #tpu.memory_space<vmem_shared>>
      tpu.wait_dma2 semaphore(%run_scoped3A : memref<!tpu.dma_semaphore, #tpu.memory_space<semaphore_mem>>) src(%dma_wait3A_149 : memref<640x128xf32, #tpu.memory_space<vmem_shared>>) dst(%dma_wait3A_147 : memref<640x128xf32, #tpu.memory_space<hbm>>)
      tpu.yield
    }) : () -> ()
    return
  }
}

#map = affine_map<(d0, d1) -> (0, 0)>
#map1 = affine_map<(d0, d1) -> (0)>
module attributes {stable_mosaic.version = 14 : i64} {
  func.func @body(%arg0: i32, %arg1: i32, %arg2: memref<40960x128xf32, #tpu.memory_space<hbm>>, %arg3: memref<655616xi32, #tpu.memory_space<hbm>>, %arg4: memref<1280x128xi32, #tpu.memory_space<hbm>>, %arg5: memref<10240x128xf32, #tpu.memory_space<hbm>>, %arg6: memref<40960x128xf32, #tpu.memory_space<hbm>>, %arg7: memref<5376xi32, #tpu.memory_space<vmem>>, %arg8: memref<80x128xi32, #tpu.memory_space<vmem>>, %arg9: memref<128x128xf32, #tpu.memory_space<vmem>>, %arg10: memref<128x128xf32, #tpu.memory_space<vmem>>, %arg11: memref<10240x128xf32, #tpu.memory_space<vmem_shared>>, %arg12: memref<!tpu.dma_semaphore, #tpu.memory_space<semaphore_mem>>, %arg13: memref<!tpu.dma_semaphore, #tpu.memory_space<semaphore_mem>>) attributes {dimension_semantics = [#tpu.dimension_semantics<core_parallel>, #tpu.dimension_semantics<subcore_parallel>], iteration_bounds = array<i64: 2, 16>, scalar_prefetch = 0 : i64, scratch_operands = 7 : i64, tpu.core_type = #tpu.core_type<sc_vector_subcore>, window_params = [{transform_indices = #map}, {transform_indices = #map1}, {transform_indices = #map}, {transform_indices = #map}, {transform_indices = #map}]} {
    %mul3A = arith.constant 640 : i32
    %mul3A_0 = arith.muli %arg1, %mul3A : i32
    %mul3A_1 = arith.constant 10240 : i32
    %mul3A_2 = arith.muli %arg1, %mul3A_1 : i32
    %mul3A_3 = arith.constant 80 : i32
    %mul3A_4 = arith.muli %arg1, %mul3A_3 : i32
    "tpu.region"() ({
      %run_scoped3A = tpu.sem_alloc : memref<!tpu.dma_semaphore, #tpu.memory_space<semaphore_mem>>
      %dma_start3A_142 = arith.constant 0 : i32
      %dma_start3A_143 = tpu.memref_slice %arg4[%mul3A_4, %dma_start3A_142] : memref<1280x128xi32, #tpu.memory_space<hbm>> -> memref<80x128xi32, #tpu.memory_space<hbm>>
      %dma_start3A_144 = arith.constant 0 : i32
      %dma_start3A_145 = tpu.memref_slice %arg4[%mul3A_4, %dma_start3A_144] : memref<1280x128xi32, #tpu.memory_space<hbm>> -> memref<80x128xi32, #tpu.memory_space<hbm>>
      tpu.enqueue_dma source(%dma_start3A_145 : memref<80x128xi32, #tpu.memory_space<hbm>>) target(%arg8 : memref<80x128xi32, #tpu.memory_space<vmem>>) target_semaphore(%run_scoped3A : memref<!tpu.dma_semaphore, #tpu.memory_space<semaphore_mem>>)
      %dma_wait3A_146 = arith.constant 0 : i32
      %dma_wait3A_147 = tpu.memref_slice %arg4[%mul3A_4, %dma_wait3A_146] : memref<1280x128xi32, #tpu.memory_space<hbm>> -> memref<80x128xi32, #tpu.memory_space<hbm>>
      %dma_wait3A_148 = arith.constant 0 : i32
      %dma_wait3A_149 = tpu.memref_slice %arg4[%mul3A_4, %dma_wait3A_148] : memref<1280x128xi32, #tpu.memory_space<hbm>> -> memref<80x128xi32, #tpu.memory_space<hbm>>
      tpu.wait_dma2 semaphore(%run_scoped3A : memref<!tpu.dma_semaphore, #tpu.memory_space<semaphore_mem>>) src(%dma_wait3A_149 : memref<80x128xi32, #tpu.memory_space<hbm>>) dst(%arg8 : memref<80x128xi32, #tpu.memory_space<vmem>>)
      tpu.yield
    }) : () -> ()
    %mul3A_5 = arith.constant 2 : i32
    %mul3A_6 = arith.muli %arg0, %mul3A_5 : i32
    %add3A = arith.constant 0 : i32
    %add3A_7 = arith.addi %mul3A_6, %add3A : i32
    "tpu.region"() ({
      %run_scoped3A = tpu.sem_alloc : memref<!tpu.dma_semaphore, #tpu.memory_space<semaphore_mem>>
      %dma_start3A_142 = arith.constant 0 : i32
      %dma_start3A_143 = tpu.memref_slice %arg11[%mul3A_0, %dma_start3A_142] : memref<10240x128xf32, #tpu.memory_space<vmem_shared>> -> memref<640x128xf32, #tpu.memory_space<vmem_shared>>
      %dma_start3A_144 = arith.constant 0 : i32
      %dma_start3A_145 = tpu.memref_slice %arg5[%mul3A_0, %dma_start3A_144] : memref<10240x128xf32, #tpu.memory_space<hbm>> -> memref<640x128xf32, #tpu.memory_space<hbm>>
      tpu.enqueue_dma source(%dma_start3A_145 : memref<640x128xf32, #tpu.memory_space<hbm>>) target(%dma_start3A_143 : memref<640x128xf32, #tpu.memory_space<vmem_shared>>) target_semaphore(%run_scoped3A : memref<!tpu.dma_semaphore, #tpu.memory_space<semaphore_mem>>)
      %dma_wait3A_146 = arith.constant 0 : i32
      %dma_wait3A_147 = tpu.memref_slice %arg11[%mul3A_0, %dma_wait3A_146] : memref<10240x128xf32, #tpu.memory_space<vmem_shared>> -> memref<640x128xf32, #tpu.memory_space<vmem_shared>>
      %dma_wait3A_148 = arith.constant 0 : i32
      %dma_wait3A_149 = tpu.memref_slice %arg5[%mul3A_0, %dma_wait3A_148] : memref<10240x128xf32, #tpu.memory_space<hbm>> -> memref<640x128xf32, #tpu.memory_space<hbm>>
      tpu.wait_dma2 semaphore(%run_scoped3A : memref<!tpu.dma_semaphore, #tpu.memory_space<semaphore_mem>>) src(%dma_wait3A_149 : memref<640x128xf32, #tpu.memory_space<hbm>>) dst(%dma_wait3A_147 : memref<640x128xf32, #tpu.memory_space<vmem_shared>>)
      tpu.yield
    }) : () -> ()
    %barrier3A = arith.constant 0 : index
    tpu.barrier barrier_id(%barrier3A)
    %mul3A_8 = arith.constant 163840 : i32
    %mul3A_9 = arith.muli %add3A_7, %mul3A_8 : i32
    %add3A_10 = arith.addi %mul3A_9, %mul3A_2 : i32
    %add3A_11 = arith.constant 0 : i32
    %add3A_12 = arith.addi %add3A_10, %add3A_11 : i32
    "tpu.region"() ({
      %run_scoped3A = tpu.sem_alloc : memref<!tpu.dma_semaphore, #tpu.memory_space<semaphore_mem>>
      %dma_start3A_142 = tpu.memref_slice %arg3[%add3A_12] : memref<655616xi32, #tpu.memory_space<hbm>> -> memref<5376xi32, #tpu.memory_space<hbm>>
      %dma_start3A_143 = tpu.memref_slice %arg3[%add3A_12] : memref<655616xi32, #tpu.memory_space<hbm>> -> memref<5376xi32, #tpu.memory_space<hbm>>
      tpu.enqueue_dma source(%dma_start3A_143 : memref<5376xi32, #tpu.memory_space<hbm>>) target(%arg7 : memref<5376xi32, #tpu.memory_space<vmem>>) target_semaphore(%run_scoped3A : memref<!tpu.dma_semaphore, #tpu.memory_space<semaphore_mem>>)
      %dma_wait3A_144 = tpu.memref_slice %arg3[%add3A_12] : memref<655616xi32, #tpu.memory_space<hbm>> -> memref<5376xi32, #tpu.memory_space<hbm>>
      %dma_wait3A_145 = tpu.memref_slice %arg3[%add3A_12] : memref<655616xi32, #tpu.memory_space<hbm>> -> memref<5376xi32, #tpu.memory_space<hbm>>
      tpu.wait_dma2 semaphore(%run_scoped3A : memref<!tpu.dma_semaphore, #tpu.memory_space<semaphore_mem>>) src(%dma_wait3A_145 : memref<5376xi32, #tpu.memory_space<hbm>>) dst(%arg7 : memref<5376xi32, #tpu.memory_space<vmem>>)
      tpu.yield
    }) : () -> ()
    %dma_start3A = arith.constant 0 : i32
    %dma_start3A_13 = tpu.memref_slice %arg7[%dma_start3A] : memref<5376xi32, #tpu.memory_space<vmem>> -> memref<128xi32, #tpu.memory_space<vmem>>
    %dma_start3A_14 = arith.constant 0 : i32
    %dma_start3A_15 = arith.constant 0 : i32
    %dma_start3A_16 = tpu.memref_slice %arg2[%dma_start3A_14, %dma_start3A_15] : memref<40960x128xf32, #tpu.memory_space<hbm>> -> memref<40960x128xf32, #tpu.memory_space<hbm>>
    tpu.enqueue_indirect_dma source(%dma_start3A_16 : memref<40960x128xf32, #tpu.memory_space<hbm>>) target(%arg9 : memref<128x128xf32, #tpu.memory_space<vmem>>) offsets(%dma_start3A_13 : memref<128xi32, #tpu.memory_space<vmem>>) semaphore(%arg12 : memref<!tpu.dma_semaphore, #tpu.memory_space<semaphore_mem>>)
    %dma_start3A_17 = arith.constant 128 : i32
    %dma_start3A_18 = tpu.memref_slice %arg7[%dma_start3A_17] : memref<5376xi32, #tpu.memory_space<vmem>> -> memref<128xi32, #tpu.memory_space<vmem>>
    %dma_start3A_19 = arith.constant 0 : i32
    %dma_start3A_20 = arith.constant 0 : i32
    %dma_start3A_21 = tpu.memref_slice %arg2[%dma_start3A_19, %dma_start3A_20] : memref<40960x128xf32, #tpu.memory_space<hbm>> -> memref<40960x128xf32, #tpu.memory_space<hbm>>
    tpu.enqueue_indirect_dma source(%dma_start3A_21 : memref<40960x128xf32, #tpu.memory_space<hbm>>) target(%arg10 : memref<128x128xf32, #tpu.memory_space<vmem>>) offsets(%dma_start3A_18 : memref<128xi32, #tpu.memory_space<vmem>>) semaphore(%arg13 : memref<!tpu.dma_semaphore, #tpu.memory_space<semaphore_mem>>)
    %scan3A = arith.constant 0 : i32
    %scan3A_22 = arith.constant 0 : i32
    %scan3A_23 = arith.constant 20 : i32
    %scan3A_24 = arith.addi %scan3A_22, %scan3A_23 : i32
    %scan3A_25 = arith.constant 1 : i32
    scf.for %scan3A_142 = %scan3A_22 to %scan3A_24 step %scan3A_25  : i32 {
      %mul3A_143 = arith.constant 2 : i32
      %mul3A_144 = arith.muli %mul3A_143, %scan3A_142 : i32
      %add3A_145 = arith.constant 0 : i32
      %add3A_146 = arith.addi %mul3A_144, %add3A_145 : i32
      %dma_wait3A_147 = arith.constant 0 : i32
      %dma_wait3A_148 = tpu.memref_slice %arg7[%dma_wait3A_147] : memref<5376xi32, #tpu.memory_space<vmem>> -> memref<128xi32, #tpu.memory_space<vmem>>
      %dma_wait3A_149 = arith.constant 0 : i32
      %dma_wait3A_150 = arith.constant 0 : i32
      %dma_wait3A_151 = tpu.memref_slice %arg2[%dma_wait3A_149, %dma_wait3A_150] : memref<40960x128xf32, #tpu.memory_space<hbm>> -> memref<40960x128xf32, #tpu.memory_space<hbm>>
      tpu.wait_indirect_dma semaphore(%arg12 : memref<!tpu.dma_semaphore, #tpu.memory_space<semaphore_mem>>) src(%dma_wait3A_151 : memref<40960x128xf32, #tpu.memory_space<hbm>>) dst(%arg9 : memref<128x128xf32, #tpu.memory_space<vmem>>)
      %add3A_152 = arith.constant 0 : i32
      %add3A_153 = arith.addi %add3A_152, %add3A_146 : i32
      "tpu.region"() ({
        %run_scoped3A = tpu.sem_alloc : memref<!tpu.dma_semaphore, #tpu.memory_space<semaphore_mem>>
        %dma_start3A_181 = arith.constant 0 : i32
        %dma_start3A_182 = tpu.memref_slice %arg8[%add3A_153, %dma_start3A_181] : memref<80x128xi32, #tpu.memory_space<vmem>> -> memref<1x128xi32, #tpu.memory_space<vmem>>
        %dma_start3A_183 = tpu.memref_squeeze %dma_start3A_182 : memref<1x128xi32, #tpu.memory_space<vmem>> -> memref<128xi32, #tpu.memory_space<vmem>>
        %dma_start3A_184 = arith.constant 0 : i32
        %dma_start3A_185 = arith.constant 0 : i32
        %dma_start3A_186 = tpu.memref_slice %arg11[%dma_start3A_184, %dma_start3A_185] : memref<10240x128xf32, #tpu.memory_space<vmem_shared>> -> memref<10240x128xf32, #tpu.memory_space<vmem_shared>>
        tpu.enqueue_indirect_dma source(%arg9 : memref<128x128xf32, #tpu.memory_space<vmem>>) target(%dma_start3A_186 : memref<10240x128xf32, #tpu.memory_space<vmem_shared>>) offsets(%dma_start3A_183 : memref<128xi32, #tpu.memory_space<vmem>>) semaphore(%run_scoped3A : memref<!tpu.dma_semaphore, #tpu.memory_space<semaphore_mem>>) {add = true}
        %dma_wait3A_187 = arith.constant 0 : i32
        %dma_wait3A_188 = tpu.memref_slice %arg8[%add3A_153, %dma_wait3A_187] : memref<80x128xi32, #tpu.memory_space<vmem>> -> memref<1x128xi32, #tpu.memory_space<vmem>>
        %dma_wait3A_189 = tpu.memref_squeeze %dma_wait3A_188 : memref<1x128xi32, #tpu.memory_space<vmem>> -> memref<128xi32, #tpu.memory_space<vmem>>
        %dma_wait3A_190 = arith.constant 0 : i32
        %dma_wait3A_191 = arith.constant 0 : i32
        %dma_wait3A_192 = tpu.memref_slice %arg11[%dma_wait3A_190, %dma_wait3A_191] : memref<10240x128xf32, #tpu.memory_space<vmem_shared>> -> memref<10240x128xf32, #tpu.memory_space<vmem_shared>>
        tpu.wait_indirect_dma semaphore(%run_scoped3A : memref<!tpu.dma_semaphore, #tpu.memory_space<semaphore_mem>>) src(%arg9 : memref<128x128xf32, #tpu.memory_space<vmem>>) dst(%dma_wait3A_192 : memref<10240x128xf32, #tpu.memory_space<vmem_shared>>)
        tpu.yield
      }) : () -> ()
      %add3A_154 = arith.constant 2 : i32
      %add3A_155 = arith.addi %add3A_146, %add3A_154 : i32
      %mul3A_156 = arith.constant 128 : i32
      %mul3A_157 = arith.muli %add3A_155, %mul3A_156 : i32
      %dma_start3A_158 = tpu.memref_slice %arg7[%mul3A_157] : memref<5376xi32, #tpu.memory_space<vmem>> -> memref<128xi32, #tpu.memory_space<vmem>>
      %dma_start3A_159 = arith.constant 0 : i32
      %dma_start3A_160 = arith.constant 0 : i32
      %dma_start3A_161 = tpu.memref_slice %arg2[%dma_start3A_159, %dma_start3A_160] : memref<40960x128xf32, #tpu.memory_space<hbm>> -> memref<40960x128xf32, #tpu.memory_space<hbm>>
      tpu.enqueue_indirect_dma source(%dma_start3A_161 : memref<40960x128xf32, #tpu.memory_space<hbm>>) target(%arg9 : memref<128x128xf32, #tpu.memory_space<vmem>>) offsets(%dma_start3A_158 : memref<128xi32, #tpu.memory_space<vmem>>) semaphore(%arg12 : memref<!tpu.dma_semaphore, #tpu.memory_space<semaphore_mem>>)
      %mul3A_162 = arith.constant 2 : i32
      %mul3A_163 = arith.muli %mul3A_162, %scan3A_142 : i32
      %add3A_164 = arith.constant 1 : i32
      %add3A_165 = arith.addi %mul3A_163, %add3A_164 : i32
      %dma_wait3A_166 = arith.constant 0 : i32
      %dma_wait3A_167 = tpu.memref_slice %arg7[%dma_wait3A_166] : memref<5376xi32, #tpu.memory_space<vmem>> -> memref<128xi32, #tpu.memory_space<vmem>>
      %dma_wait3A_168 = arith.constant 0 : i32
      %dma_wait3A_169 = arith.constant 0 : i32
      %dma_wait3A_170 = tpu.memref_slice %arg2[%dma_wait3A_168, %dma_wait3A_169] : memref<40960x128xf32, #tpu.memory_space<hbm>> -> memref<40960x128xf32, #tpu.memory_space<hbm>>
      tpu.wait_indirect_dma semaphore(%arg13 : memref<!tpu.dma_semaphore, #tpu.memory_space<semaphore_mem>>) src(%dma_wait3A_170 : memref<40960x128xf32, #tpu.memory_space<hbm>>) dst(%arg10 : memref<128x128xf32, #tpu.memory_space<vmem>>)
      %add3A_171 = arith.constant 0 : i32
      %add3A_172 = arith.addi %add3A_171, %add3A_165 : i32
      "tpu.region"() ({
        %run_scoped3A = tpu.sem_alloc : memref<!tpu.dma_semaphore, #tpu.memory_space<semaphore_mem>>
        %dma_start3A_181 = arith.constant 0 : i32
        %dma_start3A_182 = tpu.memref_slice %arg8[%add3A_172, %dma_start3A_181] : memref<80x128xi32, #tpu.memory_space<vmem>> -> memref<1x128xi32, #tpu.memory_space<vmem>>
        %dma_start3A_183 = tpu.memref_squeeze %dma_start3A_182 : memref<1x128xi32, #tpu.memory_space<vmem>> -> memref<128xi32, #tpu.memory_space<vmem>>
        %dma_start3A_184 = arith.constant 0 : i32
        %dma_start3A_185 = arith.constant 0 : i32
        %dma_start3A_186 = tpu.memref_slice %arg11[%dma_start3A_184, %dma_start3A_185] : memref<10240x128xf32, #tpu.memory_space<vmem_shared>> -> memref<10240x128xf32, #tpu.memory_space<vmem_shared>>
        tpu.enqueue_indirect_dma source(%arg10 : memref<128x128xf32, #tpu.memory_space<vmem>>) target(%dma_start3A_186 : memref<10240x128xf32, #tpu.memory_space<vmem_shared>>) offsets(%dma_start3A_183 : memref<128xi32, #tpu.memory_space<vmem>>) semaphore(%run_scoped3A : memref<!tpu.dma_semaphore, #tpu.memory_space<semaphore_mem>>) {add = true}
        %dma_wait3A_187 = arith.constant 0 : i32
        %dma_wait3A_188 = tpu.memref_slice %arg8[%add3A_172, %dma_wait3A_187] : memref<80x128xi32, #tpu.memory_space<vmem>> -> memref<1x128xi32, #tpu.memory_space<vmem>>
        %dma_wait3A_189 = tpu.memref_squeeze %dma_wait3A_188 : memref<1x128xi32, #tpu.memory_space<vmem>> -> memref<128xi32, #tpu.memory_space<vmem>>
        %dma_wait3A_190 = arith.constant 0 : i32
        %dma_wait3A_191 = arith.constant 0 : i32
        %dma_wait3A_192 = tpu.memref_slice %arg11[%dma_wait3A_190, %dma_wait3A_191] : memref<10240x128xf32, #tpu.memory_space<vmem_shared>> -> memref<10240x128xf32, #tpu.memory_space<vmem_shared>>
        tpu.wait_indirect_dma semaphore(%run_scoped3A : memref<!tpu.dma_semaphore, #tpu.memory_space<semaphore_mem>>) src(%arg10 : memref<128x128xf32, #tpu.memory_space<vmem>>) dst(%dma_wait3A_192 : memref<10240x128xf32, #tpu.memory_space<vmem_shared>>)
        tpu.yield
      }) : () -> ()
      %add3A_173 = arith.constant 2 : i32
      %add3A_174 = arith.addi %add3A_165, %add3A_173 : i32
      %mul3A_175 = arith.constant 128 : i32
      %mul3A_176 = arith.muli %add3A_174, %mul3A_175 : i32
      %dma_start3A_177 = tpu.memref_slice %arg7[%mul3A_176] : memref<5376xi32, #tpu.memory_space<vmem>> -> memref<128xi32, #tpu.memory_space<vmem>>
      %dma_start3A_178 = arith.constant 0 : i32
      %dma_start3A_179 = arith.constant 0 : i32
      %dma_start3A_180 = tpu.memref_slice %arg2[%dma_start3A_178, %dma_start3A_179] : memref<40960x128xf32, #tpu.memory_space<hbm>> -> memref<40960x128xf32, #tpu.memory_space<hbm>>
      tpu.enqueue_indirect_dma source(%dma_start3A_180 : memref<40960x128xf32, #tpu.memory_space<hbm>>) target(%arg10 : memref<128x128xf32, #tpu.memory_space<vmem>>) offsets(%dma_start3A_177 : memref<128xi32, #tpu.memory_space<vmem>>) semaphore(%arg13 : memref<!tpu.dma_semaphore, #tpu.memory_space<semaphore_mem>>)
    }
    %scan3A_26 = arith.constant 20 : i32
    %dma_wait3A = arith.constant 0 : i32
    %dma_wait3A_27 = tpu.memref_slice %arg7[%dma_wait3A] : memref<5376xi32, #tpu.memory_space<vmem>> -> memref<128xi32, #tpu.memory_space<vmem>>
    %dma_wait3A_28 = arith.constant 0 : i32
    %dma_wait3A_29 = arith.constant 0 : i32
    %dma_wait3A_30 = tpu.memref_slice %arg2[%dma_wait3A_28, %dma_wait3A_29] : memref<40960x128xf32, #tpu.memory_space<hbm>> -> memref<40960x128xf32, #tpu.memory_space<hbm>>
    tpu.wait_indirect_dma semaphore(%arg12 : memref<!tpu.dma_semaphore, #tpu.memory_space<semaphore_mem>>) src(%dma_wait3A_30 : memref<40960x128xf32, #tpu.memory_space<hbm>>) dst(%arg9 : memref<128x128xf32, #tpu.memory_space<vmem>>)
    %dma_wait3A_31 = arith.constant 0 : i32
    %dma_wait3A_32 = tpu.memref_slice %arg7[%dma_wait3A_31] : memref<5376xi32, #tpu.memory_space<vmem>> -> memref<128xi32, #tpu.memory_space<vmem>>
    %dma_wait3A_33 = arith.constant 0 : i32
    %dma_wait3A_34 = arith.constant 0 : i32
    %dma_wait3A_35 = tpu.memref_slice %arg2[%dma_wait3A_33, %dma_wait3A_34] : memref<40960x128xf32, #tpu.memory_space<hbm>> -> memref<40960x128xf32, #tpu.memory_space<hbm>>
    tpu.wait_indirect_dma semaphore(%arg13 : memref<!tpu.dma_semaphore, #tpu.memory_space<semaphore_mem>>) src(%dma_wait3A_35 : memref<40960x128xf32, #tpu.memory_space<hbm>>) dst(%arg10 : memref<128x128xf32, #tpu.memory_space<vmem>>)
    %mul3A_36 = arith.constant 163840 : i32
    %mul3A_37 = arith.muli %add3A_7, %mul3A_36 : i32
    %add3A_38 = arith.addi %mul3A_37, %mul3A_2 : i32
    %add3A_39 = arith.constant 5120 : i32
    %add3A_40 = arith.addi %add3A_38, %add3A_39 : i32
    "tpu.region"() ({
      %run_scoped3A = tpu.sem_alloc : memref<!tpu.dma_semaphore, #tpu.memory_space<semaphore_mem>>
      %dma_start3A_142 = tpu.memref_slice %arg3[%add3A_40] : memref<655616xi32, #tpu.memory_space<hbm>> -> memref<5376xi32, #tpu.memory_space<hbm>>
      %dma_start3A_143 = tpu.memref_slice %arg3[%add3A_40] : memref<655616xi32, #tpu.memory_space<hbm>> -> memref<5376xi32, #tpu.memory_space<hbm>>
      tpu.enqueue_dma source(%dma_start3A_143 : memref<5376xi32, #tpu.memory_space<hbm>>) target(%arg7 : memref<5376xi32, #tpu.memory_space<vmem>>) target_semaphore(%run_scoped3A : memref<!tpu.dma_semaphore, #tpu.memory_space<semaphore_mem>>)
      %dma_wait3A_144 = tpu.memref_slice %arg3[%add3A_40] : memref<655616xi32, #tpu.memory_space<hbm>> -> memref<5376xi32, #tpu.memory_space<hbm>>
      %dma_wait3A_145 = tpu.memref_slice %arg3[%add3A_40] : memref<655616xi32, #tpu.memory_space<hbm>> -> memref<5376xi32, #tpu.memory_space<hbm>>
      tpu.wait_dma2 semaphore(%run_scoped3A : memref<!tpu.dma_semaphore, #tpu.memory_space<semaphore_mem>>) src(%dma_wait3A_145 : memref<5376xi32, #tpu.memory_space<hbm>>) dst(%arg7 : memref<5376xi32, #tpu.memory_space<vmem>>)
      tpu.yield
    }) : () -> ()
    %dma_start3A_41 = arith.constant 0 : i32
    %dma_start3A_42 = tpu.memref_slice %arg7[%dma_start3A_41] : memref<5376xi32, #tpu.memory_space<vmem>> -> memref<128xi32, #tpu.memory_space<vmem>>
    %dma_start3A_43 = arith.constant 0 : i32
    %dma_start3A_44 = arith.constant 0 : i32
    %dma_start3A_45 = tpu.memref_slice %arg2[%dma_start3A_43, %dma_start3A_44] : memref<40960x128xf32, #tpu.memory_space<hbm>> -> memref<40960x128xf32, #tpu.memory_space<hbm>>
    tpu.enqueue_indirect_dma source(%dma_start3A_45 : memref<40960x128xf32, #tpu.memory_space<hbm>>) target(%arg9 : memref<128x128xf32, #tpu.memory_space<vmem>>) offsets(%dma_start3A_42 : memref<128xi32, #tpu.memory_space<vmem>>) semaphore(%arg12 : memref<!tpu.dma_semaphore, #tpu.memory_space<semaphore_mem>>)
    %dma_start3A_46 = arith.constant 128 : i32
    %dma_start3A_47 = tpu.memref_slice %arg7[%dma_start3A_46] : memref<5376xi32, #tpu.memory_space<vmem>> -> memref<128xi32, #tpu.memory_space<vmem>>
    %dma_start3A_48 = arith.constant 0 : i32
    %dma_start3A_49 = arith.constant 0 : i32
    %dma_start3A_50 = tpu.memref_slice %arg2[%dma_start3A_48, %dma_start3A_49] : memref<40960x128xf32, #tpu.memory_space<hbm>> -> memref<40960x128xf32, #tpu.memory_space<hbm>>
    tpu.enqueue_indirect_dma source(%dma_start3A_50 : memref<40960x128xf32, #tpu.memory_space<hbm>>) target(%arg10 : memref<128x128xf32, #tpu.memory_space<vmem>>) offsets(%dma_start3A_47 : memref<128xi32, #tpu.memory_space<vmem>>) semaphore(%arg13 : memref<!tpu.dma_semaphore, #tpu.memory_space<semaphore_mem>>)
    %scan3A_51 = arith.constant 0 : i32
    %scan3A_52 = arith.constant 0 : i32
    %scan3A_53 = arith.constant 20 : i32
    %scan3A_54 = arith.addi %scan3A_52, %scan3A_53 : i32
    %scan3A_55 = arith.constant 1 : i32
    scf.for %scan3A_142 = %scan3A_52 to %scan3A_54 step %scan3A_55  : i32 {
      %mul3A_143 = arith.constant 2 : i32
      %mul3A_144 = arith.muli %mul3A_143, %scan3A_142 : i32
      %add3A_145 = arith.constant 0 : i32
      %add3A_146 = arith.addi %mul3A_144, %add3A_145 : i32
      %dma_wait3A_147 = arith.constant 0 : i32
      %dma_wait3A_148 = tpu.memref_slice %arg7[%dma_wait3A_147] : memref<5376xi32, #tpu.memory_space<vmem>> -> memref<128xi32, #tpu.memory_space<vmem>>
      %dma_wait3A_149 = arith.constant 0 : i32
      %dma_wait3A_150 = arith.constant 0 : i32
      %dma_wait3A_151 = tpu.memref_slice %arg2[%dma_wait3A_149, %dma_wait3A_150] : memref<40960x128xf32, #tpu.memory_space<hbm>> -> memref<40960x128xf32, #tpu.memory_space<hbm>>
      tpu.wait_indirect_dma semaphore(%arg12 : memref<!tpu.dma_semaphore, #tpu.memory_space<semaphore_mem>>) src(%dma_wait3A_151 : memref<40960x128xf32, #tpu.memory_space<hbm>>) dst(%arg9 : memref<128x128xf32, #tpu.memory_space<vmem>>)
      %add3A_152 = arith.constant 40 : i32
      %add3A_153 = arith.addi %add3A_152, %add3A_146 : i32
      "tpu.region"() ({
        %run_scoped3A = tpu.sem_alloc : memref<!tpu.dma_semaphore, #tpu.memory_space<semaphore_mem>>
        %dma_start3A_181 = arith.constant 0 : i32
        %dma_start3A_182 = tpu.memref_slice %arg8[%add3A_153, %dma_start3A_181] : memref<80x128xi32, #tpu.memory_space<vmem>> -> memref<1x128xi32, #tpu.memory_space<vmem>>
        %dma_start3A_183 = tpu.memref_squeeze %dma_start3A_182 : memref<1x128xi32, #tpu.memory_space<vmem>> -> memref<128xi32, #tpu.memory_space<vmem>>
        %dma_start3A_184 = arith.constant 0 : i32
        %dma_start3A_185 = arith.constant 0 : i32
        %dma_start3A_186 = tpu.memref_slice %arg11[%dma_start3A_184, %dma_start3A_185] : memref<10240x128xf32, #tpu.memory_space<vmem_shared>> -> memref<10240x128xf32, #tpu.memory_space<vmem_shared>>
        tpu.enqueue_indirect_dma source(%arg9 : memref<128x128xf32, #tpu.memory_space<vmem>>) target(%dma_start3A_186 : memref<10240x128xf32, #tpu.memory_space<vmem_shared>>) offsets(%dma_start3A_183 : memref<128xi32, #tpu.memory_space<vmem>>) semaphore(%run_scoped3A : memref<!tpu.dma_semaphore, #tpu.memory_space<semaphore_mem>>) {add = true}
        %dma_wait3A_187 = arith.constant 0 : i32
        %dma_wait3A_188 = tpu.memref_slice %arg8[%add3A_153, %dma_wait3A_187] : memref<80x128xi32, #tpu.memory_space<vmem>> -> memref<1x128xi32, #tpu.memory_space<vmem>>
        %dma_wait3A_189 = tpu.memref_squeeze %dma_wait3A_188 : memref<1x128xi32, #tpu.memory_space<vmem>> -> memref<128xi32, #tpu.memory_space<vmem>>
        %dma_wait3A_190 = arith.constant 0 : i32
        %dma_wait3A_191 = arith.constant 0 : i32
        %dma_wait3A_192 = tpu.memref_slice %arg11[%dma_wait3A_190, %dma_wait3A_191] : memref<10240x128xf32, #tpu.memory_space<vmem_shared>> -> memref<10240x128xf32, #tpu.memory_space<vmem_shared>>
        tpu.wait_indirect_dma semaphore(%run_scoped3A : memref<!tpu.dma_semaphore, #tpu.memory_space<semaphore_mem>>) src(%arg9 : memref<128x128xf32, #tpu.memory_space<vmem>>) dst(%dma_wait3A_192 : memref<10240x128xf32, #tpu.memory_space<vmem_shared>>)
        tpu.yield
      }) : () -> ()
      %add3A_154 = arith.constant 2 : i32
      %add3A_155 = arith.addi %add3A_146, %add3A_154 : i32
      %mul3A_156 = arith.constant 128 : i32
      %mul3A_157 = arith.muli %add3A_155, %mul3A_156 : i32
      %dma_start3A_158 = tpu.memref_slice %arg7[%mul3A_157] : memref<5376xi32, #tpu.memory_space<vmem>> -> memref<128xi32, #tpu.memory_space<vmem>>
      %dma_start3A_159 = arith.constant 0 : i32
      %dma_start3A_160 = arith.constant 0 : i32
      %dma_start3A_161 = tpu.memref_slice %arg2[%dma_start3A_159, %dma_start3A_160] : memref<40960x128xf32, #tpu.memory_space<hbm>> -> memref<40960x128xf32, #tpu.memory_space<hbm>>
      tpu.enqueue_indirect_dma source(%dma_start3A_161 : memref<40960x128xf32, #tpu.memory_space<hbm>>) target(%arg9 : memref<128x128xf32, #tpu.memory_space<vmem>>) offsets(%dma_start3A_158 : memref<128xi32, #tpu.memory_space<vmem>>) semaphore(%arg12 : memref<!tpu.dma_semaphore, #tpu.memory_space<semaphore_mem>>)
      %mul3A_162 = arith.constant 2 : i32
      %mul3A_163 = arith.muli %mul3A_162, %scan3A_142 : i32
      %add3A_164 = arith.constant 1 : i32
      %add3A_165 = arith.addi %mul3A_163, %add3A_164 : i32
      %dma_wait3A_166 = arith.constant 0 : i32
      %dma_wait3A_167 = tpu.memref_slice %arg7[%dma_wait3A_166] : memref<5376xi32, #tpu.memory_space<vmem>> -> memref<128xi32, #tpu.memory_space<vmem>>
      %dma_wait3A_168 = arith.constant 0 : i32
      %dma_wait3A_169 = arith.constant 0 : i32
      %dma_wait3A_170 = tpu.memref_slice %arg2[%dma_wait3A_168, %dma_wait3A_169] : memref<40960x128xf32, #tpu.memory_space<hbm>> -> memref<40960x128xf32, #tpu.memory_space<hbm>>
      tpu.wait_indirect_dma semaphore(%arg13 : memref<!tpu.dma_semaphore, #tpu.memory_space<semaphore_mem>>) src(%dma_wait3A_170 : memref<40960x128xf32, #tpu.memory_space<hbm>>) dst(%arg10 : memref<128x128xf32, #tpu.memory_space<vmem>>)
      %add3A_171 = arith.constant 40 : i32
      %add3A_172 = arith.addi %add3A_171, %add3A_165 : i32
      "tpu.region"() ({
        %run_scoped3A = tpu.sem_alloc : memref<!tpu.dma_semaphore, #tpu.memory_space<semaphore_mem>>
        %dma_start3A_181 = arith.constant 0 : i32
        %dma_start3A_182 = tpu.memref_slice %arg8[%add3A_172, %dma_start3A_181] : memref<80x128xi32, #tpu.memory_space<vmem>> -> memref<1x128xi32, #tpu.memory_space<vmem>>
        %dma_start3A_183 = tpu.memref_squeeze %dma_start3A_182 : memref<1x128xi32, #tpu.memory_space<vmem>> -> memref<128xi32, #tpu.memory_space<vmem>>
        %dma_start3A_184 = arith.constant 0 : i32
        %dma_start3A_185 = arith.constant 0 : i32
        %dma_start3A_186 = tpu.memref_slice %arg11[%dma_start3A_184, %dma_start3A_185] : memref<10240x128xf32, #tpu.memory_space<vmem_shared>> -> memref<10240x128xf32, #tpu.memory_space<vmem_shared>>
        tpu.enqueue_indirect_dma source(%arg10 : memref<128x128xf32, #tpu.memory_space<vmem>>) target(%dma_start3A_186 : memref<10240x128xf32, #tpu.memory_space<vmem_shared>>) offsets(%dma_start3A_183 : memref<128xi32, #tpu.memory_space<vmem>>) semaphore(%run_scoped3A : memref<!tpu.dma_semaphore, #tpu.memory_space<semaphore_mem>>) {add = true}
        %dma_wait3A_187 = arith.constant 0 : i32
        %dma_wait3A_188 = tpu.memref_slice %arg8[%add3A_172, %dma_wait3A_187] : memref<80x128xi32, #tpu.memory_space<vmem>> -> memref<1x128xi32, #tpu.memory_space<vmem>>
        %dma_wait3A_189 = tpu.memref_squeeze %dma_wait3A_188 : memref<1x128xi32, #tpu.memory_space<vmem>> -> memref<128xi32, #tpu.memory_space<vmem>>
        %dma_wait3A_190 = arith.constant 0 : i32
        %dma_wait3A_191 = arith.constant 0 : i32
        %dma_wait3A_192 = tpu.memref_slice %arg11[%dma_wait3A_190, %dma_wait3A_191] : memref<10240x128xf32, #tpu.memory_space<vmem_shared>> -> memref<10240x128xf32, #tpu.memory_space<vmem_shared>>
        tpu.wait_indirect_dma semaphore(%run_scoped3A : memref<!tpu.dma_semaphore, #tpu.memory_space<semaphore_mem>>) src(%arg10 : memref<128x128xf32, #tpu.memory_space<vmem>>) dst(%dma_wait3A_192 : memref<10240x128xf32, #tpu.memory_space<vmem_shared>>)
        tpu.yield
      }) : () -> ()
      %add3A_173 = arith.constant 2 : i32
      %add3A_174 = arith.addi %add3A_165, %add3A_173 : i32
      %mul3A_175 = arith.constant 128 : i32
      %mul3A_176 = arith.muli %add3A_174, %mul3A_175 : i32
      %dma_start3A_177 = tpu.memref_slice %arg7[%mul3A_176] : memref<5376xi32, #tpu.memory_space<vmem>> -> memref<128xi32, #tpu.memory_space<vmem>>
      %dma_start3A_178 = arith.constant 0 : i32
      %dma_start3A_179 = arith.constant 0 : i32
      %dma_start3A_180 = tpu.memref_slice %arg2[%dma_start3A_178, %dma_start3A_179] : memref<40960x128xf32, #tpu.memory_space<hbm>> -> memref<40960x128xf32, #tpu.memory_space<hbm>>
      tpu.enqueue_indirect_dma source(%dma_start3A_180 : memref<40960x128xf32, #tpu.memory_space<hbm>>) target(%arg10 : memref<128x128xf32, #tpu.memory_space<vmem>>) offsets(%dma_start3A_177 : memref<128xi32, #tpu.memory_space<vmem>>) semaphore(%arg13 : memref<!tpu.dma_semaphore, #tpu.memory_space<semaphore_mem>>)
    }
    %scan3A_56 = arith.constant 20 : i32
    %dma_wait3A_57 = arith.constant 0 : i32
    %dma_wait3A_58 = tpu.memref_slice %arg7[%dma_wait3A_57] : memref<5376xi32, #tpu.memory_space<vmem>> -> memref<128xi32, #tpu.memory_space<vmem>>
    %dma_wait3A_59 = arith.constant 0 : i32
    %dma_wait3A_60 = arith.constant 0 : i32
    %dma_wait3A_61 = tpu.memref_slice %arg2[%dma_wait3A_59, %dma_wait3A_60] : memref<40960x128xf32, #tpu.memory_space<hbm>> -> memref<40960x128xf32, #tpu.memory_space<hbm>>
    tpu.wait_indirect_dma semaphore(%arg12 : memref<!tpu.dma_semaphore, #tpu.memory_space<semaphore_mem>>) src(%dma_wait3A_61 : memref<40960x128xf32, #tpu.memory_space<hbm>>) dst(%arg9 : memref<128x128xf32, #tpu.memory_space<vmem>>)
    %dma_wait3A_62 = arith.constant 0 : i32
    %dma_wait3A_63 = tpu.memref_slice %arg7[%dma_wait3A_62] : memref<5376xi32, #tpu.memory_space<vmem>> -> memref<128xi32, #tpu.memory_space<vmem>>
    %dma_wait3A_64 = arith.constant 0 : i32
    %dma_wait3A_65 = arith.constant 0 : i32
    %dma_wait3A_66 = tpu.memref_slice %arg2[%dma_wait3A_64, %dma_wait3A_65] : memref<40960x128xf32, #tpu.memory_space<hbm>> -> memref<40960x128xf32, #tpu.memory_space<hbm>>
    tpu.wait_indirect_dma semaphore(%arg13 : memref<!tpu.dma_semaphore, #tpu.memory_space<semaphore_mem>>) src(%dma_wait3A_66 : memref<40960x128xf32, #tpu.memory_space<hbm>>) dst(%arg10 : memref<128x128xf32, #tpu.memory_space<vmem>>)
    %barrier3A_67 = arith.constant 0 : index
    tpu.barrier barrier_id(%barrier3A_67)
    %mul3A_68 = arith.constant 10240 : i32
    %mul3A_69 = arith.muli %add3A_7, %mul3A_68 : i32
    %add3A_70 = arith.addi %mul3A_69, %mul3A_0 : i32
    "tpu.region"() ({
      %run_scoped3A = tpu.sem_alloc : memref<!tpu.dma_semaphore, #tpu.memory_space<semaphore_mem>>
      %dma_start3A_142 = arith.constant 0 : i32
      %dma_start3A_143 = tpu.memref_slice %arg6[%add3A_70, %dma_start3A_142] : memref<40960x128xf32, #tpu.memory_space<hbm>> -> memref<640x128xf32, #tpu.memory_space<hbm>>
      %dma_start3A_144 = arith.constant 0 : i32
      %dma_start3A_145 = tpu.memref_slice %arg11[%mul3A_0, %dma_start3A_144] : memref<10240x128xf32, #tpu.memory_space<vmem_shared>> -> memref<640x128xf32, #tpu.memory_space<vmem_shared>>
      tpu.enqueue_dma source(%dma_start3A_145 : memref<640x128xf32, #tpu.memory_space<vmem_shared>>) target(%dma_start3A_143 : memref<640x128xf32, #tpu.memory_space<hbm>>) target_semaphore(%run_scoped3A : memref<!tpu.dma_semaphore, #tpu.memory_space<semaphore_mem>>)
      %dma_wait3A_146 = arith.constant 0 : i32
      %dma_wait3A_147 = tpu.memref_slice %arg6[%add3A_70, %dma_wait3A_146] : memref<40960x128xf32, #tpu.memory_space<hbm>> -> memref<640x128xf32, #tpu.memory_space<hbm>>
      %dma_wait3A_148 = arith.constant 0 : i32
      %dma_wait3A_149 = tpu.memref_slice %arg11[%mul3A_0, %dma_wait3A_148] : memref<10240x128xf32, #tpu.memory_space<vmem_shared>> -> memref<640x128xf32, #tpu.memory_space<vmem_shared>>
      tpu.wait_dma2 semaphore(%run_scoped3A : memref<!tpu.dma_semaphore, #tpu.memory_space<semaphore_mem>>) src(%dma_wait3A_149 : memref<640x128xf32, #tpu.memory_space<vmem_shared>>) dst(%dma_wait3A_147 : memref<640x128xf32, #tpu.memory_space<hbm>>)
      tpu.yield
    }) : () -> ()
    %mul3A_71 = arith.constant 2 : i32
    %mul3A_72 = arith.muli %arg0, %mul3A_71 : i32
    %add3A_73 = arith.constant 1 : i32
    %add3A_74 = arith.addi %mul3A_72, %add3A_73 : i32
    "tpu.region"() ({
      %run_scoped3A = tpu.sem_alloc : memref<!tpu.dma_semaphore, #tpu.memory_space<semaphore_mem>>
      %dma_start3A_142 = arith.constant 0 : i32
      %dma_start3A_143 = tpu.memref_slice %arg11[%mul3A_0, %dma_start3A_142] : memref<10240x128xf32, #tpu.memory_space<vmem_shared>> -> memref<640x128xf32, #tpu.memory_space<vmem_shared>>
      %dma_start3A_144 = arith.constant 0 : i32
      %dma_start3A_145 = tpu.memref_slice %arg5[%mul3A_0, %dma_start3A_144] : memref<10240x128xf32, #tpu.memory_space<hbm>> -> memref<640x128xf32, #tpu.memory_space<hbm>>
      tpu.enqueue_dma source(%dma_start3A_145 : memref<640x128xf32, #tpu.memory_space<hbm>>) target(%dma_start3A_143 : memref<640x128xf32, #tpu.memory_space<vmem_shared>>) target_semaphore(%run_scoped3A : memref<!tpu.dma_semaphore, #tpu.memory_space<semaphore_mem>>)
      %dma_wait3A_146 = arith.constant 0 : i32
      %dma_wait3A_147 = tpu.memref_slice %arg11[%mul3A_0, %dma_wait3A_146] : memref<10240x128xf32, #tpu.memory_space<vmem_shared>> -> memref<640x128xf32, #tpu.memory_space<vmem_shared>>
      %dma_wait3A_148 = arith.constant 0 : i32
      %dma_wait3A_149 = tpu.memref_slice %arg5[%mul3A_0, %dma_wait3A_148] : memref<10240x128xf32, #tpu.memory_space<hbm>> -> memref<640x128xf32, #tpu.memory_space<hbm>>
      tpu.wait_dma2 semaphore(%run_scoped3A : memref<!tpu.dma_semaphore, #tpu.memory_space<semaphore_mem>>) src(%dma_wait3A_149 : memref<640x128xf32, #tpu.memory_space<hbm>>) dst(%dma_wait3A_147 : memref<640x128xf32, #tpu.memory_space<vmem_shared>>)
      tpu.yield
    }) : () -> ()
    %barrier3A_75 = arith.constant 0 : index
    tpu.barrier barrier_id(%barrier3A_75)
    %mul3A_76 = arith.constant 163840 : i32
    %mul3A_77 = arith.muli %add3A_74, %mul3A_76 : i32
    %add3A_78 = arith.addi %mul3A_77, %mul3A_2 : i32
    %add3A_79 = arith.constant 0 : i32
    %add3A_80 = arith.addi %add3A_78, %add3A_79 : i32
    "tpu.region"() ({
      %run_scoped3A = tpu.sem_alloc : memref<!tpu.dma_semaphore, #tpu.memory_space<semaphore_mem>>
      %dma_start3A_142 = tpu.memref_slice %arg3[%add3A_80] : memref<655616xi32, #tpu.memory_space<hbm>> -> memref<5376xi32, #tpu.memory_space<hbm>>
      %dma_start3A_143 = tpu.memref_slice %arg3[%add3A_80] : memref<655616xi32, #tpu.memory_space<hbm>> -> memref<5376xi32, #tpu.memory_space<hbm>>
      tpu.enqueue_dma source(%dma_start3A_143 : memref<5376xi32, #tpu.memory_space<hbm>>) target(%arg7 : memref<5376xi32, #tpu.memory_space<vmem>>) target_semaphore(%run_scoped3A : memref<!tpu.dma_semaphore, #tpu.memory_space<semaphore_mem>>)
      %dma_wait3A_144 = tpu.memref_slice %arg3[%add3A_80] : memref<655616xi32, #tpu.memory_space<hbm>> -> memref<5376xi32, #tpu.memory_space<hbm>>
      %dma_wait3A_145 = tpu.memref_slice %arg3[%add3A_80] : memref<655616xi32, #tpu.memory_space<hbm>> -> memref<5376xi32, #tpu.memory_space<hbm>>
      tpu.wait_dma2 semaphore(%run_scoped3A : memref<!tpu.dma_semaphore, #tpu.memory_space<semaphore_mem>>) src(%dma_wait3A_145 : memref<5376xi32, #tpu.memory_space<hbm>>) dst(%arg7 : memref<5376xi32, #tpu.memory_space<vmem>>)
      tpu.yield
    }) : () -> ()
    %dma_start3A_81 = arith.constant 0 : i32
    %dma_start3A_82 = tpu.memref_slice %arg7[%dma_start3A_81] : memref<5376xi32, #tpu.memory_space<vmem>> -> memref<128xi32, #tpu.memory_space<vmem>>
    %dma_start3A_83 = arith.constant 0 : i32
    %dma_start3A_84 = arith.constant 0 : i32
    %dma_start3A_85 = tpu.memref_slice %arg2[%dma_start3A_83, %dma_start3A_84] : memref<40960x128xf32, #tpu.memory_space<hbm>> -> memref<40960x128xf32, #tpu.memory_space<hbm>>
    tpu.enqueue_indirect_dma source(%dma_start3A_85 : memref<40960x128xf32, #tpu.memory_space<hbm>>) target(%arg9 : memref<128x128xf32, #tpu.memory_space<vmem>>) offsets(%dma_start3A_82 : memref<128xi32, #tpu.memory_space<vmem>>) semaphore(%arg12 : memref<!tpu.dma_semaphore, #tpu.memory_space<semaphore_mem>>)
    %dma_start3A_86 = arith.constant 128 : i32
    %dma_start3A_87 = tpu.memref_slice %arg7[%dma_start3A_86] : memref<5376xi32, #tpu.memory_space<vmem>> -> memref<128xi32, #tpu.memory_space<vmem>>
    %dma_start3A_88 = arith.constant 0 : i32
    %dma_start3A_89 = arith.constant 0 : i32
    %dma_start3A_90 = tpu.memref_slice %arg2[%dma_start3A_88, %dma_start3A_89] : memref<40960x128xf32, #tpu.memory_space<hbm>> -> memref<40960x128xf32, #tpu.memory_space<hbm>>
    tpu.enqueue_indirect_dma source(%dma_start3A_90 : memref<40960x128xf32, #tpu.memory_space<hbm>>) target(%arg10 : memref<128x128xf32, #tpu.memory_space<vmem>>) offsets(%dma_start3A_87 : memref<128xi32, #tpu.memory_space<vmem>>) semaphore(%arg13 : memref<!tpu.dma_semaphore, #tpu.memory_space<semaphore_mem>>)
    %scan3A_91 = arith.constant 0 : i32
    %scan3A_92 = arith.constant 0 : i32
    %scan3A_93 = arith.constant 20 : i32
    %scan3A_94 = arith.addi %scan3A_92, %scan3A_93 : i32
    %scan3A_95 = arith.constant 1 : i32
    scf.for %scan3A_142 = %scan3A_92 to %scan3A_94 step %scan3A_95  : i32 {
      %mul3A_143 = arith.constant 2 : i32
      %mul3A_144 = arith.muli %mul3A_143, %scan3A_142 : i32
      %add3A_145 = arith.constant 0 : i32
      %add3A_146 = arith.addi %mul3A_144, %add3A_145 : i32
      %dma_wait3A_147 = arith.constant 0 : i32
      %dma_wait3A_148 = tpu.memref_slice %arg7[%dma_wait3A_147] : memref<5376xi32, #tpu.memory_space<vmem>> -> memref<128xi32, #tpu.memory_space<vmem>>
      %dma_wait3A_149 = arith.constant 0 : i32
      %dma_wait3A_150 = arith.constant 0 : i32
      %dma_wait3A_151 = tpu.memref_slice %arg2[%dma_wait3A_149, %dma_wait3A_150] : memref<40960x128xf32, #tpu.memory_space<hbm>> -> memref<40960x128xf32, #tpu.memory_space<hbm>>
      tpu.wait_indirect_dma semaphore(%arg12 : memref<!tpu.dma_semaphore, #tpu.memory_space<semaphore_mem>>) src(%dma_wait3A_151 : memref<40960x128xf32, #tpu.memory_space<hbm>>) dst(%arg9 : memref<128x128xf32, #tpu.memory_space<vmem>>)
      %add3A_152 = arith.constant 0 : i32
      %add3A_153 = arith.addi %add3A_152, %add3A_146 : i32
      "tpu.region"() ({
        %run_scoped3A = tpu.sem_alloc : memref<!tpu.dma_semaphore, #tpu.memory_space<semaphore_mem>>
        %dma_start3A_181 = arith.constant 0 : i32
        %dma_start3A_182 = tpu.memref_slice %arg8[%add3A_153, %dma_start3A_181] : memref<80x128xi32, #tpu.memory_space<vmem>> -> memref<1x128xi32, #tpu.memory_space<vmem>>
        %dma_start3A_183 = tpu.memref_squeeze %dma_start3A_182 : memref<1x128xi32, #tpu.memory_space<vmem>> -> memref<128xi32, #tpu.memory_space<vmem>>
        %dma_start3A_184 = arith.constant 0 : i32
        %dma_start3A_185 = arith.constant 0 : i32
        %dma_start3A_186 = tpu.memref_slice %arg11[%dma_start3A_184, %dma_start3A_185] : memref<10240x128xf32, #tpu.memory_space<vmem_shared>> -> memref<10240x128xf32, #tpu.memory_space<vmem_shared>>
        tpu.enqueue_indirect_dma source(%arg9 : memref<128x128xf32, #tpu.memory_space<vmem>>) target(%dma_start3A_186 : memref<10240x128xf32, #tpu.memory_space<vmem_shared>>) offsets(%dma_start3A_183 : memref<128xi32, #tpu.memory_space<vmem>>) semaphore(%run_scoped3A : memref<!tpu.dma_semaphore, #tpu.memory_space<semaphore_mem>>) {add = true}
        %dma_wait3A_187 = arith.constant 0 : i32
        %dma_wait3A_188 = tpu.memref_slice %arg8[%add3A_153, %dma_wait3A_187] : memref<80x128xi32, #tpu.memory_space<vmem>> -> memref<1x128xi32, #tpu.memory_space<vmem>>
        %dma_wait3A_189 = tpu.memref_squeeze %dma_wait3A_188 : memref<1x128xi32, #tpu.memory_space<vmem>> -> memref<128xi32, #tpu.memory_space<vmem>>
        %dma_wait3A_190 = arith.constant 0 : i32
        %dma_wait3A_191 = arith.constant 0 : i32
        %dma_wait3A_192 = tpu.memref_slice %arg11[%dma_wait3A_190, %dma_wait3A_191] : memref<10240x128xf32, #tpu.memory_space<vmem_shared>> -> memref<10240x128xf32, #tpu.memory_space<vmem_shared>>
        tpu.wait_indirect_dma semaphore(%run_scoped3A : memref<!tpu.dma_semaphore, #tpu.memory_space<semaphore_mem>>) src(%arg9 : memref<128x128xf32, #tpu.memory_space<vmem>>) dst(%dma_wait3A_192 : memref<10240x128xf32, #tpu.memory_space<vmem_shared>>)
        tpu.yield
      }) : () -> ()
      %add3A_154 = arith.constant 2 : i32
      %add3A_155 = arith.addi %add3A_146, %add3A_154 : i32
      %mul3A_156 = arith.constant 128 : i32
      %mul3A_157 = arith.muli %add3A_155, %mul3A_156 : i32
      %dma_start3A_158 = tpu.memref_slice %arg7[%mul3A_157] : memref<5376xi32, #tpu.memory_space<vmem>> -> memref<128xi32, #tpu.memory_space<vmem>>
      %dma_start3A_159 = arith.constant 0 : i32
      %dma_start3A_160 = arith.constant 0 : i32
      %dma_start3A_161 = tpu.memref_slice %arg2[%dma_start3A_159, %dma_start3A_160] : memref<40960x128xf32, #tpu.memory_space<hbm>> -> memref<40960x128xf32, #tpu.memory_space<hbm>>
      tpu.enqueue_indirect_dma source(%dma_start3A_161 : memref<40960x128xf32, #tpu.memory_space<hbm>>) target(%arg9 : memref<128x128xf32, #tpu.memory_space<vmem>>) offsets(%dma_start3A_158 : memref<128xi32, #tpu.memory_space<vmem>>) semaphore(%arg12 : memref<!tpu.dma_semaphore, #tpu.memory_space<semaphore_mem>>)
      %mul3A_162 = arith.constant 2 : i32
      %mul3A_163 = arith.muli %mul3A_162, %scan3A_142 : i32
      %add3A_164 = arith.constant 1 : i32
      %add3A_165 = arith.addi %mul3A_163, %add3A_164 : i32
      %dma_wait3A_166 = arith.constant 0 : i32
      %dma_wait3A_167 = tpu.memref_slice %arg7[%dma_wait3A_166] : memref<5376xi32, #tpu.memory_space<vmem>> -> memref<128xi32, #tpu.memory_space<vmem>>
      %dma_wait3A_168 = arith.constant 0 : i32
      %dma_wait3A_169 = arith.constant 0 : i32
      %dma_wait3A_170 = tpu.memref_slice %arg2[%dma_wait3A_168, %dma_wait3A_169] : memref<40960x128xf32, #tpu.memory_space<hbm>> -> memref<40960x128xf32, #tpu.memory_space<hbm>>
      tpu.wait_indirect_dma semaphore(%arg13 : memref<!tpu.dma_semaphore, #tpu.memory_space<semaphore_mem>>) src(%dma_wait3A_170 : memref<40960x128xf32, #tpu.memory_space<hbm>>) dst(%arg10 : memref<128x128xf32, #tpu.memory_space<vmem>>)
      %add3A_171 = arith.constant 0 : i32
      %add3A_172 = arith.addi %add3A_171, %add3A_165 : i32
      "tpu.region"() ({
        %run_scoped3A = tpu.sem_alloc : memref<!tpu.dma_semaphore, #tpu.memory_space<semaphore_mem>>
        %dma_start3A_181 = arith.constant 0 : i32
        %dma_start3A_182 = tpu.memref_slice %arg8[%add3A_172, %dma_start3A_181] : memref<80x128xi32, #tpu.memory_space<vmem>> -> memref<1x128xi32, #tpu.memory_space<vmem>>
        %dma_start3A_183 = tpu.memref_squeeze %dma_start3A_182 : memref<1x128xi32, #tpu.memory_space<vmem>> -> memref<128xi32, #tpu.memory_space<vmem>>
        %dma_start3A_184 = arith.constant 0 : i32
        %dma_start3A_185 = arith.constant 0 : i32
        %dma_start3A_186 = tpu.memref_slice %arg11[%dma_start3A_184, %dma_start3A_185] : memref<10240x128xf32, #tpu.memory_space<vmem_shared>> -> memref<10240x128xf32, #tpu.memory_space<vmem_shared>>
        tpu.enqueue_indirect_dma source(%arg10 : memref<128x128xf32, #tpu.memory_space<vmem>>) target(%dma_start3A_186 : memref<10240x128xf32, #tpu.memory_space<vmem_shared>>) offsets(%dma_start3A_183 : memref<128xi32, #tpu.memory_space<vmem>>) semaphore(%run_scoped3A : memref<!tpu.dma_semaphore, #tpu.memory_space<semaphore_mem>>) {add = true}
        %dma_wait3A_187 = arith.constant 0 : i32
        %dma_wait3A_188 = tpu.memref_slice %arg8[%add3A_172, %dma_wait3A_187] : memref<80x128xi32, #tpu.memory_space<vmem>> -> memref<1x128xi32, #tpu.memory_space<vmem>>
        %dma_wait3A_189 = tpu.memref_squeeze %dma_wait3A_188 : memref<1x128xi32, #tpu.memory_space<vmem>> -> memref<128xi32, #tpu.memory_space<vmem>>
        %dma_wait3A_190 = arith.constant 0 : i32
        %dma_wait3A_191 = arith.constant 0 : i32
        %dma_wait3A_192 = tpu.memref_slice %arg11[%dma_wait3A_190, %dma_wait3A_191] : memref<10240x128xf32, #tpu.memory_space<vmem_shared>> -> memref<10240x128xf32, #tpu.memory_space<vmem_shared>>
        tpu.wait_indirect_dma semaphore(%run_scoped3A : memref<!tpu.dma_semaphore, #tpu.memory_space<semaphore_mem>>) src(%arg10 : memref<128x128xf32, #tpu.memory_space<vmem>>) dst(%dma_wait3A_192 : memref<10240x128xf32, #tpu.memory_space<vmem_shared>>)
        tpu.yield
      }) : () -> ()
      %add3A_173 = arith.constant 2 : i32
      %add3A_174 = arith.addi %add3A_165, %add3A_173 : i32
      %mul3A_175 = arith.constant 128 : i32
      %mul3A_176 = arith.muli %add3A_174, %mul3A_175 : i32
      %dma_start3A_177 = tpu.memref_slice %arg7[%mul3A_176] : memref<5376xi32, #tpu.memory_space<vmem>> -> memref<128xi32, #tpu.memory_space<vmem>>
      %dma_start3A_178 = arith.constant 0 : i32
      %dma_start3A_179 = arith.constant 0 : i32
      %dma_start3A_180 = tpu.memref_slice %arg2[%dma_start3A_178, %dma_start3A_179] : memref<40960x128xf32, #tpu.memory_space<hbm>> -> memref<40960x128xf32, #tpu.memory_space<hbm>>
      tpu.enqueue_indirect_dma source(%dma_start3A_180 : memref<40960x128xf32, #tpu.memory_space<hbm>>) target(%arg10 : memref<128x128xf32, #tpu.memory_space<vmem>>) offsets(%dma_start3A_177 : memref<128xi32, #tpu.memory_space<vmem>>) semaphore(%arg13 : memref<!tpu.dma_semaphore, #tpu.memory_space<semaphore_mem>>)
    }
    %scan3A_96 = arith.constant 20 : i32
    %dma_wait3A_97 = arith.constant 0 : i32
    %dma_wait3A_98 = tpu.memref_slice %arg7[%dma_wait3A_97] : memref<5376xi32, #tpu.memory_space<vmem>> -> memref<128xi32, #tpu.memory_space<vmem>>
    %dma_wait3A_99 = arith.constant 0 : i32
    %dma_wait3A_100 = arith.constant 0 : i32
    %dma_wait3A_101 = tpu.memref_slice %arg2[%dma_wait3A_99, %dma_wait3A_100] : memref<40960x128xf32, #tpu.memory_space<hbm>> -> memref<40960x128xf32, #tpu.memory_space<hbm>>
    tpu.wait_indirect_dma semaphore(%arg12 : memref<!tpu.dma_semaphore, #tpu.memory_space<semaphore_mem>>) src(%dma_wait3A_101 : memref<40960x128xf32, #tpu.memory_space<hbm>>) dst(%arg9 : memref<128x128xf32, #tpu.memory_space<vmem>>)
    %dma_wait3A_102 = arith.constant 0 : i32
    %dma_wait3A_103 = tpu.memref_slice %arg7[%dma_wait3A_102] : memref<5376xi32, #tpu.memory_space<vmem>> -> memref<128xi32, #tpu.memory_space<vmem>>
    %dma_wait3A_104 = arith.constant 0 : i32
    %dma_wait3A_105 = arith.constant 0 : i32
    %dma_wait3A_106 = tpu.memref_slice %arg2[%dma_wait3A_104, %dma_wait3A_105] : memref<40960x128xf32, #tpu.memory_space<hbm>> -> memref<40960x128xf32, #tpu.memory_space<hbm>>
    tpu.wait_indirect_dma semaphore(%arg13 : memref<!tpu.dma_semaphore, #tpu.memory_space<semaphore_mem>>) src(%dma_wait3A_106 : memref<40960x128xf32, #tpu.memory_space<hbm>>) dst(%arg10 : memref<128x128xf32, #tpu.memory_space<vmem>>)
    %mul3A_107 = arith.constant 163840 : i32
    %mul3A_108 = arith.muli %add3A_74, %mul3A_107 : i32
    %add3A_109 = arith.addi %mul3A_108, %mul3A_2 : i32
    %add3A_110 = arith.constant 5120 : i32
    %add3A_111 = arith.addi %add3A_109, %add3A_110 : i32
    "tpu.region"() ({
      %run_scoped3A = tpu.sem_alloc : memref<!tpu.dma_semaphore, #tpu.memory_space<semaphore_mem>>
      %dma_start3A_142 = tpu.memref_slice %arg3[%add3A_111] : memref<655616xi32, #tpu.memory_space<hbm>> -> memref<5376xi32, #tpu.memory_space<hbm>>
      %dma_start3A_143 = tpu.memref_slice %arg3[%add3A_111] : memref<655616xi32, #tpu.memory_space<hbm>> -> memref<5376xi32, #tpu.memory_space<hbm>>
      tpu.enqueue_dma source(%dma_start3A_143 : memref<5376xi32, #tpu.memory_space<hbm>>) target(%arg7 : memref<5376xi32, #tpu.memory_space<vmem>>) target_semaphore(%run_scoped3A : memref<!tpu.dma_semaphore, #tpu.memory_space<semaphore_mem>>)
      %dma_wait3A_144 = tpu.memref_slice %arg3[%add3A_111] : memref<655616xi32, #tpu.memory_space<hbm>> -> memref<5376xi32, #tpu.memory_space<hbm>>
      %dma_wait3A_145 = tpu.memref_slice %arg3[%add3A_111] : memref<655616xi32, #tpu.memory_space<hbm>> -> memref<5376xi32, #tpu.memory_space<hbm>>
      tpu.wait_dma2 semaphore(%run_scoped3A : memref<!tpu.dma_semaphore, #tpu.memory_space<semaphore_mem>>) src(%dma_wait3A_145 : memref<5376xi32, #tpu.memory_space<hbm>>) dst(%arg7 : memref<5376xi32, #tpu.memory_space<vmem>>)
      tpu.yield
    }) : () -> ()
    %dma_start3A_112 = arith.constant 0 : i32
    %dma_start3A_113 = tpu.memref_slice %arg7[%dma_start3A_112] : memref<5376xi32, #tpu.memory_space<vmem>> -> memref<128xi32, #tpu.memory_space<vmem>>
    %dma_start3A_114 = arith.constant 0 : i32
    %dma_start3A_115 = arith.constant 0 : i32
    %dma_start3A_116 = tpu.memref_slice %arg2[%dma_start3A_114, %dma_start3A_115] : memref<40960x128xf32, #tpu.memory_space<hbm>> -> memref<40960x128xf32, #tpu.memory_space<hbm>>
    tpu.enqueue_indirect_dma source(%dma_start3A_116 : memref<40960x128xf32, #tpu.memory_space<hbm>>) target(%arg9 : memref<128x128xf32, #tpu.memory_space<vmem>>) offsets(%dma_start3A_113 : memref<128xi32, #tpu.memory_space<vmem>>) semaphore(%arg12 : memref<!tpu.dma_semaphore, #tpu.memory_space<semaphore_mem>>)
    %dma_start3A_117 = arith.constant 128 : i32
    %dma_start3A_118 = tpu.memref_slice %arg7[%dma_start3A_117] : memref<5376xi32, #tpu.memory_space<vmem>> -> memref<128xi32, #tpu.memory_space<vmem>>
    %dma_start3A_119 = arith.constant 0 : i32
    %dma_start3A_120 = arith.constant 0 : i32
    %dma_start3A_121 = tpu.memref_slice %arg2[%dma_start3A_119, %dma_start3A_120] : memref<40960x128xf32, #tpu.memory_space<hbm>> -> memref<40960x128xf32, #tpu.memory_space<hbm>>
    tpu.enqueue_indirect_dma source(%dma_start3A_121 : memref<40960x128xf32, #tpu.memory_space<hbm>>) target(%arg10 : memref<128x128xf32, #tpu.memory_space<vmem>>) offsets(%dma_start3A_118 : memref<128xi32, #tpu.memory_space<vmem>>) semaphore(%arg13 : memref<!tpu.dma_semaphore, #tpu.memory_space<semaphore_mem>>)
    %scan3A_122 = arith.constant 0 : i32
    %scan3A_123 = arith.constant 0 : i32
    %scan3A_124 = arith.constant 20 : i32
    %scan3A_125 = arith.addi %scan3A_123, %scan3A_124 : i32
    %scan3A_126 = arith.constant 1 : i32
    scf.for %scan3A_142 = %scan3A_123 to %scan3A_125 step %scan3A_126  : i32 {
      %mul3A_143 = arith.constant 2 : i32
      %mul3A_144 = arith.muli %mul3A_143, %scan3A_142 : i32
      %add3A_145 = arith.constant 0 : i32
      %add3A_146 = arith.addi %mul3A_144, %add3A_145 : i32
      %dma_wait3A_147 = arith.constant 0 : i32
      %dma_wait3A_148 = tpu.memref_slice %arg7[%dma_wait3A_147] : memref<5376xi32, #tpu.memory_space<vmem>> -> memref<128xi32, #tpu.memory_space<vmem>>
      %dma_wait3A_149 = arith.constant 0 : i32
      %dma_wait3A_150 = arith.constant 0 : i32
      %dma_wait3A_151 = tpu.memref_slice %arg2[%dma_wait3A_149, %dma_wait3A_150] : memref<40960x128xf32, #tpu.memory_space<hbm>> -> memref<40960x128xf32, #tpu.memory_space<hbm>>
      tpu.wait_indirect_dma semaphore(%arg12 : memref<!tpu.dma_semaphore, #tpu.memory_space<semaphore_mem>>) src(%dma_wait3A_151 : memref<40960x128xf32, #tpu.memory_space<hbm>>) dst(%arg9 : memref<128x128xf32, #tpu.memory_space<vmem>>)
      %add3A_152 = arith.constant 40 : i32
      %add3A_153 = arith.addi %add3A_152, %add3A_146 : i32
      "tpu.region"() ({
        %run_scoped3A = tpu.sem_alloc : memref<!tpu.dma_semaphore, #tpu.memory_space<semaphore_mem>>
        %dma_start3A_181 = arith.constant 0 : i32
        %dma_start3A_182 = tpu.memref_slice %arg8[%add3A_153, %dma_start3A_181] : memref<80x128xi32, #tpu.memory_space<vmem>> -> memref<1x128xi32, #tpu.memory_space<vmem>>
        %dma_start3A_183 = tpu.memref_squeeze %dma_start3A_182 : memref<1x128xi32, #tpu.memory_space<vmem>> -> memref<128xi32, #tpu.memory_space<vmem>>
        %dma_start3A_184 = arith.constant 0 : i32
        %dma_start3A_185 = arith.constant 0 : i32
        %dma_start3A_186 = tpu.memref_slice %arg11[%dma_start3A_184, %dma_start3A_185] : memref<10240x128xf32, #tpu.memory_space<vmem_shared>> -> memref<10240x128xf32, #tpu.memory_space<vmem_shared>>
        tpu.enqueue_indirect_dma source(%arg9 : memref<128x128xf32, #tpu.memory_space<vmem>>) target(%dma_start3A_186 : memref<10240x128xf32, #tpu.memory_space<vmem_shared>>) offsets(%dma_start3A_183 : memref<128xi32, #tpu.memory_space<vmem>>) semaphore(%run_scoped3A : memref<!tpu.dma_semaphore, #tpu.memory_space<semaphore_mem>>) {add = true}
        %dma_wait3A_187 = arith.constant 0 : i32
        %dma_wait3A_188 = tpu.memref_slice %arg8[%add3A_153, %dma_wait3A_187] : memref<80x128xi32, #tpu.memory_space<vmem>> -> memref<1x128xi32, #tpu.memory_space<vmem>>
        %dma_wait3A_189 = tpu.memref_squeeze %dma_wait3A_188 : memref<1x128xi32, #tpu.memory_space<vmem>> -> memref<128xi32, #tpu.memory_space<vmem>>
        %dma_wait3A_190 = arith.constant 0 : i32
        %dma_wait3A_191 = arith.constant 0 : i32
        %dma_wait3A_192 = tpu.memref_slice %arg11[%dma_wait3A_190, %dma_wait3A_191] : memref<10240x128xf32, #tpu.memory_space<vmem_shared>> -> memref<10240x128xf32, #tpu.memory_space<vmem_shared>>
        tpu.wait_indirect_dma semaphore(%run_scoped3A : memref<!tpu.dma_semaphore, #tpu.memory_space<semaphore_mem>>) src(%arg9 : memref<128x128xf32, #tpu.memory_space<vmem>>) dst(%dma_wait3A_192 : memref<10240x128xf32, #tpu.memory_space<vmem_shared>>)
        tpu.yield
      }) : () -> ()
      %add3A_154 = arith.constant 2 : i32
      %add3A_155 = arith.addi %add3A_146, %add3A_154 : i32
      %mul3A_156 = arith.constant 128 : i32
      %mul3A_157 = arith.muli %add3A_155, %mul3A_156 : i32
      %dma_start3A_158 = tpu.memref_slice %arg7[%mul3A_157] : memref<5376xi32, #tpu.memory_space<vmem>> -> memref<128xi32, #tpu.memory_space<vmem>>
      %dma_start3A_159 = arith.constant 0 : i32
      %dma_start3A_160 = arith.constant 0 : i32
      %dma_start3A_161 = tpu.memref_slice %arg2[%dma_start3A_159, %dma_start3A_160] : memref<40960x128xf32, #tpu.memory_space<hbm>> -> memref<40960x128xf32, #tpu.memory_space<hbm>>
      tpu.enqueue_indirect_dma source(%dma_start3A_161 : memref<40960x128xf32, #tpu.memory_space<hbm>>) target(%arg9 : memref<128x128xf32, #tpu.memory_space<vmem>>) offsets(%dma_start3A_158 : memref<128xi32, #tpu.memory_space<vmem>>) semaphore(%arg12 : memref<!tpu.dma_semaphore, #tpu.memory_space<semaphore_mem>>)
      %mul3A_162 = arith.constant 2 : i32
      %mul3A_163 = arith.muli %mul3A_162, %scan3A_142 : i32
      %add3A_164 = arith.constant 1 : i32
      %add3A_165 = arith.addi %mul3A_163, %add3A_164 : i32
      %dma_wait3A_166 = arith.constant 0 : i32
      %dma_wait3A_167 = tpu.memref_slice %arg7[%dma_wait3A_166] : memref<5376xi32, #tpu.memory_space<vmem>> -> memref<128xi32, #tpu.memory_space<vmem>>
      %dma_wait3A_168 = arith.constant 0 : i32
      %dma_wait3A_169 = arith.constant 0 : i32
      %dma_wait3A_170 = tpu.memref_slice %arg2[%dma_wait3A_168, %dma_wait3A_169] : memref<40960x128xf32, #tpu.memory_space<hbm>> -> memref<40960x128xf32, #tpu.memory_space<hbm>>
      tpu.wait_indirect_dma semaphore(%arg13 : memref<!tpu.dma_semaphore, #tpu.memory_space<semaphore_mem>>) src(%dma_wait3A_170 : memref<40960x128xf32, #tpu.memory_space<hbm>>) dst(%arg10 : memref<128x128xf32, #tpu.memory_space<vmem>>)
      %add3A_171 = arith.constant 40 : i32
      %add3A_172 = arith.addi %add3A_171, %add3A_165 : i32
      "tpu.region"() ({
        %run_scoped3A = tpu.sem_alloc : memref<!tpu.dma_semaphore, #tpu.memory_space<semaphore_mem>>
        %dma_start3A_181 = arith.constant 0 : i32
        %dma_start3A_182 = tpu.memref_slice %arg8[%add3A_172, %dma_start3A_181] : memref<80x128xi32, #tpu.memory_space<vmem>> -> memref<1x128xi32, #tpu.memory_space<vmem>>
        %dma_start3A_183 = tpu.memref_squeeze %dma_start3A_182 : memref<1x128xi32, #tpu.memory_space<vmem>> -> memref<128xi32, #tpu.memory_space<vmem>>
        %dma_start3A_184 = arith.constant 0 : i32
        %dma_start3A_185 = arith.constant 0 : i32
        %dma_start3A_186 = tpu.memref_slice %arg11[%dma_start3A_184, %dma_start3A_185] : memref<10240x128xf32, #tpu.memory_space<vmem_shared>> -> memref<10240x128xf32, #tpu.memory_space<vmem_shared>>
        tpu.enqueue_indirect_dma source(%arg10 : memref<128x128xf32, #tpu.memory_space<vmem>>) target(%dma_start3A_186 : memref<10240x128xf32, #tpu.memory_space<vmem_shared>>) offsets(%dma_start3A_183 : memref<128xi32, #tpu.memory_space<vmem>>) semaphore(%run_scoped3A : memref<!tpu.dma_semaphore, #tpu.memory_space<semaphore_mem>>) {add = true}
        %dma_wait3A_187 = arith.constant 0 : i32
        %dma_wait3A_188 = tpu.memref_slice %arg8[%add3A_172, %dma_wait3A_187] : memref<80x128xi32, #tpu.memory_space<vmem>> -> memref<1x128xi32, #tpu.memory_space<vmem>>
        %dma_wait3A_189 = tpu.memref_squeeze %dma_wait3A_188 : memref<1x128xi32, #tpu.memory_space<vmem>> -> memref<128xi32, #tpu.memory_space<vmem>>
        %dma_wait3A_190 = arith.constant 0 : i32
        %dma_wait3A_191 = arith.constant 0 : i32
        %dma_wait3A_192 = tpu.memref_slice %arg11[%dma_wait3A_190, %dma_wait3A_191] : memref<10240x128xf32, #tpu.memory_space<vmem_shared>> -> memref<10240x128xf32, #tpu.memory_space<vmem_shared>>
        tpu.wait_indirect_dma semaphore(%run_scoped3A : memref<!tpu.dma_semaphore, #tpu.memory_space<semaphore_mem>>) src(%arg10 : memref<128x128xf32, #tpu.memory_space<vmem>>) dst(%dma_wait3A_192 : memref<10240x128xf32, #tpu.memory_space<vmem_shared>>)
        tpu.yield
      }) : () -> ()
      %add3A_173 = arith.constant 2 : i32
      %add3A_174 = arith.addi %add3A_165, %add3A_173 : i32
      %mul3A_175 = arith.constant 128 : i32
      %mul3A_176 = arith.muli %add3A_174, %mul3A_175 : i32
      %dma_start3A_177 = tpu.memref_slice %arg7[%mul3A_176] : memref<5376xi32, #tpu.memory_space<vmem>> -> memref<128xi32, #tpu.memory_space<vmem>>
      %dma_start3A_178 = arith.constant 0 : i32
      %dma_start3A_179 = arith.constant 0 : i32
      %dma_start3A_180 = tpu.memref_slice %arg2[%dma_start3A_178, %dma_start3A_179] : memref<40960x128xf32, #tpu.memory_space<hbm>> -> memref<40960x128xf32, #tpu.memory_space<hbm>>
      tpu.enqueue_indirect_dma source(%dma_start3A_180 : memref<40960x128xf32, #tpu.memory_space<hbm>>) target(%arg10 : memref<128x128xf32, #tpu.memory_space<vmem>>) offsets(%dma_start3A_177 : memref<128xi32, #tpu.memory_space<vmem>>) semaphore(%arg13 : memref<!tpu.dma_semaphore, #tpu.memory_space<semaphore_mem>>)
    }
    %scan3A_127 = arith.constant 20 : i32
    %dma_wait3A_128 = arith.constant 0 : i32
    %dma_wait3A_129 = tpu.memref_slice %arg7[%dma_wait3A_128] : memref<5376xi32, #tpu.memory_space<vmem>> -> memref<128xi32, #tpu.memory_space<vmem>>
    %dma_wait3A_130 = arith.constant 0 : i32
    %dma_wait3A_131 = arith.constant 0 : i32
    %dma_wait3A_132 = tpu.memref_slice %arg2[%dma_wait3A_130, %dma_wait3A_131] : memref<40960x128xf32, #tpu.memory_space<hbm>> -> memref<40960x128xf32, #tpu.memory_space<hbm>>
    tpu.wait_indirect_dma semaphore(%arg12 : memref<!tpu.dma_semaphore, #tpu.memory_space<semaphore_mem>>) src(%dma_wait3A_132 : memref<40960x128xf32, #tpu.memory_space<hbm>>) dst(%arg9 : memref<128x128xf32, #tpu.memory_space<vmem>>)
    %dma_wait3A_133 = arith.constant 0 : i32
    %dma_wait3A_134 = tpu.memref_slice %arg7[%dma_wait3A_133] : memref<5376xi32, #tpu.memory_space<vmem>> -> memref<128xi32, #tpu.memory_space<vmem>>
    %dma_wait3A_135 = arith.constant 0 : i32
    %dma_wait3A_136 = arith.constant 0 : i32
    %dma_wait3A_137 = tpu.memref_slice %arg2[%dma_wait3A_135, %dma_wait3A_136] : memref<40960x128xf32, #tpu.memory_space<hbm>> -> memref<40960x128xf32, #tpu.memory_space<hbm>>
    tpu.wait_indirect_dma semaphore(%arg13 : memref<!tpu.dma_semaphore, #tpu.memory_space<semaphore_mem>>) src(%dma_wait3A_137 : memref<40960x128xf32, #tpu.memory_space<hbm>>) dst(%arg10 : memref<128x128xf32, #tpu.memory_space<vmem>>)
    %barrier3A_138 = arith.constant 0 : index
    tpu.barrier barrier_id(%barrier3A_138)
    %mul3A_139 = arith.constant 10240 : i32
    %mul3A_140 = arith.muli %add3A_74, %mul3A_139 : i32
    %add3A_141 = arith.addi %mul3A_140, %mul3A_0 : i32
    "tpu.region"() ({
      %run_scoped3A = tpu.sem_alloc : memref<!tpu.dma_semaphore, #tpu.memory_space<semaphore_mem>>
      %dma_start3A_142 = arith.constant 0 : i32
      %dma_start3A_143 = tpu.memref_slice %arg6[%add3A_141, %dma_start3A_142] : memref<40960x128xf32, #tpu.memory_space<hbm>> -> memref<640x128xf32, #tpu.memory_space<hbm>>
      %dma_start3A_144 = arith.constant 0 : i32
      %dma_start3A_145 = tpu.memref_slice %arg11[%mul3A_0, %dma_start3A_144] : memref<10240x128xf32, #tpu.memory_space<vmem_shared>> -> memref<640x128xf32, #tpu.memory_space<vmem_shared>>
      tpu.enqueue_dma source(%dma_start3A_145 : memref<640x128xf32, #tpu.memory_space<vmem_shared>>) target(%dma_start3A_143 : memref<640x128xf32, #tpu.memory_space<hbm>>) target_semaphore(%run_scoped3A : memref<!tpu.dma_semaphore, #tpu.memory_space<semaphore_mem>>)
      %dma_wait3A_146 = arith.constant 0 : i32
      %dma_wait3A_147 = tpu.memref_slice %arg6[%add3A_141, %dma_wait3A_146] : memref<40960x128xf32, #tpu.memory_space<hbm>> -> memref<640x128xf32, #tpu.memory_space<hbm>>
      %dma_wait3A_148 = arith.constant 0 : i32
      %dma_wait3A_149 = tpu.memref_slice %arg11[%mul3A_0, %dma_wait3A_148] : memref<10240x128xf32, #tpu.memory_space<vmem_shared>> -> memref<640x128xf32, #tpu.memory_space<vmem_shared>>
      tpu.wait_dma2 semaphore(%run_scoped3A : memref<!tpu.dma_semaphore, #tpu.memory_space<semaphore_mem>>) src(%dma_wait3A_149 : memref<640x128xf32, #tpu.memory_space<vmem_shared>>) dst(%dma_wait3A_147 : memref<640x128xf32, #tpu.memory_space<hbm>>)
      tpu.yield
    }) : () -> ()
    return
  }
}

#map = affine_map<(d0, d1) -> (0, 0)>
module attributes {stable_mosaic.version = 14 : i64} {
  func.func @body(%arg0: i32, %arg1: i32, %arg2: memref<1280x128xi32, #tpu.memory_space<hbm>>, %arg3: memref<10240x128xf32, #tpu.memory_space<hbm>>, %arg4: memref<128x128xf32, #tpu.memory_space<hbm>>, %arg5: memref<10240x128xf32, #tpu.memory_space<hbm>>, %arg6: memref<80x128xi32, #tpu.memory_space<vmem>>, %arg7: memref<128x128xf32, #tpu.memory_space<vmem>>, %arg8: memref<10240x128xf32, #tpu.memory_space<vmem_shared>>, %arg9: memref<!tpu.dma_semaphore, #tpu.memory_space<semaphore_mem>>, %arg10: memref<!tpu.dma_semaphore, #tpu.memory_space<semaphore_mem>>) attributes {dimension_semantics = [#tpu.dimension_semantics<core_parallel>, #tpu.dimension_semantics<subcore_parallel>], iteration_bounds = array<i64: 2, 16>, scalar_prefetch = 0 : i64, scratch_operands = 5 : i64, tpu.core_type = #tpu.core_type<sc_vector_subcore>, window_params = [{transform_indices = #map}, {transform_indices = #map}, {transform_indices = #map}, {transform_indices = #map}]} {
    %mul3A = arith.constant 640 : i32
    %mul3A_0 = arith.muli %arg1, %mul3A : i32
    "tpu.region"() ({
      %run_scoped3A = tpu.sem_alloc : memref<!tpu.dma_semaphore, #tpu.memory_space<semaphore_mem>>
      tpu.enqueue_dma source(%arg4 : memref<128x128xf32, #tpu.memory_space<hbm>>) target(%arg7 : memref<128x128xf32, #tpu.memory_space<vmem>>) target_semaphore(%run_scoped3A : memref<!tpu.dma_semaphore, #tpu.memory_space<semaphore_mem>>)
      tpu.wait_dma2 semaphore(%run_scoped3A : memref<!tpu.dma_semaphore, #tpu.memory_space<semaphore_mem>>) src(%arg4 : memref<128x128xf32, #tpu.memory_space<hbm>>) dst(%arg7 : memref<128x128xf32, #tpu.memory_space<vmem>>)
      tpu.yield
    }) : () -> ()
    %mul3A_1 = arith.constant 80 : i32
    %mul3A_2 = arith.muli %arg1, %mul3A_1 : i32
    "tpu.region"() ({
      %run_scoped3A = tpu.sem_alloc : memref<!tpu.dma_semaphore, #tpu.memory_space<semaphore_mem>>
      %dma_start3A_35 = arith.constant 0 : i32
      %dma_start3A_36 = tpu.memref_slice %arg2[%mul3A_2, %dma_start3A_35] : memref<1280x128xi32, #tpu.memory_space<hbm>> -> memref<80x128xi32, #tpu.memory_space<hbm>>
      %dma_start3A_37 = arith.constant 0 : i32
      %dma_start3A_38 = tpu.memref_slice %arg2[%mul3A_2, %dma_start3A_37] : memref<1280x128xi32, #tpu.memory_space<hbm>> -> memref<80x128xi32, #tpu.memory_space<hbm>>
      tpu.enqueue_dma source(%dma_start3A_38 : memref<80x128xi32, #tpu.memory_space<hbm>>) target(%arg6 : memref<80x128xi32, #tpu.memory_space<vmem>>) target_semaphore(%run_scoped3A : memref<!tpu.dma_semaphore, #tpu.memory_space<semaphore_mem>>)
      %dma_wait3A_39 = arith.constant 0 : i32
      %dma_wait3A_40 = tpu.memref_slice %arg2[%mul3A_2, %dma_wait3A_39] : memref<1280x128xi32, #tpu.memory_space<hbm>> -> memref<80x128xi32, #tpu.memory_space<hbm>>
      %dma_wait3A_41 = arith.constant 0 : i32
      %dma_wait3A_42 = tpu.memref_slice %arg2[%mul3A_2, %dma_wait3A_41] : memref<1280x128xi32, #tpu.memory_space<hbm>> -> memref<80x128xi32, #tpu.memory_space<hbm>>
      tpu.wait_dma2 semaphore(%run_scoped3A : memref<!tpu.dma_semaphore, #tpu.memory_space<semaphore_mem>>) src(%dma_wait3A_42 : memref<80x128xi32, #tpu.memory_space<hbm>>) dst(%arg6 : memref<80x128xi32, #tpu.memory_space<vmem>>)
      tpu.yield
    }) : () -> ()
    "tpu.region"() ({
      %run_scoped3A = tpu.sem_alloc : memref<!tpu.dma_semaphore, #tpu.memory_space<semaphore_mem>>
      %dma_start3A_35 = arith.constant 0 : i32
      %dma_start3A_36 = tpu.memref_slice %arg8[%mul3A_0, %dma_start3A_35] : memref<10240x128xf32, #tpu.memory_space<vmem_shared>> -> memref<640x128xf32, #tpu.memory_space<vmem_shared>>
      %dma_start3A_37 = arith.constant 0 : i32
      %dma_start3A_38 = tpu.memref_slice %arg3[%mul3A_0, %dma_start3A_37] : memref<10240x128xf32, #tpu.memory_space<hbm>> -> memref<640x128xf32, #tpu.memory_space<hbm>>
      tpu.enqueue_dma source(%dma_start3A_38 : memref<640x128xf32, #tpu.memory_space<hbm>>) target(%dma_start3A_36 : memref<640x128xf32, #tpu.memory_space<vmem_shared>>) target_semaphore(%run_scoped3A : memref<!tpu.dma_semaphore, #tpu.memory_space<semaphore_mem>>)
      %dma_wait3A_39 = arith.constant 0 : i32
      %dma_wait3A_40 = tpu.memref_slice %arg8[%mul3A_0, %dma_wait3A_39] : memref<10240x128xf32, #tpu.memory_space<vmem_shared>> -> memref<640x128xf32, #tpu.memory_space<vmem_shared>>
      %dma_wait3A_41 = arith.constant 0 : i32
      %dma_wait3A_42 = tpu.memref_slice %arg3[%mul3A_0, %dma_wait3A_41] : memref<10240x128xf32, #tpu.memory_space<hbm>> -> memref<640x128xf32, #tpu.memory_space<hbm>>
      tpu.wait_dma2 semaphore(%run_scoped3A : memref<!tpu.dma_semaphore, #tpu.memory_space<semaphore_mem>>) src(%dma_wait3A_42 : memref<640x128xf32, #tpu.memory_space<hbm>>) dst(%dma_wait3A_40 : memref<640x128xf32, #tpu.memory_space<vmem_shared>>)
      tpu.yield
    }) : () -> ()
    %barrier3A = arith.constant 0 : index
    tpu.barrier barrier_id(%barrier3A)
    %dma_start3A = arith.constant 0 : i32
    %dma_start3A_3 = arith.constant 0 : i32
    %dma_start3A_4 = tpu.memref_slice %arg6[%dma_start3A, %dma_start3A_3] : memref<80x128xi32, #tpu.memory_space<vmem>> -> memref<1x128xi32, #tpu.memory_space<vmem>>
    %dma_start3A_5 = tpu.memref_squeeze %dma_start3A_4 : memref<1x128xi32, #tpu.memory_space<vmem>> -> memref<128xi32, #tpu.memory_space<vmem>>
    %dma_start3A_6 = arith.constant 0 : i32
    %dma_start3A_7 = arith.constant 0 : i32
    %dma_start3A_8 = tpu.memref_slice %arg8[%dma_start3A_6, %dma_start3A_7] : memref<10240x128xf32, #tpu.memory_space<vmem_shared>> -> memref<10240x128xf32, #tpu.memory_space<vmem_shared>>
    tpu.enqueue_indirect_dma source(%arg7 : memref<128x128xf32, #tpu.memory_space<vmem>>) target(%dma_start3A_8 : memref<10240x128xf32, #tpu.memory_space<vmem_shared>>) offsets(%dma_start3A_5 : memref<128xi32, #tpu.memory_space<vmem>>) semaphore(%arg9 : memref<!tpu.dma_semaphore, #tpu.memory_space<semaphore_mem>>) {add = true}
    %dma_start3A_9 = arith.constant 1 : i32
    %dma_start3A_10 = arith.constant 0 : i32
    %dma_start3A_11 = tpu.memref_slice %arg6[%dma_start3A_9, %dma_start3A_10] : memref<80x128xi32, #tpu.memory_space<vmem>> -> memref<1x128xi32, #tpu.memory_space<vmem>>
    %dma_start3A_12 = tpu.memref_squeeze %dma_start3A_11 : memref<1x128xi32, #tpu.memory_space<vmem>> -> memref<128xi32, #tpu.memory_space<vmem>>
    %dma_start3A_13 = arith.constant 0 : i32
    %dma_start3A_14 = arith.constant 0 : i32
    %dma_start3A_15 = tpu.memref_slice %arg8[%dma_start3A_13, %dma_start3A_14] : memref<10240x128xf32, #tpu.memory_space<vmem_shared>> -> memref<10240x128xf32, #tpu.memory_space<vmem_shared>>
    tpu.enqueue_indirect_dma source(%arg7 : memref<128x128xf32, #tpu.memory_space<vmem>>) target(%dma_start3A_15 : memref<10240x128xf32, #tpu.memory_space<vmem_shared>>) offsets(%dma_start3A_12 : memref<128xi32, #tpu.memory_space<vmem>>) semaphore(%arg10 : memref<!tpu.dma_semaphore, #tpu.memory_space<semaphore_mem>>) {add = true}
    %scan3A = arith.constant 0 : i32
    %scan3A_16 = arith.constant 0 : i32
    %scan3A_17 = arith.constant 39 : i32
    %scan3A_18 = arith.addi %scan3A_16, %scan3A_17 : i32
    %scan3A_19 = arith.constant 1 : i32
    scf.for %scan3A_35 = %scan3A_16 to %scan3A_18 step %scan3A_19  : i32 {
      %mul3A_36 = arith.constant 2 : i32
      %mul3A_37 = arith.muli %mul3A_36, %scan3A_35 : i32
      %add3A = arith.constant 0 : i32
      %add3A_38 = arith.addi %mul3A_37, %add3A : i32
      %dma_wait3A_39 = arith.constant 0 : i32
      %dma_wait3A_40 = arith.constant 0 : i32
      %dma_wait3A_41 = tpu.memref_slice %arg6[%dma_wait3A_39, %dma_wait3A_40] : memref<80x128xi32, #tpu.memory_space<vmem>> -> memref<1x128xi32, #tpu.memory_space<vmem>>
      %dma_wait3A_42 = tpu.memref_squeeze %dma_wait3A_41 : memref<1x128xi32, #tpu.memory_space<vmem>> -> memref<128xi32, #tpu.memory_space<vmem>>
      %dma_wait3A_43 = arith.constant 0 : i32
      %dma_wait3A_44 = arith.constant 0 : i32
      %dma_wait3A_45 = tpu.memref_slice %arg8[%dma_wait3A_43, %dma_wait3A_44] : memref<10240x128xf32, #tpu.memory_space<vmem_shared>> -> memref<10240x128xf32, #tpu.memory_space<vmem_shared>>
      tpu.wait_indirect_dma semaphore(%arg9 : memref<!tpu.dma_semaphore, #tpu.memory_space<semaphore_mem>>) src(%arg7 : memref<128x128xf32, #tpu.memory_space<vmem>>) dst(%dma_wait3A_45 : memref<10240x128xf32, #tpu.memory_space<vmem_shared>>)
      %add3A_46 = arith.constant 2 : i32
      %add3A_47 = arith.addi %add3A_38, %add3A_46 : i32
      %dma_start3A_48 = arith.constant 0 : i32
      %dma_start3A_49 = tpu.memref_slice %arg6[%add3A_47, %dma_start3A_48] : memref<80x128xi32, #tpu.memory_space<vmem>> -> memref<1x128xi32, #tpu.memory_space<vmem>>
      %dma_start3A_50 = tpu.memref_squeeze %dma_start3A_49 : memref<1x128xi32, #tpu.memory_space<vmem>> -> memref<128xi32, #tpu.memory_space<vmem>>
      %dma_start3A_51 = arith.constant 0 : i32
      %dma_start3A_52 = arith.constant 0 : i32
      %dma_start3A_53 = tpu.memref_slice %arg8[%dma_start3A_51, %dma_start3A_52] : memref<10240x128xf32, #tpu.memory_space<vmem_shared>> -> memref<10240x128xf32, #tpu.memory_space<vmem_shared>>
      tpu.enqueue_indirect_dma source(%arg7 : memref<128x128xf32, #tpu.memory_space<vmem>>) target(%dma_start3A_53 : memref<10240x128xf32, #tpu.memory_space<vmem_shared>>) offsets(%dma_start3A_50 : memref<128xi32, #tpu.memory_space<vmem>>) semaphore(%arg9 : memref<!tpu.dma_semaphore, #tpu.memory_space<semaphore_mem>>) {add = true}
      %mul3A_54 = arith.constant 2 : i32
      %mul3A_55 = arith.muli %mul3A_54, %scan3A_35 : i32
      %add3A_56 = arith.constant 1 : i32
      %add3A_57 = arith.addi %mul3A_55, %add3A_56 : i32
      %dma_wait3A_58 = arith.constant 0 : i32
      %dma_wait3A_59 = arith.constant 0 : i32
      %dma_wait3A_60 = tpu.memref_slice %arg6[%dma_wait3A_58, %dma_wait3A_59] : memref<80x128xi32, #tpu.memory_space<vmem>> -> memref<1x128xi32, #tpu.memory_space<vmem>>
      %dma_wait3A_61 = tpu.memref_squeeze %dma_wait3A_60 : memref<1x128xi32, #tpu.memory_space<vmem>> -> memref<128xi32, #tpu.memory_space<vmem>>
      %dma_wait3A_62 = arith.constant 0 : i32
      %dma_wait3A_63 = arith.constant 0 : i32
      %dma_wait3A_64 = tpu.memref_slice %arg8[%dma_wait3A_62, %dma_wait3A_63] : memref<10240x128xf32, #tpu.memory_space<vmem_shared>> -> memref<10240x128xf32, #tpu.memory_space<vmem_shared>>
      tpu.wait_indirect_dma semaphore(%arg10 : memref<!tpu.dma_semaphore, #tpu.memory_space<semaphore_mem>>) src(%arg7 : memref<128x128xf32, #tpu.memory_space<vmem>>) dst(%dma_wait3A_64 : memref<10240x128xf32, #tpu.memory_space<vmem_shared>>)
      %add3A_65 = arith.constant 2 : i32
      %add3A_66 = arith.addi %add3A_57, %add3A_65 : i32
      %dma_start3A_67 = arith.constant 0 : i32
      %dma_start3A_68 = tpu.memref_slice %arg6[%add3A_66, %dma_start3A_67] : memref<80x128xi32, #tpu.memory_space<vmem>> -> memref<1x128xi32, #tpu.memory_space<vmem>>
      %dma_start3A_69 = tpu.memref_squeeze %dma_start3A_68 : memref<1x128xi32, #tpu.memory_space<vmem>> -> memref<128xi32, #tpu.memory_space<vmem>>
      %dma_start3A_70 = arith.constant 0 : i32
      %dma_start3A_71 = arith.constant 0 : i32
      %dma_start3A_72 = tpu.memref_slice %arg8[%dma_start3A_70, %dma_start3A_71] : memref<10240x128xf32, #tpu.memory_space<vmem_shared>> -> memref<10240x128xf32, #tpu.memory_space<vmem_shared>>
      tpu.enqueue_indirect_dma source(%arg7 : memref<128x128xf32, #tpu.memory_space<vmem>>) target(%dma_start3A_72 : memref<10240x128xf32, #tpu.memory_space<vmem_shared>>) offsets(%dma_start3A_69 : memref<128xi32, #tpu.memory_space<vmem>>) semaphore(%arg10 : memref<!tpu.dma_semaphore, #tpu.memory_space<semaphore_mem>>) {add = true}
    }
    %scan3A_20 = arith.constant 39 : i32
    %dma_wait3A = arith.constant 0 : i32
    %dma_wait3A_21 = arith.constant 0 : i32
    %dma_wait3A_22 = tpu.memref_slice %arg6[%dma_wait3A, %dma_wait3A_21] : memref<80x128xi32, #tpu.memory_space<vmem>> -> memref<1x128xi32, #tpu.memory_space<vmem>>
    %dma_wait3A_23 = tpu.memref_squeeze %dma_wait3A_22 : memref<1x128xi32, #tpu.memory_space<vmem>> -> memref<128xi32, #tpu.memory_space<vmem>>
    %dma_wait3A_24 = arith.constant 0 : i32
    %dma_wait3A_25 = arith.constant 0 : i32
    %dma_wait3A_26 = tpu.memref_slice %arg8[%dma_wait3A_24, %dma_wait3A_25] : memref<10240x128xf32, #tpu.memory_space<vmem_shared>> -> memref<10240x128xf32, #tpu.memory_space<vmem_shared>>
    tpu.wait_indirect_dma semaphore(%arg9 : memref<!tpu.dma_semaphore, #tpu.memory_space<semaphore_mem>>) src(%arg7 : memref<128x128xf32, #tpu.memory_space<vmem>>) dst(%dma_wait3A_26 : memref<10240x128xf32, #tpu.memory_space<vmem_shared>>)
    %dma_wait3A_27 = arith.constant 0 : i32
    %dma_wait3A_28 = arith.constant 0 : i32
    %dma_wait3A_29 = tpu.memref_slice %arg6[%dma_wait3A_27, %dma_wait3A_28] : memref<80x128xi32, #tpu.memory_space<vmem>> -> memref<1x128xi32, #tpu.memory_space<vmem>>
    %dma_wait3A_30 = tpu.memref_squeeze %dma_wait3A_29 : memref<1x128xi32, #tpu.memory_space<vmem>> -> memref<128xi32, #tpu.memory_space<vmem>>
    %dma_wait3A_31 = arith.constant 0 : i32
    %dma_wait3A_32 = arith.constant 0 : i32
    %dma_wait3A_33 = tpu.memref_slice %arg8[%dma_wait3A_31, %dma_wait3A_32] : memref<10240x128xf32, #tpu.memory_space<vmem_shared>> -> memref<10240x128xf32, #tpu.memory_space<vmem_shared>>
    tpu.wait_indirect_dma semaphore(%arg10 : memref<!tpu.dma_semaphore, #tpu.memory_space<semaphore_mem>>) src(%arg7 : memref<128x128xf32, #tpu.memory_space<vmem>>) dst(%dma_wait3A_33 : memref<10240x128xf32, #tpu.memory_space<vmem_shared>>)
    %barrier3A_34 = arith.constant 0 : index
    tpu.barrier barrier_id(%barrier3A_34)
    "tpu.region"() ({
      %run_scoped3A = tpu.sem_alloc : memref<!tpu.dma_semaphore, #tpu.memory_space<semaphore_mem>>
      %dma_start3A_35 = arith.constant 0 : i32
      %dma_start3A_36 = tpu.memref_slice %arg5[%mul3A_0, %dma_start3A_35] : memref<10240x128xf32, #tpu.memory_space<hbm>> -> memref<640x128xf32, #tpu.memory_space<hbm>>
      %dma_start3A_37 = arith.constant 0 : i32
      %dma_start3A_38 = tpu.memref_slice %arg8[%mul3A_0, %dma_start3A_37] : memref<10240x128xf32, #tpu.memory_space<vmem_shared>> -> memref<640x128xf32, #tpu.memory_space<vmem_shared>>
      tpu.enqueue_dma source(%dma_start3A_38 : memref<640x128xf32, #tpu.memory_space<vmem_shared>>) target(%dma_start3A_36 : memref<640x128xf32, #tpu.memory_space<hbm>>) target_semaphore(%run_scoped3A : memref<!tpu.dma_semaphore, #tpu.memory_space<semaphore_mem>>)
      %dma_wait3A_39 = arith.constant 0 : i32
      %dma_wait3A_40 = tpu.memref_slice %arg5[%mul3A_0, %dma_wait3A_39] : memref<10240x128xf32, #tpu.memory_space<hbm>> -> memref<640x128xf32, #tpu.memory_space<hbm>>
      %dma_wait3A_41 = arith.constant 0 : i32
      %dma_wait3A_42 = tpu.memref_slice %arg8[%mul3A_0, %dma_wait3A_41] : memref<10240x128xf32, #tpu.memory_space<vmem_shared>> -> memref<640x128xf32, #tpu.memory_space<vmem_shared>>
      tpu.wait_dma2 semaphore(%run_scoped3A : memref<!tpu.dma_semaphore, #tpu.memory_space<semaphore_mem>>) src(%dma_wait3A_42 : memref<640x128xf32, #tpu.memory_space<vmem_shared>>) dst(%dma_wait3A_40 : memref<640x128xf32, #tpu.memory_space<hbm>>)
      tpu.yield
    }) : () -> ()
    return
  }
}

module attributes {stable_mosaic.version = 14 : i64} {
  func.func @body(%arg0: i32, %arg1: memref<2x1024x128xf32, #tpu.memory_space<vmem>>, %arg2: memref<2x1024x128xf32, #tpu.memory_space<vmem>>, %arg3: memref<1024x128xf32, #tpu.memory_space<vmem>>, %arg4: memref<256x512xf32, #tpu.memory_space<vmem>>, %arg5: memref<256x512xf32, #tpu.memory_space<vmem>>, %arg6: memref<1x512xf32, #tpu.memory_space<vmem>>, %arg7: memref<4x1024x128xf32, #tpu.memory_space<vmem>>) attributes {dimension_semantics = [#tpu.dimension_semantics<arbitrary>], iteration_bounds = array<i64: 10>, scalar_prefetch = 0 : i64, scratch_operands = 0 : i64, tpu.core_type = #tpu.core_type<tc>, window_params = [{transform_indices = @transform_0, window_bounds = array<i64: 2, 1024, 128>}, {transform_indices = @transform_1, window_bounds = array<i64: 2, 1024, 128>}, {transform_indices = @transform_2, window_bounds = array<i64: 1024, 128>}, {pipeline_mode = #tpu.pipeline_mode<synchronous>, transform_indices = @transform_3, window_bounds = array<i64: 256, 512>}, {pipeline_mode = #tpu.pipeline_mode<synchronous>, transform_indices = @transform_4, window_bounds = array<i64: 256, 512>}, {pipeline_mode = #tpu.pipeline_mode<synchronous>, transform_indices = @transform_5, window_bounds = array<i64: 1, 512>}, {transform_indices = @transform_6, window_bounds = array<i64: 4, 1024, 128>}]} {
    %get3A = arith.constant 0 : index
    %get3A_0 = arith.constant 0 : index
    %get3A_1 = vector.load %arg3[%get3A, %get3A_0] : memref<1024x128xf32, #tpu.memory_space<vmem>>, vector<1024x1xf32>
    %max3A = arith.constant 1.000000e+00 : f32
    %max3A_2 = vector.broadcast %max3A : f32 to vector<1024x1xf32>
    %max3A_3 = arith.maximumf %get3A_1, %max3A_2 : vector<1024x1xf32>
    %div3A = arith.constant 1.000000e+00 : f32
    %div3A_4 = vector.broadcast %div3A : f32 to vector<1024x1xf32>
    %div3A_5 = arith.divf %div3A_4, %max3A_3 : vector<1024x1xf32>
    %get3A_6 = arith.constant 0 : index
    %get3A_7 = arith.constant 0 : index
    %get3A_8 = arith.constant 0 : index
    %get3A_9 = vector.load %arg1[%get3A_6, %get3A_7, %get3A_8] : memref<2x1024x128xf32, #tpu.memory_space<vmem>>, vector<1x1024x128xf32>
    %get3A_10 = vector.shape_cast %get3A_9 : vector<1x1024x128xf32> to vector<1024x128xf32>
    %get3A_11 = arith.constant 1 : index
    %get3A_12 = arith.constant 0 : index
    %get3A_13 = arith.constant 0 : index
    %get3A_14 = vector.load %arg1[%get3A_11, %get3A_12, %get3A_13] : memref<2x1024x128xf32, #tpu.memory_space<vmem>>, vector<1x1024x128xf32>
    %get3A_15 = vector.shape_cast %get3A_14 : vector<1x1024x128xf32> to vector<1024x128xf32>
    %concatenate3A = tpu.concatenate %get3A_10, %get3A_15 in 1 : vector<1024x128xf32>, vector<1024x128xf32> -> vector<1024x256xf32>
    %get3A_16 = arith.constant 0 : index
    %get3A_17 = arith.constant 0 : index
    %get3A_18 = arith.constant 0 : index
    %get3A_19 = vector.load %arg2[%get3A_16, %get3A_17, %get3A_18] : memref<2x1024x128xf32, #tpu.memory_space<vmem>>, vector<1x1024x128xf32>
    %get3A_20 = vector.shape_cast %get3A_19 : vector<1x1024x128xf32> to vector<1024x128xf32>
    %get3A_21 = arith.constant 1 : index
    %get3A_22 = arith.constant 0 : index
    %get3A_23 = arith.constant 0 : index
    %get3A_24 = vector.load %arg2[%get3A_21, %get3A_22, %get3A_23] : memref<2x1024x128xf32, #tpu.memory_space<vmem>>, vector<1x1024x128xf32>
    %get3A_25 = vector.shape_cast %get3A_24 : vector<1x1024x128xf32> to vector<1024x128xf32>
    %concatenate3A_26 = tpu.concatenate %get3A_20, %get3A_25 in 1 : vector<1024x128xf32>, vector<1024x128xf32> -> vector<1024x256xf32>
    %mul3A = vector.broadcast %div3A_5 : vector<1024x1xf32> to vector<1024x256xf32>
    %mul3A_27 = arith.mulf %concatenate3A, %mul3A : vector<1024x256xf32>
    %get3A_28 = arith.constant 0 : index
    %get3A_29 = arith.constant 0 : index
    %get3A_30 = vector.load %arg4[%get3A_28, %get3A_29] : memref<256x512xf32, #tpu.memory_space<vmem>>, vector<256x512xf32>
    %dot_general3A = arith.constant dense<0.000000e+00> : vector<1024x512xf32>
    %dot_general3A_31 = tpu.matmul %mul3A_27, %get3A_30, %dot_general3A {dimension_numbers = #tpu.dot_dimension_numbers<[1], [0], [0], [1], [0, 0, 1, 1], [], []>, transpose_lhs_hint = false} : vector<1024x256xf32>, vector<256x512xf32>, vector<1024x512xf32> -> vector<1024x512xf32>
    %get3A_32 = arith.constant 0 : index
    %get3A_33 = arith.constant 0 : index
    %get3A_34 = vector.load %arg5[%get3A_32, %get3A_33] : memref<256x512xf32, #tpu.memory_space<vmem>>, vector<256x512xf32>
    %dot_general3A_35 = arith.constant dense<0.000000e+00> : vector<1024x512xf32>
    %dot_general3A_36 = tpu.matmul %concatenate3A_26, %get3A_34, %dot_general3A_35 {dimension_numbers = #tpu.dot_dimension_numbers<[1], [0], [0], [1], [0, 0, 1, 1], [], []>, transpose_lhs_hint = false} : vector<1024x256xf32>, vector<256x512xf32>, vector<1024x512xf32> -> vector<1024x512xf32>
    %add3A = arith.addf %dot_general3A_31, %dot_general3A_36 : vector<1024x512xf32>
    %get3A_37 = arith.constant 0 : index
    %get3A_38 = arith.constant 0 : index
    %get3A_39 = vector.load %arg6[%get3A_37, %get3A_38] : memref<1x512xf32, #tpu.memory_space<vmem>>, vector<1x512xf32>
    %add3A_40 = vector.broadcast %get3A_39 : vector<1x512xf32> to vector<1024x512xf32>
    %add3A_41 = arith.addf %add3A, %add3A_40 : vector<1024x512xf32>
    %max3A_42 = arith.constant 0.000000e+00 : f32
    %max3A_43 = vector.broadcast %max3A_42 : f32 to vector<1024x512xf32>
    %max3A_44 = arith.maximumf %add3A_41, %max3A_43 : vector<1024x512xf32>
    %slice3A = vector.extract_strided_slice %max3A_44 {offsets = [0, 0], sizes = [1024, 128], strides = [1, 1]} : vector<1024x512xf32> to vector<1024x128xf32>
    %swap3A = arith.constant 0 : index
    %swap3A_45 = arith.constant 0 : index
    %swap3A_46 = arith.constant 0 : index
    %swap3A_47 = vector.load %arg7[%swap3A, %swap3A_45, %swap3A_46] : memref<4x1024x128xf32, #tpu.memory_space<vmem>>, vector<1x1024x128xf32>
    %swap3A_48 = vector.shape_cast %swap3A_47 : vector<1x1024x128xf32> to vector<1024x128xf32>
    %swap3A_49 = vector.shape_cast %slice3A : vector<1024x128xf32> to vector<1x1024x128xf32>
    tpu.vector_store %arg7[%swap3A, %swap3A_45, %swap3A_46], %swap3A_49 {strides = array<i32>} : memref<4x1024x128xf32, #tpu.memory_space<vmem>>, vector<1x1024x128xf32>,
    %slice3A_50 = vector.extract_strided_slice %max3A_44 {offsets = [0, 128], sizes = [1024, 128], strides = [1, 1]} : vector<1024x512xf32> to vector<1024x128xf32>
    %swap3A_51 = arith.constant 1 : index
    %swap3A_52 = arith.constant 0 : index
    %swap3A_53 = arith.constant 0 : index
    %swap3A_54 = vector.load %arg7[%swap3A_51, %swap3A_52, %swap3A_53] : memref<4x1024x128xf32, #tpu.memory_space<vmem>>, vector<1x1024x128xf32>
    %swap3A_55 = vector.shape_cast %swap3A_54 : vector<1x1024x128xf32> to vector<1024x128xf32>
    %swap3A_56 = vector.shape_cast %slice3A_50 : vector<1024x128xf32> to vector<1x1024x128xf32>
    tpu.vector_store %arg7[%swap3A_51, %swap3A_52, %swap3A_53], %swap3A_56 {strides = array<i32>} : memref<4x1024x128xf32, #tpu.memory_space<vmem>>, vector<1x1024x128xf32>,
    %slice3A_57 = vector.extract_strided_slice %max3A_44 {offsets = [0, 256], sizes = [1024, 128], strides = [1, 1]} : vector<1024x512xf32> to vector<1024x128xf32>
    %swap3A_58 = arith.constant 2 : index
    %swap3A_59 = arith.constant 0 : index
    %swap3A_60 = arith.constant 0 : index
    %swap3A_61 = vector.load %arg7[%swap3A_58, %swap3A_59, %swap3A_60] : memref<4x1024x128xf32, #tpu.memory_space<vmem>>, vector<1x1024x128xf32>
    %swap3A_62 = vector.shape_cast %swap3A_61 : vector<1x1024x128xf32> to vector<1024x128xf32>
    %swap3A_63 = vector.shape_cast %slice3A_57 : vector<1024x128xf32> to vector<1x1024x128xf32>
    tpu.vector_store %arg7[%swap3A_58, %swap3A_59, %swap3A_60], %swap3A_63 {strides = array<i32>} : memref<4x1024x128xf32, #tpu.memory_space<vmem>>, vector<1x1024x128xf32>,
    %slice3A_64 = vector.extract_strided_slice %max3A_44 {offsets = [0, 384], sizes = [1024, 128], strides = [1, 1]} : vector<1024x512xf32> to vector<1024x128xf32>
    %swap3A_65 = arith.constant 3 : index
    %swap3A_66 = arith.constant 0 : index
    %swap3A_67 = arith.constant 0 : index
    %swap3A_68 = vector.load %arg7[%swap3A_65, %swap3A_66, %swap3A_67] : memref<4x1024x128xf32, #tpu.memory_space<vmem>>, vector<1x1024x128xf32>
    %swap3A_69 = vector.shape_cast %swap3A_68 : vector<1x1024x128xf32> to vector<1024x128xf32>
    %swap3A_70 = vector.shape_cast %slice3A_64 : vector<1024x128xf32> to vector<1x1024x128xf32>
    tpu.vector_store %arg7[%swap3A_65, %swap3A_66, %swap3A_67], %swap3A_70 {strides = array<i32>} : memref<4x1024x128xf32, #tpu.memory_space<vmem>>, vector<1x1024x128xf32>,
    return
  }
  func.func @transform_0(%arg0: i32) -> (i32, i32, i32) {
    %c0_i32 = arith.constant 0 : i32
    %c0_i32_0 = arith.constant 0 : i32
    %c0_i32_1 = arith.constant 0 : i32
    return %c0_i32, %arg0, %c0_i32_0 : i32, i32, i32
  }
  func.func @transform_1(%arg0: i32) -> (i32, i32, i32) {
    %c0_i32 = arith.constant 0 : i32
    %c0_i32_0 = arith.constant 0 : i32
    %c0_i32_1 = arith.constant 0 : i32
    return %c0_i32, %arg0, %c0_i32_0 : i32, i32, i32
  }
  func.func @transform_2(%arg0: i32) -> (i32, i32) {
    %c0_i32 = arith.constant 0 : i32
    %c0_i32_0 = arith.constant 0 : i32
    return %arg0, %c0_i32 : i32, i32
  }
  func.func @transform_3(%arg0: i32) -> (i32, i32) {
    %c0_i32 = arith.constant 0 : i32
    %c0_i32_0 = arith.constant 0 : i32
    %c0_i32_1 = arith.constant 0 : i32
    return %c0_i32, %c0_i32_0 : i32, i32
  }
  func.func @transform_4(%arg0: i32) -> (i32, i32) {
    %c0_i32 = arith.constant 0 : i32
    %c0_i32_0 = arith.constant 0 : i32
    %c0_i32_1 = arith.constant 0 : i32
    return %c0_i32, %c0_i32_0 : i32, i32
  }
  func.func @transform_5(%arg0: i32) -> (i32, i32) {
    %c0_i32 = arith.constant 0 : i32
    %c0_i32_0 = arith.constant 0 : i32
    %c0_i32_1 = arith.constant 0 : i32
    return %c0_i32, %c0_i32_0 : i32, i32
  }
  func.func @transform_6(%arg0: i32) -> (i32, i32, i32) {
    %c0_i32 = arith.constant 0 : i32
    %c0_i32_0 = arith.constant 0 : i32
    %c0_i32_1 = arith.constant 0 : i32
    return %c0_i32, %arg0, %c0_i32_0 : i32, i32, i32
  }
}

module attributes {stable_mosaic.version = 14 : i64} {
  func.func @body(%arg0: i32, %arg1: memref<4x1024x128xf32, #tpu.memory_space<vmem>>, %arg2: memref<4x1024x128xf32, #tpu.memory_space<vmem>>, %arg3: memref<1024x128xf32, #tpu.memory_space<vmem>>, %arg4: memref<512x512xf32, #tpu.memory_space<vmem>>, %arg5: memref<512x512xf32, #tpu.memory_space<vmem>>, %arg6: memref<1x512xf32, #tpu.memory_space<vmem>>, %arg7: memref<4x1024x128xf32, #tpu.memory_space<vmem>>) attributes {dimension_semantics = [#tpu.dimension_semantics<arbitrary>], iteration_bounds = array<i64: 10>, scalar_prefetch = 0 : i64, scratch_operands = 0 : i64, tpu.core_type = #tpu.core_type<tc>, window_params = [{transform_indices = @transform_0, window_bounds = array<i64: 4, 1024, 128>}, {transform_indices = @transform_1, window_bounds = array<i64: 4, 1024, 128>}, {transform_indices = @transform_2, window_bounds = array<i64: 1024, 128>}, {pipeline_mode = #tpu.pipeline_mode<synchronous>, transform_indices = @transform_3, window_bounds = array<i64: 512, 512>}, {pipeline_mode = #tpu.pipeline_mode<synchronous>, transform_indices = @transform_4, window_bounds = array<i64: 512, 512>}, {pipeline_mode = #tpu.pipeline_mode<synchronous>, transform_indices = @transform_5, window_bounds = array<i64: 1, 512>}, {transform_indices = @transform_6, window_bounds = array<i64: 4, 1024, 128>}]} {
    %get3A = arith.constant 0 : index
    %get3A_0 = arith.constant 0 : index
    %get3A_1 = vector.load %arg3[%get3A, %get3A_0] : memref<1024x128xf32, #tpu.memory_space<vmem>>, vector<1024x1xf32>
    %max3A = arith.constant 1.000000e+00 : f32
    %max3A_2 = vector.broadcast %max3A : f32 to vector<1024x1xf32>
    %max3A_3 = arith.maximumf %get3A_1, %max3A_2 : vector<1024x1xf32>
    %div3A = arith.constant 1.000000e+00 : f32
    %div3A_4 = vector.broadcast %div3A : f32 to vector<1024x1xf32>
    %div3A_5 = arith.divf %div3A_4, %max3A_3 : vector<1024x1xf32>
    %get3A_6 = arith.constant 0 : index
    %get3A_7 = arith.constant 0 : index
    %get3A_8 = arith.constant 0 : index
    %get3A_9 = vector.load %arg1[%get3A_6, %get3A_7, %get3A_8] : memref<4x1024x128xf32, #tpu.memory_space<vmem>>, vector<1x1024x128xf32>
    %get3A_10 = vector.shape_cast %get3A_9 : vector<1x1024x128xf32> to vector<1024x128xf32>
    %get3A_11 = arith.constant 1 : index
    %get3A_12 = arith.constant 0 : index
    %get3A_13 = arith.constant 0 : index
    %get3A_14 = vector.load %arg1[%get3A_11, %get3A_12, %get3A_13] : memref<4x1024x128xf32, #tpu.memory_space<vmem>>, vector<1x1024x128xf32>
    %get3A_15 = vector.shape_cast %get3A_14 : vector<1x1024x128xf32> to vector<1024x128xf32>
    %get3A_16 = arith.constant 2 : index
    %get3A_17 = arith.constant 0 : index
    %get3A_18 = arith.constant 0 : index
    %get3A_19 = vector.load %arg1[%get3A_16, %get3A_17, %get3A_18] : memref<4x1024x128xf32, #tpu.memory_space<vmem>>, vector<1x1024x128xf32>
    %get3A_20 = vector.shape_cast %get3A_19 : vector<1x1024x128xf32> to vector<1024x128xf32>
    %get3A_21 = arith.constant 3 : index
    %get3A_22 = arith.constant 0 : index
    %get3A_23 = arith.constant 0 : index
    %get3A_24 = vector.load %arg1[%get3A_21, %get3A_22, %get3A_23] : memref<4x1024x128xf32, #tpu.memory_space<vmem>>, vector<1x1024x128xf32>
    %get3A_25 = vector.shape_cast %get3A_24 : vector<1x1024x128xf32> to vector<1024x128xf32>
    %concatenate3A = tpu.concatenate %get3A_10, %get3A_15, %get3A_20, %get3A_25 in 1 : vector<1024x128xf32>, vector<1024x128xf32>, vector<1024x128xf32>, vector<1024x128xf32> -> vector<1024x512xf32>
    %get3A_26 = arith.constant 0 : index
    %get3A_27 = arith.constant 0 : index
    %get3A_28 = arith.constant 0 : index
    %get3A_29 = vector.load %arg2[%get3A_26, %get3A_27, %get3A_28] : memref<4x1024x128xf32, #tpu.memory_space<vmem>>, vector<1x1024x128xf32>
    %get3A_30 = vector.shape_cast %get3A_29 : vector<1x1024x128xf32> to vector<1024x128xf32>
    %get3A_31 = arith.constant 1 : index
    %get3A_32 = arith.constant 0 : index
    %get3A_33 = arith.constant 0 : index
    %get3A_34 = vector.load %arg2[%get3A_31, %get3A_32, %get3A_33] : memref<4x1024x128xf32, #tpu.memory_space<vmem>>, vector<1x1024x128xf32>
    %get3A_35 = vector.shape_cast %get3A_34 : vector<1x1024x128xf32> to vector<1024x128xf32>
    %get3A_36 = arith.constant 2 : index
    %get3A_37 = arith.constant 0 : index
    %get3A_38 = arith.constant 0 : index
    %get3A_39 = vector.load %arg2[%get3A_36, %get3A_37, %get3A_38] : memref<4x1024x128xf32, #tpu.memory_space<vmem>>, vector<1x1024x128xf32>
    %get3A_40 = vector.shape_cast %get3A_39 : vector<1x1024x128xf32> to vector<1024x128xf32>
    %get3A_41 = arith.constant 3 : index
    %get3A_42 = arith.constant 0 : index
    %get3A_43 = arith.constant 0 : index
    %get3A_44 = vector.load %arg2[%get3A_41, %get3A_42, %get3A_43] : memref<4x1024x128xf32, #tpu.memory_space<vmem>>, vector<1x1024x128xf32>
    %get3A_45 = vector.shape_cast %get3A_44 : vector<1x1024x128xf32> to vector<1024x128xf32>
    %concatenate3A_46 = tpu.concatenate %get3A_30, %get3A_35, %get3A_40, %get3A_45 in 1 : vector<1024x128xf32>, vector<1024x128xf32>, vector<1024x128xf32>, vector<1024x128xf32> -> vector<1024x512xf32>
    %mul3A = vector.broadcast %div3A_5 : vector<1024x1xf32> to vector<1024x512xf32>
    %mul3A_47 = arith.mulf %concatenate3A, %mul3A : vector<1024x512xf32>
    %get3A_48 = arith.constant 0 : index
    %get3A_49 = arith.constant 0 : index
    %get3A_50 = vector.load %arg4[%get3A_48, %get3A_49] : memref<512x512xf32, #tpu.memory_space<vmem>>, vector<512x512xf32>
    %dot_general3A = arith.constant dense<0.000000e+00> : vector<1024x512xf32>
    %dot_general3A_51 = tpu.matmul %mul3A_47, %get3A_50, %dot_general3A {dimension_numbers = #tpu.dot_dimension_numbers<[1], [0], [0], [1], [0, 0, 1, 1], [], []>, transpose_lhs_hint = false} : vector<1024x512xf32>, vector<512x512xf32>, vector<1024x512xf32> -> vector<1024x512xf32>
    %get3A_52 = arith.constant 0 : index
    %get3A_53 = arith.constant 0 : index
    %get3A_54 = vector.load %arg5[%get3A_52, %get3A_53] : memref<512x512xf32, #tpu.memory_space<vmem>>, vector<512x512xf32>
    %dot_general3A_55 = arith.constant dense<0.000000e+00> : vector<1024x512xf32>
    %dot_general3A_56 = tpu.matmul %concatenate3A_46, %get3A_54, %dot_general3A_55 {dimension_numbers = #tpu.dot_dimension_numbers<[1], [0], [0], [1], [0, 0, 1, 1], [], []>, transpose_lhs_hint = false} : vector<1024x512xf32>, vector<512x512xf32>, vector<1024x512xf32> -> vector<1024x512xf32>
    %add3A = arith.addf %dot_general3A_51, %dot_general3A_56 : vector<1024x512xf32>
    %get3A_57 = arith.constant 0 : index
    %get3A_58 = arith.constant 0 : index
    %get3A_59 = vector.load %arg6[%get3A_57, %get3A_58] : memref<1x512xf32, #tpu.memory_space<vmem>>, vector<1x512xf32>
    %add3A_60 = vector.broadcast %get3A_59 : vector<1x512xf32> to vector<1024x512xf32>
    %add3A_61 = arith.addf %add3A, %add3A_60 : vector<1024x512xf32>
    %max3A_62 = arith.constant 0.000000e+00 : f32
    %max3A_63 = vector.broadcast %max3A_62 : f32 to vector<1024x512xf32>
    %max3A_64 = arith.maximumf %add3A_61, %max3A_63 : vector<1024x512xf32>
    %add3A_65 = arith.addf %max3A_64, %concatenate3A_46 : vector<1024x512xf32>
    %slice3A = vector.extract_strided_slice %add3A_65 {offsets = [0, 0], sizes = [1024, 128], strides = [1, 1]} : vector<1024x512xf32> to vector<1024x128xf32>
    %swap3A = arith.constant 0 : index
    %swap3A_66 = arith.constant 0 : index
    %swap3A_67 = arith.constant 0 : index
    %swap3A_68 = vector.load %arg7[%swap3A, %swap3A_66, %swap3A_67] : memref<4x1024x128xf32, #tpu.memory_space<vmem>>, vector<1x1024x128xf32>
    %swap3A_69 = vector.shape_cast %swap3A_68 : vector<1x1024x128xf32> to vector<1024x128xf32>
    %swap3A_70 = vector.shape_cast %slice3A : vector<1024x128xf32> to vector<1x1024x128xf32>
    tpu.vector_store %arg7[%swap3A, %swap3A_66, %swap3A_67], %swap3A_70 {strides = array<i32>} : memref<4x1024x128xf32, #tpu.memory_space<vmem>>, vector<1x1024x128xf32>,
    %slice3A_71 = vector.extract_strided_slice %add3A_65 {offsets = [0, 128], sizes = [1024, 128], strides = [1, 1]} : vector<1024x512xf32> to vector<1024x128xf32>
    %swap3A_72 = arith.constant 1 : index
    %swap3A_73 = arith.constant 0 : index
    %swap3A_74 = arith.constant 0 : index
    %swap3A_75 = vector.load %arg7[%swap3A_72, %swap3A_73, %swap3A_74] : memref<4x1024x128xf32, #tpu.memory_space<vmem>>, vector<1x1024x128xf32>
    %swap3A_76 = vector.shape_cast %swap3A_75 : vector<1x1024x128xf32> to vector<1024x128xf32>
    %swap3A_77 = vector.shape_cast %slice3A_71 : vector<1024x128xf32> to vector<1x1024x128xf32>
    tpu.vector_store %arg7[%swap3A_72, %swap3A_73, %swap3A_74], %swap3A_77 {strides = array<i32>} : memref<4x1024x128xf32, #tpu.memory_space<vmem>>, vector<1x1024x128xf32>,
    %slice3A_78 = vector.extract_strided_slice %add3A_65 {offsets = [0, 256], sizes = [1024, 128], strides = [1, 1]} : vector<1024x512xf32> to vector<1024x128xf32>
    %swap3A_79 = arith.constant 2 : index
    %swap3A_80 = arith.constant 0 : index
    %swap3A_81 = arith.constant 0 : index
    %swap3A_82 = vector.load %arg7[%swap3A_79, %swap3A_80, %swap3A_81] : memref<4x1024x128xf32, #tpu.memory_space<vmem>>, vector<1x1024x128xf32>
    %swap3A_83 = vector.shape_cast %swap3A_82 : vector<1x1024x128xf32> to vector<1024x128xf32>
    %swap3A_84 = vector.shape_cast %slice3A_78 : vector<1024x128xf32> to vector<1x1024x128xf32>
    tpu.vector_store %arg7[%swap3A_79, %swap3A_80, %swap3A_81], %swap3A_84 {strides = array<i32>} : memref<4x1024x128xf32, #tpu.memory_space<vmem>>, vector<1x1024x128xf32>,
    %slice3A_85 = vector.extract_strided_slice %add3A_65 {offsets = [0, 384], sizes = [1024, 128], strides = [1, 1]} : vector<1024x512xf32> to vector<1024x128xf32>
    %swap3A_86 = arith.constant 3 : index
    %swap3A_87 = arith.constant 0 : index
    %swap3A_88 = arith.constant 0 : index
    %swap3A_89 = vector.load %arg7[%swap3A_86, %swap3A_87, %swap3A_88] : memref<4x1024x128xf32, #tpu.memory_space<vmem>>, vector<1x1024x128xf32>
    %swap3A_90 = vector.shape_cast %swap3A_89 : vector<1x1024x128xf32> to vector<1024x128xf32>
    %swap3A_91 = vector.shape_cast %slice3A_85 : vector<1024x128xf32> to vector<1x1024x128xf32>
    tpu.vector_store %arg7[%swap3A_86, %swap3A_87, %swap3A_88], %swap3A_91 {strides = array<i32>} : memref<4x1024x128xf32, #tpu.memory_space<vmem>>, vector<1x1024x128xf32>,
    return
  }
  func.func @transform_0(%arg0: i32) -> (i32, i32, i32) {
    %c0_i32 = arith.constant 0 : i32
    %c0_i32_0 = arith.constant 0 : i32
    %c0_i32_1 = arith.constant 0 : i32
    return %c0_i32, %arg0, %c0_i32_0 : i32, i32, i32
  }
  func.func @transform_1(%arg0: i32) -> (i32, i32, i32) {
    %c0_i32 = arith.constant 0 : i32
    %c0_i32_0 = arith.constant 0 : i32
    %c0_i32_1 = arith.constant 0 : i32
    return %c0_i32, %arg0, %c0_i32_0 : i32, i32, i32
  }
  func.func @transform_2(%arg0: i32) -> (i32, i32) {
    %c0_i32 = arith.constant 0 : i32
    %c0_i32_0 = arith.constant 0 : i32
    return %arg0, %c0_i32 : i32, i32
  }
  func.func @transform_3(%arg0: i32) -> (i32, i32) {
    %c0_i32 = arith.constant 0 : i32
    %c0_i32_0 = arith.constant 0 : i32
    %c0_i32_1 = arith.constant 0 : i32
    return %c0_i32, %c0_i32_0 : i32, i32
  }
  func.func @transform_4(%arg0: i32) -> (i32, i32) {
    %c0_i32 = arith.constant 0 : i32
    %c0_i32_0 = arith.constant 0 : i32
    %c0_i32_1 = arith.constant 0 : i32
    return %c0_i32, %c0_i32_0 : i32, i32
  }
  func.func @transform_5(%arg0: i32) -> (i32, i32) {
    %c0_i32 = arith.constant 0 : i32
    %c0_i32_0 = arith.constant 0 : i32
    %c0_i32_1 = arith.constant 0 : i32
    return %c0_i32, %c0_i32_0 : i32, i32
  }
  func.func @transform_6(%arg0: i32) -> (i32, i32, i32) {
    %c0_i32 = arith.constant 0 : i32
    %c0_i32_0 = arith.constant 0 : i32
    %c0_i32_1 = arith.constant 0 : i32
    return %c0_i32, %arg0, %c0_i32_0 : i32, i32, i32
  }
}

module attributes {stable_mosaic.version = 14 : i64} {
  func.func @body(%arg0: memref<4x10240x128xf32, #tpu.memory_space<vmem>>, %arg1: memref<4x128x256xf32, #tpu.memory_space<vmem>>, %arg2: memref<1x256xf32, #tpu.memory_space<vmem>>, %arg3: memref<256x128xf32, #tpu.memory_space<vmem>>, %arg4: memref<1x128xf32, #tpu.memory_space<vmem>>, %arg5: memref<128x1xf32, #tpu.memory_space<vmem>>, %arg6: memref<1x1xf32, #tpu.memory_space<vmem>>, %arg7: memref<1x1xf32, #tpu.memory_space<vmem>>) attributes {dimension_semantics = [], scalar_prefetch = 0 : i64, scratch_operands = 0 : i64, tpu.core_type = #tpu.core_type<tc>} {
    %get3A = arith.constant 0 : index
    %get3A_0 = arith.constant 0 : index
    %get3A_1 = arith.constant 0 : index
    %get3A_2 = vector.load %arg0[%get3A, %get3A_0, %get3A_1] : memref<4x10240x128xf32, #tpu.memory_space<vmem>>, vector<4x10000x128xf32>
    %reduce_sum3A = arith.constant dense<0.000000e+00> : vector<4x128xf32>
    %reduce_sum3A_3 = vector.multi_reduction <add>, %get3A_2, %reduce_sum3A [1] : vector<4x10000x128xf32> to vector<4x128xf32>
    %mul3A = arith.constant 9.99999974E-5 : f32
    %mul3A_4 = vector.broadcast %mul3A : f32 to vector<4x128xf32>
    %mul3A_5 = arith.mulf %reduce_sum3A_3, %mul3A_4 : vector<4x128xf32>
    %broadcast_in_dim3A = arith.constant 0.000000e+00 : f32
    %broadcast_in_dim3A_6 = vector.broadcast %broadcast_in_dim3A : f32 to vector<1x256xf32>
    %slice3A = vector.extract_strided_slice %mul3A_5 {offsets = [0, 0], sizes = [1, 128], strides = [1, 1]} : vector<4x128xf32> to vector<1x128xf32>
    %get3A_7 = arith.constant 0 : index
    %get3A_8 = arith.constant 0 : index
    %get3A_9 = arith.constant 0 : index
    %get3A_10 = vector.load %arg1[%get3A_7, %get3A_8, %get3A_9] : memref<4x128x256xf32, #tpu.memory_space<vmem>>, vector<1x128x256xf32>
    %get3A_11 = vector.shape_cast %get3A_10 : vector<1x128x256xf32> to vector<128x256xf32>
    %dot_general3A = arith.constant dense<0.000000e+00> : vector<1x256xf32>
    %dot_general3A_12 = tpu.matmul %slice3A, %get3A_11, %dot_general3A {dimension_numbers = #tpu.dot_dimension_numbers<[1], [0], [0], [1], [0, 0, 1, 1], [], []>, transpose_lhs_hint = false} : vector<1x128xf32>, vector<128x256xf32>, vector<1x256xf32> -> vector<1x256xf32>
    %add3A = arith.addf %broadcast_in_dim3A_6, %dot_general3A_12 : vector<1x256xf32>
    %slice3A_13 = vector.extract_strided_slice %mul3A_5 {offsets = [1, 0], sizes = [1, 128], strides = [1, 1]} : vector<4x128xf32> to vector<1x128xf32>
    %get3A_14 = arith.constant 1 : index
    %get3A_15 = arith.constant 0 : index
    %get3A_16 = arith.constant 0 : index
    %get3A_17 = vector.load %arg1[%get3A_14, %get3A_15, %get3A_16] : memref<4x128x256xf32, #tpu.memory_space<vmem>>, vector<1x128x256xf32>
    %get3A_18 = vector.shape_cast %get3A_17 : vector<1x128x256xf32> to vector<128x256xf32>
    %dot_general3A_19 = arith.constant dense<0.000000e+00> : vector<1x256xf32>
    %dot_general3A_20 = tpu.matmul %slice3A_13, %get3A_18, %dot_general3A_19 {dimension_numbers = #tpu.dot_dimension_numbers<[1], [0], [0], [1], [0, 0, 1, 1], [], []>, transpose_lhs_hint = false} : vector<1x128xf32>, vector<128x256xf32>, vector<1x256xf32> -> vector<1x256xf32>
    %add3A_21 = arith.addf %add3A, %dot_general3A_20 : vector<1x256xf32>
    %slice3A_22 = vector.extract_strided_slice %mul3A_5 {offsets = [2, 0], sizes = [1, 128], strides = [1, 1]} : vector<4x128xf32> to vector<1x128xf32>
    %get3A_23 = arith.constant 2 : index
    %get3A_24 = arith.constant 0 : index
    %get3A_25 = arith.constant 0 : index
    %get3A_26 = vector.load %arg1[%get3A_23, %get3A_24, %get3A_25] : memref<4x128x256xf32, #tpu.memory_space<vmem>>, vector<1x128x256xf32>
    %get3A_27 = vector.shape_cast %get3A_26 : vector<1x128x256xf32> to vector<128x256xf32>
    %dot_general3A_28 = arith.constant dense<0.000000e+00> : vector<1x256xf32>
    %dot_general3A_29 = tpu.matmul %slice3A_22, %get3A_27, %dot_general3A_28 {dimension_numbers = #tpu.dot_dimension_numbers<[1], [0], [0], [1], [0, 0, 1, 1], [], []>, transpose_lhs_hint = false} : vector<1x128xf32>, vector<128x256xf32>, vector<1x256xf32> -> vector<1x256xf32>
    %add3A_30 = arith.addf %add3A_21, %dot_general3A_29 : vector<1x256xf32>
    %slice3A_31 = vector.extract_strided_slice %mul3A_5 {offsets = [3, 0], sizes = [1, 128], strides = [1, 1]} : vector<4x128xf32> to vector<1x128xf32>
    %get3A_32 = arith.constant 3 : index
    %get3A_33 = arith.constant 0 : index
    %get3A_34 = arith.constant 0 : index
    %get3A_35 = vector.load %arg1[%get3A_32, %get3A_33, %get3A_34] : memref<4x128x256xf32, #tpu.memory_space<vmem>>, vector<1x128x256xf32>
    %get3A_36 = vector.shape_cast %get3A_35 : vector<1x128x256xf32> to vector<128x256xf32>
    %dot_general3A_37 = arith.constant dense<0.000000e+00> : vector<1x256xf32>
    %dot_general3A_38 = tpu.matmul %slice3A_31, %get3A_36, %dot_general3A_37 {dimension_numbers = #tpu.dot_dimension_numbers<[1], [0], [0], [1], [0, 0, 1, 1], [], []>, transpose_lhs_hint = false} : vector<1x128xf32>, vector<128x256xf32>, vector<1x256xf32> -> vector<1x256xf32>
    %add3A_39 = arith.addf %add3A_30, %dot_general3A_38 : vector<1x256xf32>
    %get3A_40 = arith.constant 0 : index
    %get3A_41 = arith.constant 0 : index
    %get3A_42 = vector.load %arg2[%get3A_40, %get3A_41] : memref<1x256xf32, #tpu.memory_space<vmem>>, vector<1x256xf32>
    %add3A_43 = arith.addf %add3A_39, %get3A_42 : vector<1x256xf32>
    %max3A = arith.constant 0.000000e+00 : f32
    %max3A_44 = vector.broadcast %max3A : f32 to vector<1x256xf32>
    %max3A_45 = arith.maximumf %add3A_43, %max3A_44 : vector<1x256xf32>
    %get3A_46 = arith.constant 0 : index
    %get3A_47 = arith.constant 0 : index
    %get3A_48 = vector.load %arg3[%get3A_46, %get3A_47] : memref<256x128xf32, #tpu.memory_space<vmem>>, vector<256x128xf32>
    %dot_general3A_49 = arith.constant dense<0.000000e+00> : vector<1x128xf32>
    %dot_general3A_50 = tpu.matmul %max3A_45, %get3A_48, %dot_general3A_49 {dimension_numbers = #tpu.dot_dimension_numbers<[1], [0], [0], [1], [0, 0, 1, 1], [], []>, transpose_lhs_hint = false} : vector<1x256xf32>, vector<256x128xf32>, vector<1x128xf32> -> vector<1x128xf32>
    %get3A_51 = arith.constant 0 : index
    %get3A_52 = arith.constant 0 : index
    %get3A_53 = vector.load %arg4[%get3A_51, %get3A_52] : memref<1x128xf32, #tpu.memory_space<vmem>>, vector<1x128xf32>
    %add3A_54 = arith.addf %dot_general3A_50, %get3A_53 : vector<1x128xf32>
    %max3A_55 = arith.constant 0.000000e+00 : f32
    %max3A_56 = vector.broadcast %max3A_55 : f32 to vector<1x128xf32>
    %max3A_57 = arith.maximumf %add3A_54, %max3A_56 : vector<1x128xf32>
    %get3A_58 = arith.constant 0 : index
    %get3A_59 = arith.constant 0 : index
    %get3A_60 = vector.load %arg5[%get3A_58, %get3A_59] : memref<128x1xf32, #tpu.memory_space<vmem>>, vector<128x1xf32>
    %dot_general3A_61 = arith.constant dense<0.000000e+00> : vector<1x1xf32>
    %dot_general3A_62 = tpu.matmul %max3A_57, %get3A_60, %dot_general3A_61 {dimension_numbers = #tpu.dot_dimension_numbers<[1], [0], [0], [1], [0, 0, 1, 1], [], []>, transpose_lhs_hint = false} : vector<1x128xf32>, vector<128x1xf32>, vector<1x1xf32> -> vector<1x1xf32>
    %get3A_63 = arith.constant 0 : index
    %get3A_64 = arith.constant 0 : index
    %get3A_65 = vector.load %arg6[%get3A_63, %get3A_64] : memref<1x1xf32, #tpu.memory_space<vmem>>, vector<1x1xf32>
    %add3A_66 = arith.addf %dot_general3A_62, %get3A_65 : vector<1x1xf32>
    %neg3A = arith.constant 0.000000e+00 : f32
    %neg3A_67 = vector.broadcast %neg3A : f32 to vector<1x1xf32>
    %neg3A_68 = arith.subf %neg3A_67, %add3A_66 : vector<1x1xf32>
    %exp3A = math.exp %neg3A_68 : vector<1x1xf32>
    %add3A_69 = arith.constant 1.000000e+00 : f32
    %add3A_70 = vector.broadcast %add3A_69 : f32 to vector<1x1xf32>
    %add3A_71 = arith.addf %add3A_70, %exp3A : vector<1x1xf32>
    %div3A = arith.constant 1.000000e+00 : f32
    %div3A_72 = vector.broadcast %div3A : f32 to vector<1x1xf32>
    %div3A_73 = arith.divf %div3A_72, %add3A_71 : vector<1x1xf32>
    %swap3A = arith.constant 0 : index
    %swap3A_74 = arith.constant 0 : index
    %swap3A_75 = vector.load %arg7[%swap3A, %swap3A_74] : memref<1x1xf32, #tpu.memory_space<vmem>>, vector<1x1xf32>
    tpu.vector_store %arg7[%swap3A, %swap3A_74], %div3A_73 {strides = array<i32>} : memref<1x1xf32, #tpu.memory_space<vmem>>, vector<1x1xf32>,
    return
  }
}

</mosaic_0001>

<sc_bundles>
// kernel: kernel.10.cloned.1.call-start
scs
__scs_entry_jumppad:
0x0: {  	(pc) =	sbr.rel $0x88, $3  }
0x1: {  	(tag) =	ssettag $0x0;
	lr =	simm.s32 $0x1  }
0x2: {  	[smem:$0x3F90] =	sst lr;
	_ =	strace $0xD0000000  }
0x3: {  	_ = 	snop  }
0x4: {  	_ = 	snop  }
0x5: {  	_ = 	snop  }
0x6: {  	_ = 	snop  }
0x7: {  	_ = 	snop  }
__scs_overlays_trampoline_lowered:
0x8: {  	[smem:$0x3F9F] =	sst s0  }
0x9: {  	[smem:$0x3FA0] =	sst s1  }
0xa: {  	[smem:$0x3FA1] =	sst s2  }
0xb: {  	[smem:$0x3FA2] =	sst s3  }
0xc: {  	[smem:$0x3FA3] =	sst s4  }
0xd: {  	[smem:$0x3FA4] =	sst s5  }
0xe: {  	[smem:$0x3FA5] =	sst s6  }
0xf: {  	[smem:$0x3FA6] =	sst s7  }
0x10: {  	[smem:$0x3FA7] =	sst s8  }
0x11: {  	[smem:$0x3FA8] =	sst s9;
	s0 =	simm.s32 @!p0 $0x0  }
0x12: {  	s1 =	sld [smem:$0x3F8E];
	s0 =	simm.s32 @p0 $0x1  }
0x13: {  	[smem:$0x3FA9] =	sst s0;
	s0 =	simm.s32 @!p1 $0x0  }
0x14: {  	s2 =	sld [smem:$0x3F8D];
	s0 =	simm.s32 @p1 $0x1  }
0x15: {  	[smem:$0x3FAA] =	sst s0;
	s0 =	simm.s32 @!p2 $0x0  }
0x16: {  	s3 =	sld [smem:$0x3FDB];
	s0 =	simm.s32 @p2 $0x1  }
0x17: {  	s4 =	simm.s32 $0x1BF5;
	[smem:$0x3FAC] =	sst s0  }
0x18: {  	s0 =	sld [smem:$0x3F8F];
	_ =	swait.ge [sflag:s4], $0x0  }
0x19: {  	s7 =	sld [smem:$0x3F90]  }
0x1a: {  	s8 =	sadd.s32 $0xFFFFE003, lr  }
0x1b: {  	s9 =	sadd.s32 $0xFFFFFEF7, lr;
	s5 =	simm.s32 $0xFFFFFFFF;
	p2 =	slt.u32 s8, $0xFFFFF086  }
0x1c: {  	p1 =	slt.u32 s9, $0xF7A;
	s5 =	simm.s32 @!p2 $0x0  }
0x1d: {  	s5 =	simm.s32 @p1 $0x1;
	p0 =	seq.s32 s7, s2  }
0x1e: {  	s7 =	smul.u32 @!p0 $0xF7A, s2;
	p2 =	seq.s32 @!p0 s5, $0x0  }
0x1f: {  	s9 =	smul.u32 $0xF7A, s1;
	s8 =	simm.s32 @!p0 $0x1BF5;
	p2 =	por !p2, p0  }
0x20: {  	[sflag:s8] =	ssyncset.s32 @!p0 $0xFFFFF086;
	s6 =	sadd.s32 @!p0 s3, s7;
	s7 =	simm.s32 @!p0 $0x108  }
0x21: {  	s3 =	sadd.s32 s3, s9;
	s6 =	sadd.s32 @!p0 $0x88, s6;
	s7 =	simm.s32 @p2 $0x1082  }
0x22: {  	[simem:s7], [sflag:s8] =	dma.local @!p0 [hbm:s6], $0xF7A  }
0x23: {  	s9 =	sor.u32 $0xD0000000, s2;
	s6 =	simm.s32 $0x108;
	_ =	swait.ge @!p0 [sflag:s8], $0x0  }
0x24: {  	s3 =	sadd.s32 $0x88, s3;
	s6 =	simm.s32 @!p1 $0x1082;
	[sflag:s4] =	ssyncset.s32 $0xFFFFF086  }
0x25: {  	[simem:s6], [sflag:s4] =	dma.local [hbm:s3], $0xF7A  }
0x26: {  	[smem:$0x3F90] =	sst s1;
	(tag) =	ssettag s2;
	_ =	strace s9  }
0x27: {  	s1 =	sld [smem:$0x3FA0]  }
0x28: {  	s2 =	sld [smem:$0x3FA1]  }
0x29: {  	s4 =	sld [smem:$0x3FA3]  }
0x2a: {  	p0 =	seq.s32 s5, $0x0;
	s5 =	sld [smem:$0x3FA4]  }
0x2b: {  	s6 =	sld [smem:$0x3FA5]  }
0x2c: {  	s7 =	sld [smem:$0x3FA6]  }
0x2d: {  	s3 =	simm.s32 $0x108;
	s8 =	sld [smem:$0x3FA7]  }
0x2e: {  	s3 =	simm.s32 @!p0 $0x1082;
	s9 =	sld [smem:$0x3FA8]  }
0x2f: {  	lr =	sadd.s32 s0, s3;
	s0 =	sld [smem:$0x3F9F]  }
0x30: {  	s3 =	sld [smem:$0x3FA2]  }
0x31: {  	[smem:$0x3FAB] =	sst s10  }
0x32: {  	s10 =	sld [smem:$0x3FA9];
	_ =	sdelay $0x3  }
0x33: {  	p0 =	seq.s32 s10, $0x1;
	s10 =	sld [smem:$0x3FAB];
	_ =	sdelay $0x3  }
0x34: {  	[smem:$0x3FAB] =	sst s10  }
0x35: {  	s10 =	sld [smem:$0x3FAA];
	_ =	sdelay $0x3  }
0x36: {  	p1 =	seq.s32 s10, $0x1;
	s10 =	sld [smem:$0x3FAB];
	_ =	sdelay $0x3  }
0x37: {  	[smem:$0x3FAB] =	sst s10  }
0x38: {  	s10 =	sld [smem:$0x3FAC]  }
0x39: {  	_ = 	snop;
	(pc) =	sbr.ind lr, $3  }
0x3a: {  	_ = 	snop  }
0x3b: {  	_ = 	snop  }
0x3c: {  	p2 =	seq.s32 s10, $0x1;
	s10 =	sld [smem:$0x3FAB]  }
0x3d: {  	_ =	shalt  }
0x3e: {  	_ =	shalt  }
0x3f: {  	_ =	shalt  }
0x40: {  	_ =	shalt  }
0x41: {  	_ =	shalt  }
0x42: {  	_ =	shalt  }
0x43: {  	_ =	shalt  }
0x44: {  	_ =	shalt  }
0x45: {  	_ =	shalt  }
0x46: {  	_ =	shalt  }
0x47: {  	_ =	shalt  }
0x48: {  	_ =	shalt  }
0x49: {  	_ =	shalt  }
0x4a: {  	_ =	shalt  }
0x4b: {  	_ =	shalt  }
0x4c: {  	_ =	shalt  }
0x4d: {  	_ =	shalt  }
0x4e: {  	_ =	shalt  }
0x4f: {  	_ =	shalt  }
0x50: {  	_ =	shalt  }
0x51: {  	_ =	shalt  }
0x52: {  	_ =	shalt  }
0x53: {  	_ =	shalt  }
0x54: {  	_ =	shalt  }
0x55: {  	_ =	shalt  }
0x56: {  	_ =	shalt  }
0x57: {  	_ =	shalt  }
0x58: {  	_ =	shalt  }
0x59: {  	_ =	shalt  }
0x5a: {  	_ =	shalt  }
0x5b: {  	_ =	shalt  }
0x5c: {  	_ =	shalt  }
0x5d: {  	_ =	shalt  }
0x5e: {  	_ =	shalt  }
0x5f: {  	_ =	shalt  }
0x60: {  	_ =	shalt  }
0x61: {  	_ =	shalt  }
0x62: {  	_ =	shalt  }
0x63: {  	_ =	shalt  }
0x64: {  	_ =	shalt  }
0x65: {  	_ =	shalt  }
0x66: {  	_ =	shalt  }
0x67: {  	_ =	shalt  }
0x68: {  	_ =	shalt  }
0x69: {  	_ =	shalt  }
0x6a: {  	_ =	shalt  }
0x6b: {  	_ =	shalt  }
0x6c: {  	_ =	shalt  }
0x6d: {  	_ =	shalt  }
0x6e: {  	_ =	shalt  }
0x6f: {  	_ =	shalt  }
0x70: {  	_ =	shalt  }
0x71: {  	_ =	shalt  }
0x72: {  	_ =	shalt  }
0x73: {  	_ =	shalt  }
0x74: {  	_ =	shalt  }
0x75: {  	_ =	shalt  }
0x76: {  	_ =	shalt  }
0x77: {  	_ =	shalt  }
0x78: {  	_ =	shalt  }
0x79: {  	_ =	shalt  }
0x7a: {  	_ =	shalt  }
0x7b: {  	_ =	shalt  }
0x7c: {  	_ =	shalt  }
0x7d: {  	_ =	shalt  }
0x7e: {  	_ =	shalt  }
0x7f: {  	_ =	shalt  }
0x80: {  	_ =	shalt  }
0x81: {  	_ =	shalt  }
0x82: {  	_ =	shalt  }
0x83: {  	_ =	shalt  }
0x84: {  	_ =	shalt  }
0x85: {  	_ =	shalt  }
0x86: {  	_ =	shalt  }
0x87: {  	_ =	shalt  }
.Lfunc_end0:
.L_simem_size_0:
called_computation_lowered:
.L_overlay_start_0:
0x88: {  	s2 =	sld [smem:$0x3FD9]  }
0x89: {  	s3 =	sld [smem:$0x3FFE];
	_ =	sdelay $0x1  }
0x8a: {  	s1 =	srdreg.scid  }
0x8b: {  	s0 =	sand.u32 $0x1, s1  }
0x8c: {  	s17 =	sshll.u32 s0, $0xA;
	s2 =	sadd.s32 s3, s2  }
0x8d: {  	s2 =	sadd.s32 s2, s17  }
0x8e: {  	[smem:$0x3FB7] =	sst s2  }
0x8f: {  	_ = 	snop  }
0x90: {  	(tm) =	ssettm $0x1  }
0x91: {  	s18 =	sld [smem:$0x3FFB];
	_ =	sdelay $0x3  }
0x92: {  	_ =	strace s18  }
0x93: {  	s2 =	sld [smem:$0x3FFC];
	_ =	sdelay $0x3  }
0x94: {  	_ =	strace s2  }
0x95: {  	s2 =	sld [smem:$0x3FFD];
	_ =	sdelay $0x3  }
0x96: {  	_ =	strace s2  }
0x97: {  	_ =	strace $0x8FFFFFFF  }
0x98: {  	s19 =	sld [smem:$0x3FDB];
	_ =	sdelay $0x1  }
0x99: {  	s20 =	simm.s32 $_scs_section_size  }
0x9a: {  	s4 =	simm.s32 $_size__tile_overlayer_lowered;
	s5 =	simm.s32 $_tile_overlayer_lowered  }
0x9b: {  	s6 =	simm.s32 $0x1BFF;
	s21 =	sshll.u32 s5, $0x1;
	s3 =	sadd.s32 s20, s19  }
0x9c: {  	s22 =	simm.s32 $0x0;
	s4 =	sshll.u32 s4, $0x1;
	s5 =	sadd.s32 s21, s3  }
0x9d: {  	[timem:s22], [sflag:s6] =	dma.local [hbm:s5], s4  }
0x9e: {  	_ =	swait.ge [sflag:s6], s4  }
0x9f: {  	s4 =	ssub.s32 $0x0, s4;
	[sflag:s6] =	ssyncset.done $0x0  }
0xa0: {  	[sflag:s6] =	ssyncadd.s32 s4;
	_ =	sdelay $0x1  }
0xa1: {  	s23 =	simm.s32 $0x1B8B  }
0xa2: {  	_ =	swait.ge [sflag:s23], $0x1  }
0xa3: {  	[sflag:s23] =	ssyncset.done $0x0  }
0xa4: {  	[sflag:s23] =	ssyncadd.s32 $0xFFFFFFFF  }
0xa5: {  	s4 =	sld [smem:$0x0]  }
0xa6: {  	s5 =	sand.u32 $0xFFFFFFFE, s1  }
0xa7: {  	p0 =	sne.s32 s1, s5  }
0xa8: {  	s5 =	sshll.u32 @p0 s5, $0xE  }
0xa9: {  	s5 =	sadd.s32 @p0 $0x11B8D, s5;
	s6 =	sshll.u32 @p0 s4, $0x11  }
0xaa: {  	s5 =	sor.u32 @p0 s6, s5  }
0xab: {  	[sflag:s5] =	ssyncadd.remote.s32 @p0 $0x1;
	_ =	sdelay $0x1  }
0xac: {  	s5 =	simm.s32 @p0 $0x1B8D  }
0xad: {  	_ =	swait.eq @p0 [sflag:s5], $0x1  }
0xae: {  	[sflag:s5] =	ssyncadd.s32 @p0 $0xFFFFFFFF  }
0xaf: {  	s6 =	sshll.u32 @!p0 s1, $0xE  }
0xb0: {  	s6 =	sor.u32 @!p0 $0x4000, s6;
	s5 =	simm.s32 @!p0 $0x1B8D  }
0xb1: {  	s4 =	sshll.u32 @!p0 s4, $0x11;
	s6 =	sadd.s32 @!p0 $0x11B8D, s6;
	_ =	swait.eq @!p0 [sflag:s5], $0x1  }
0xb2: {  	s4 =	sor.u32 @!p0 s4, s6;
	[sflag:s5] =	ssyncadd.s32 @!p0 $0xFFFFFFFF  }
0xb3: {  	s25 =	simm.s32 $0x1B8E;
	s24 =	sld [smem:$0x3FFE];
	[sflag:s4] =	ssyncadd.remote.s32 @!p0 $0x1  }
0xb4: {  	s26 =	simm.s32 $execute0_lowered;
	[smem:$0x3FD2] =	sst s25  }
0xb5: {  	s5 =	sshll.u32 s26, $0x1;
	_ =	strace $0x80000049;
	[dreg:$0x1] =	wrdreg $0xFFFFFFFF  }
0xb6: {  	s28 =	simm.s32 $_size_execute0_lowered;
	s3 =	sadd.s32 s3, s5;
	[dreg:$0x0] =	wrdreg $0x0  }
0xb7: {  	s5 =	sshll.u32 s28, $0x1;
	[dreg:$0x2] =	wrdreg s3  }
0xb8: {  	[dreg:$0x3] =	wrdreg s5  }
0xb9: {  	[dreg:$0x4] =	wrdreg $0xC0  }
0xba: {  	_ =	task [dreg:s22], $0x5FFFF  }
0xbb: {  	[dreg:$0x1] =	wrdreg $0xFFFFFFFF  }
0xbc: {  	[dreg:$0x0] =	wrdreg $0x60  }
0xbd: {  	[dreg:$0x2] =	wrdreg s24  }
0xbe: {  	[dreg:$0x3] =	wrdreg $0x68000  }
0xbf: {  	[dreg:$0x4] =	wrdreg $0x9  }
0xc0: {  	_ =	task.clear_ibuf [dreg:s22], $0x5FFFF;
	_ =	strace $0x90000049  }
0xc1: {  	s29 =	simm.s32 $0x9;
	_ =	strace $0x8000004B  }
0xc2: {  	_ =	swait.ge [sflag:s29], $0x1  }
0xc3: {  	[sflag:s29] =	ssyncadd.s32 $0xFFFFFFFF  }
0xc4: {  	_ =	strace $0x9000004B  }
0xc5: {  	_ =	sfence  }
0xc6: {  	s30 =	sld [smem:$0x0];
	_ =	sdelay $0x2  }
0xc7: {  	s31 =	sshll.u32 s1, $0xD;
	s1 =	sshrl.u32 s1, $0x2  }
0xc8: {  	s4 =	sand.u32 $0x4000, s31;
	s1 =	sadd.s32 s1, s30  }
0xc9: {  	s0 =	sor.u32 s4, s0;
	s1 =	sshll.u32 s1, $0x11  }
0xca: {  	s0 =	sor.u32 s1, s0  }
0xcb: {  	s0 =	sadd.s32 $0x8F2B, s0  }
0xcc: {  	[sflag:s0] =	ssyncadd.remote.s32 $0x1  }
0xcd: {  	_ =	sfence.sel $0xFFFF  }
0xce: {  	[dreg:$0x0] =	wrdreg $0xFFFFFFFF;
	(pc) =	sbr.abs _section_cstart, $3  }
0xcf: {  	[dreg:$0x1] =	wrdreg $0xFFFFFFFF  }
0xd0: {  	_ =	task.clear_ibuf [dreg:s22], $0x2FFFF;
	_ =	strace $0x9FFFFFFF  }
0xd1: {  	(tm) =	ssettm $0x7FFFFFFF  }
tec
execute0_lowered:
.L_overlay_start_1:
0x0: {  	(tag) =	ssettag $0x1  }
0x1: {  	s5 =	rddreg [dreg:$0x0]  }
0x2: {  	s2 =	rddreg [dreg:$0x1]  }
0x3: {  	s0 =	rddreg [dreg:$0x2]  }
0x4: {  	s3 =	simm.s32 $0x0;
	s1 =	stileid.u32;
	s7 =	srdreg.scid  }
0x5: {  	s13 =	simm.s32 $0x80;
	s14 =	simm.s32 $0x1;
	s4 =	smul.u32 $0x500, s1  }
0x6: {  	s15 =	simm.s32 $0x2;
	s16 =	simm.s32 $0x0;
	s6 =	smul.u32 $0x2800, s1  }
0x7: {  	[smem:$0x7FF] =	sst s3;
	s7 =	sand.u32 $0x1, s7;
	s8 =	smul.u32 $0x50000, s1  }
0x8: {  	s11 =	sshll.u32 s1, $0x6;
	_ =	strace $0x8000004A;
	s7 =	ssub.s32 $0x2, s7  }
0x9: {  	s11 =	sor.u32 $0x1C03, s11;
	s9 =	sadd.s32 s4, s5;
	s4 =	sadd.s32 $0xD9E00, s5  }
0xa: {  	s10 =	sadd.s32 s6, s5;
	s29 =	sshrl.u32 s7, $0x1;
	s30 =	sshrl.u32 s8, $0x2  }
0xb: {  	s31 =	ssub.s32 s7, s29;
	s5 =	sadd.s32 $0x2C00, s9;
	s12 =	sadd.s32 s30, s2  }
0xc: {  	s6 =	sadd.s32 $0x61E00, s10;
	s7 =	sadd.s32 $0xDA600, s10;
	s9 =	simm.s32 $0x2800  }
0xd: {  	s10 =	simm.s32 $0x3;
	s8 =	smax.u32 s31, $0x1;
	s12 =	sshrl.u32 s12, $0x3  }
.LBB2_1:
0xe: {  	[tilespmem:s9], [sflag:$0x3] =	stream.linear.gather [hbm4b:s4+s3], $0x4000, $0x38;
	[tilespmem:$0x1A800] =	vst v63  }
0xf: {  	_ =	swait.ge [sflag:s10], $0x4000  }
0x10: {  	[sflag:s10] =	ssyncset.done $0x0  }
0x11: {  	[sflag:s10] =	ssyncadd.s32 $0xFFFFC000  }
0x12: {  	[tilespmem:s3], [sflag:$0x3] =	stream.linear.gather [hbm4b:s5+s3], $0x2800, $0x38;
	[tilespmem:$0x1A800] =	vst v63  }
0x13: {  	_ =	swait.ge [sflag:s10], $0x2800  }
0x14: {  	[sflag:s10] =	ssyncset.done $0x0  }
0x15: {  	[sflag:s10] =	ssyncadd.s32 $0xFFFFD800  }
0x16: {  	[spmem:s12], [sflag:s11] =	dma.local [hbm:s6], $0x2800  }
0x17: {  	_ =	swait.ge [sflag:s10], $0x2800  }
0x18: {  	[sflag:s10] =	ssyncset.done $0x0  }
0x19: {  	[sflag:s10] =	ssyncadd.s32 $0xFFFFD800  }
0x1a: {  	[bflag:$0x0] =	sbarrier.arrive $0xFFFF  }
0x1b: {  	[spmem:s2] =	stream.indirect.scatter.add.f32 [tilespmem:s9], [sflag:$0x1], $0x80, s3, s13, $0xb8;
	[tilespmem:$0x1A800] =	vst v63  }
0x1c: {  	_ = 	snop  }
0x1d: {  	[spmem:s2] =	stream.indirect.scatter.add.f32 [tilespmem:s9], [sflag:$0x2], $0x80, s13, s13, $0xb8;
	[tilespmem:$0x1A800] =	vst v63  }
0x1e: {  	_ =	swait.ge [sflag:s14], $0x4000  }
0x1f: {  	[sflag:s14] =	ssyncset.done $0x0  }
0x20: {  	s17 =	simm.s32 $0x100;
	[sflag:s14] =	ssyncadd.s32 $0xFFFFC000  }
0x21: {  	[spmem:s2] =	stream.indirect.scatter.add.f32 [tilespmem:s9], [sflag:$0x1], $0x80, s17, s13, $0xb8;
	[tilespmem:$0x1A800] =	vst v63  }
0x22: {  	_ =	swait.ge [sflag:s15], $0x4000  }
0x23: {  	[sflag:s15] =	ssyncset.done $0x0  }
0x24: {  	s18 =	simm.s32 $0x180;
	s17 =	simm.s32 $0xFFFF6800;
	[sflag:s15] =	ssyncadd.s32 $0xFFFFC000  }
.LBB2_2:
0x25: {  	[spmem:s2] =	stream.indirect.scatter.add.f32 [tilespmem:s9], [sflag:$0x2], $0x80, s18, s13, $0xb8;
	[tilespmem:$0x1A800] =	vst v63  }
0x26: {  	s18 =	smov.u32 s17  }
0x27: {  	p0 =	sne.s32 s17, $0xFFFFFC00;
	s17 =	sadd.s32 $0x400, s17;
	_ =	swait.ge [sflag:s14], $0x4000  }
0x28: {  	s18 =	sshra.s32 s18, $0x2;
	[sflag:s14] =	ssyncset.done $0x0  }
.Ltmp0:
0x29: {  	s19 =	sadd.s32 $0x2800, s18;
	[sflag:s14] =	ssyncadd.s32 $0xFFFFC000;
	(pc) =	sbr.rel @p0 .LBB2_2-.Ltmp0, $4  }
0x2a: {  	[spmem:s2] =	stream.indirect.scatter.add.f32 [tilespmem:s9], [sflag:$0x1], $0x80, s19, s13, $0xb8;
	[tilespmem:$0x1A800] =	vst v63  }
0x2b: {  	_ =	swait.ge [sflag:s15], $0x4000  }
0x2c: {  	[sflag:s15] =	ssyncset.done $0x0  }
0x2d: {  	s18 =	sadd.s32 $0x2880, s18;
	[sflag:s15] =	ssyncadd.s32 $0xFFFFC000  }
0x2e: {  	[spmem:s2] =	stream.indirect.scatter.add.f32 [tilespmem:s9], [sflag:$0x2], $0x80, s18, s13, $0xb8;
	[tilespmem:$0x1A800] =	vst v63  }
0x2f: {  	_ =	swait.ge [sflag:s14], $0x4000  }
0x30: {  	[sflag:s14] =	ssyncset.done $0x0  }
0x31: {  	[sflag:s14] =	ssyncadd.s32 $0xFFFFC000  }
0x32: {  	_ =	swait.ge [sflag:s15], $0x4000  }
0x33: {  	s16 =	sadd.s32 $0x1, s16;
	[sflag:s15] =	ssyncset.done $0x0  }
0x34: {  	p0 =	sne.s32 s16, s8;
	[sflag:s15] =	ssyncadd.s32 $0xFFFFC000  }
.Ltmp1:
0x35: {  	[bflag:$0x0] =	sbarrier.arrive $0xFFFF;
	(pc) =	sbr.rel @p0 .LBB2_1-.Ltmp1, $4  }
0x36: {  	[hbm:s7], [sflag:s11] =	dma.local [spmem:s12], $0x2800  }
0x37: {  	_ =	swait.ge [sflag:s10], $0x2800  }
0x38: {  	[sflag:s10] =	ssyncset.done $0x0  }
0x39: {  	[sflag:s10] =	ssyncadd.s32 $0xFFFFD800  }
0x3a: {  	_ =	sfence.sel $0x180000  }
0x3b: {  	[bflag:$0x0] =	sbarrier.arrive $0xFFFF  }
0x3c: {  	p0 =	sne.s32 s1, $0x0;
	_ =	strace $0x9000004A  }
0x3d: {  	s0 =	sadd.s32 @!p0 $0x100000, s0;
	[bflag:$0x2] =	sbarrier.arrive $0xFFFF  }
0x3e: {  	[sflag:s0] =	ssyncadd.tile.s32 @!p0 $0x1;
	_ =	shalt  }
.Lfunc_end2:
_tile_overlayer_lowered:
.L_overlay_start_2:
0x3f: {  	(tag) =	ssettag $0x2  }
0x40: {  	s0 =	rddreg [dreg:$0x0];
	s2 =	stileid.u32  }
0x41: {  	s1 =	rddreg [dreg:$0x1];
	p0 =	sne.s32 s2, $0x0  }
0x42: {  	s3 =	rddreg [dreg:$0x2];
	[bflag:$0x3] =	sbarrier.arrive $0xFFFF;
	s2 =	simm.s32 @!p0 $0x1C03  }
0x43: {  	[timem:s3], [sflag:s2] =	dma.local @!p0 [hbm:s0], s1  }
0x44: {  	s0 =	simm.s32 @!p0 $0x3  }
0x45: {  	_ =	swait.ge @!p0 [sflag:s0], s1  }
0x46: {  	s1 =	ssub.s32 @!p0 $0x0, s1;
	[sflag:s0] =	ssyncset.done @!p0 $0x0  }
0x47: {  	[sflag:s0] =	ssyncadd.s32 @!p0 s1  }
0x48: {  	[bflag:$0x3] =	sbarrier.arrive $0xFFFF  }
0x49: {  	_ =	shalt  }

// kernel: kernel.13.cloned.1.call-start
scs
__scs_entry_jumppad:
0x0: {  	(pc) =	sbr.rel $0x88, $3  }
0x1: {  	(tag) =	ssettag $0x0;
	lr =	simm.s32 $0x1  }
0x2: {  	[smem:$0x3F90] =	sst lr;
	_ =	strace $0xD0000000  }
0x3: {  	_ = 	snop  }
0x4: {  	_ = 	snop  }
0x5: {  	_ = 	snop  }
0x6: {  	_ = 	snop  }
0x7: {  	_ = 	snop  }
__scs_overlays_trampoline_lowered:
0x8: {  	[smem:$0x3F9F] =	sst s0  }
0x9: {  	[smem:$0x3FA0] =	sst s1  }
0xa: {  	[smem:$0x3FA1] =	sst s2  }
0xb: {  	[smem:$0x3FA2] =	sst s3  }
0xc: {  	[smem:$0x3FA3] =	sst s4  }
0xd: {  	[smem:$0x3FA4] =	sst s5  }
0xe: {  	[smem:$0x3FA5] =	sst s6  }
0xf: {  	[smem:$0x3FA6] =	sst s7  }
0x10: {  	[smem:$0x3FA7] =	sst s8  }
0x11: {  	[smem:$0x3FA8] =	sst s9;
	s0 =	simm.s32 @!p0 $0x0  }
0x12: {  	s1 =	sld [smem:$0x3F8E];
	s0 =	simm.s32 @p0 $0x1  }
0x13: {  	[smem:$0x3FA9] =	sst s0;
	s0 =	simm.s32 @!p1 $0x0  }
0x14: {  	s2 =	sld [smem:$0x3F8D];
	s0 =	simm.s32 @p1 $0x1  }
0x15: {  	[smem:$0x3FAA] =	sst s0;
	s0 =	simm.s32 @!p2 $0x0  }
0x16: {  	s3 =	sld [smem:$0x3FDB];
	s0 =	simm.s32 @p2 $0x1  }
0x17: {  	s4 =	simm.s32 $0x1BF5;
	[smem:$0x3FAC] =	sst s0  }
0x18: {  	s0 =	sld [smem:$0x3F8F];
	_ =	swait.ge [sflag:s4], $0x0  }
0x19: {  	s7 =	sld [smem:$0x3F90]  }
0x1a: {  	s8 =	sadd.s32 $0xFFFFE003, lr  }
0x1b: {  	s9 =	sadd.s32 $0xFFFFFEF7, lr;
	s5 =	simm.s32 $0xFFFFFFFF;
	p2 =	slt.u32 s8, $0xFFFFF086  }
0x1c: {  	p1 =	slt.u32 s9, $0xF7A;
	s5 =	simm.s32 @!p2 $0x0  }
0x1d: {  	s5 =	simm.s32 @p1 $0x1;
	p0 =	seq.s32 s7, s2  }
0x1e: {  	s7 =	smul.u32 @!p0 $0xF7A, s2;
	p2 =	seq.s32 @!p0 s5, $0x0  }
0x1f: {  	s9 =	smul.u32 $0xF7A, s1;
	s8 =	simm.s32 @!p0 $0x1BF5;
	p2 =	por !p2, p0  }
0x20: {  	[sflag:s8] =	ssyncset.s32 @!p0 $0xFFFFF086;
	s6 =	sadd.s32 @!p0 s3, s7;
	s7 =	simm.s32 @!p0 $0x108  }
0x21: {  	s3 =	sadd.s32 s3, s9;
	s6 =	sadd.s32 @!p0 $0x88, s6;
	s7 =	simm.s32 @p2 $0x1082  }
0x22: {  	[simem:s7], [sflag:s8] =	dma.local @!p0 [hbm:s6], $0xF7A  }
0x23: {  	s9 =	sor.u32 $0xD0000000, s2;
	s6 =	simm.s32 $0x108;
	_ =	swait.ge @!p0 [sflag:s8], $0x0  }
0x24: {  	s3 =	sadd.s32 $0x88, s3;
	s6 =	simm.s32 @!p1 $0x1082;
	[sflag:s4] =	ssyncset.s32 $0xFFFFF086  }
0x25: {  	[simem:s6], [sflag:s4] =	dma.local [hbm:s3], $0xF7A  }
0x26: {  	[smem:$0x3F90] =	sst s1;
	(tag) =	ssettag s2;
	_ =	strace s9  }
0x27: {  	s1 =	sld [smem:$0x3FA0]  }
0x28: {  	s2 =	sld [smem:$0x3FA1]  }
0x29: {  	s4 =	sld [smem:$0x3FA3]  }
0x2a: {  	p0 =	seq.s32 s5, $0x0;
	s5 =	sld [smem:$0x3FA4]  }
0x2b: {  	s6 =	sld [smem:$0x3FA5]  }
0x2c: {  	s7 =	sld [smem:$0x3FA6]  }
0x2d: {  	s3 =	simm.s32 $0x108;
	s8 =	sld [smem:$0x3FA7]  }
0x2e: {  	s3 =	simm.s32 @!p0 $0x1082;
	s9 =	sld [smem:$0x3FA8]  }
0x2f: {  	lr =	sadd.s32 s0, s3;
	s0 =	sld [smem:$0x3F9F]  }
0x30: {  	s3 =	sld [smem:$0x3FA2]  }
0x31: {  	[smem:$0x3FAB] =	sst s10  }
0x32: {  	s10 =	sld [smem:$0x3FA9];
	_ =	sdelay $0x3  }
0x33: {  	p0 =	seq.s32 s10, $0x1;
	s10 =	sld [smem:$0x3FAB];
	_ =	sdelay $0x3  }
0x34: {  	[smem:$0x3FAB] =	sst s10  }
0x35: {  	s10 =	sld [smem:$0x3FAA];
	_ =	sdelay $0x3  }
0x36: {  	p1 =	seq.s32 s10, $0x1;
	s10 =	sld [smem:$0x3FAB];
	_ =	sdelay $0x3  }
0x37: {  	[smem:$0x3FAB] =	sst s10  }
0x38: {  	s10 =	sld [smem:$0x3FAC]  }
0x39: {  	_ = 	snop;
	(pc) =	sbr.ind lr, $3  }
0x3a: {  	_ = 	snop  }
0x3b: {  	_ = 	snop  }
0x3c: {  	p2 =	seq.s32 s10, $0x1;
	s10 =	sld [smem:$0x3FAB]  }
0x3d: {  	_ =	shalt  }
0x3e: {  	_ =	shalt  }
0x3f: {  	_ =	shalt  }
0x40: {  	_ =	shalt  }
0x41: {  	_ =	shalt  }
0x42: {  	_ =	shalt  }
0x43: {  	_ =	shalt  }
0x44: {  	_ =	shalt  }
0x45: {  	_ =	shalt  }
0x46: {  	_ =	shalt  }
0x47: {  	_ =	shalt  }
0x48: {  	_ =	shalt  }
0x49: {  	_ =	shalt  }
0x4a: {  	_ =	shalt  }
0x4b: {  	_ =	shalt  }
0x4c: {  	_ =	shalt  }
0x4d: {  	_ =	shalt  }
0x4e: {  	_ =	shalt  }
0x4f: {  	_ =	shalt  }
0x50: {  	_ =	shalt  }
0x51: {  	_ =	shalt  }
0x52: {  	_ =	shalt  }
0x53: {  	_ =	shalt  }
0x54: {  	_ =	shalt  }
0x55: {  	_ =	shalt  }
0x56: {  	_ =	shalt  }
0x57: {  	_ =	shalt  }
0x58: {  	_ =	shalt  }
0x59: {  	_ =	shalt  }
0x5a: {  	_ =	shalt  }
0x5b: {  	_ =	shalt  }
0x5c: {  	_ =	shalt  }
0x5d: {  	_ =	shalt  }
0x5e: {  	_ =	shalt  }
0x5f: {  	_ =	shalt  }
0x60: {  	_ =	shalt  }
0x61: {  	_ =	shalt  }
0x62: {  	_ =	shalt  }
0x63: {  	_ =	shalt  }
0x64: {  	_ =	shalt  }
0x65: {  	_ =	shalt  }
0x66: {  	_ =	shalt  }
0x67: {  	_ =	shalt  }
0x68: {  	_ =	shalt  }
0x69: {  	_ =	shalt  }
0x6a: {  	_ =	shalt  }
0x6b: {  	_ =	shalt  }
0x6c: {  	_ =	shalt  }
0x6d: {  	_ =	shalt  }
0x6e: {  	_ =	shalt  }
0x6f: {  	_ =	shalt  }
0x70: {  	_ =	shalt  }
0x71: {  	_ =	shalt  }
0x72: {  	_ =	shalt  }
0x73: {  	_ =	shalt  }
0x74: {  	_ =	shalt  }
0x75: {  	_ =	shalt  }
0x76: {  	_ =	shalt  }
0x77: {  	_ =	shalt  }
0x78: {  	_ =	shalt  }
0x79: {  	_ =	shalt  }
0x7a: {  	_ =	shalt  }
0x7b: {  	_ =	shalt  }
0x7c: {  	_ =	shalt  }
0x7d: {  	_ =	shalt  }
0x7e: {  	_ =	shalt  }
0x7f: {  	_ =	shalt  }
0x80: {  	_ =	shalt  }
0x81: {  	_ =	shalt  }
0x82: {  	_ =	shalt  }
0x83: {  	_ =	shalt  }
0x84: {  	_ =	shalt  }
0x85: {  	_ =	shalt  }
0x86: {  	_ =	shalt  }
0x87: {  	_ =	shalt  }
.Lfunc_end0:
.L_simem_size_0:
called_computation.1_lowered:
.L_overlay_start_0:
0x88: {  	s2 =	sld [smem:$0x3FD9]  }
0x89: {  	s3 =	sld [smem:$0x3FFE];
	_ =	sdelay $0x1  }
0x8a: {  	s1 =	srdreg.scid  }
0x8b: {  	s0 =	sand.u32 $0x1, s1  }
0x8c: {  	s16 =	sshll.u32 s0, $0xA;
	s2 =	sadd.s32 s3, s2  }
0x8d: {  	s2 =	sadd.s32 s2, s16  }
0x8e: {  	[smem:$0x3FB7] =	sst s2  }
0x8f: {  	_ = 	snop  }
0x90: {  	(tm) =	ssettm $0x1  }
0x91: {  	s17 =	sld [smem:$0x3FFB];
	_ =	sdelay $0x3  }
0x92: {  	_ =	strace s17  }
0x93: {  	s2 =	sld [smem:$0x3FFC];
	_ =	sdelay $0x3  }
0x94: {  	_ =	strace s2  }
0x95: {  	s2 =	sld [smem:$0x3FFD];
	_ =	sdelay $0x3  }
0x96: {  	_ =	strace s2  }
0x97: {  	_ =	strace $0x8FFFFFFF  }
0x98: {  	s18 =	sld [smem:$0x3FDB];
	_ =	sdelay $0x1  }
0x99: {  	s19 =	simm.s32 $_scs_section_size  }
0x9a: {  	s4 =	simm.s32 $_size__tile_overlayer_lowered;
	s5 =	simm.s32 $_tile_overlayer_lowered  }
0x9b: {  	s22 =	simm.s32 $0x1BFF;
	s21 =	sshll.u32 s5, $0x1;
	s2 =	sadd.s32 s19, s18  }
0x9c: {  	s6 =	simm.s32 $0x0;
	s20 =	sshll.u32 s4, $0x1;
	s4 =	sadd.s32 s21, s2  }
0x9d: {  	[timem:s6], [sflag:s22] =	dma.local [hbm:s4], s20  }
0x9e: {  	_ =	swait.ge [sflag:s22], s20  }
0x9f: {  	s3 =	ssub.s32 $0x0, s20;
	[sflag:s22] =	ssyncset.done $0x0  }
0xa0: {  	[sflag:s22] =	ssyncadd.s32 s3;
	_ =	sdelay $0x1  }
0xa1: {  	s23 =	simm.s32 $0x1B8B  }
0xa2: {  	_ =	swait.ge [sflag:s23], $0x1  }
0xa3: {  	[sflag:s23] =	ssyncset.done $0x0  }
0xa4: {  	s25 =	simm.s32 $0x1B8E;
	s24 =	sld [smem:$0x3FFE];
	[sflag:s23] =	ssyncadd.s32 $0xFFFFFFFF  }
0xa5: {  	s26 =	simm.s32 $execute0_lowered;
	[smem:$0x3FD2] =	sst s25  }
0xa6: {  	s4 =	sshll.u32 s26, $0x1;
	_ =	strace $0x80000046;
	[dreg:$0x1] =	wrdreg $0xFFFFFFFF  }
0xa7: {  	s28 =	simm.s32 $_size_execute0_lowered;
	s2 =	sadd.s32 s2, s4;
	[dreg:$0x0] =	wrdreg $0x0  }
0xa8: {  	s4 =	sshll.u32 s28, $0x1;
	[dreg:$0x2] =	wrdreg s2  }
0xa9: {  	[dreg:$0x3] =	wrdreg s4  }
0xaa: {  	[dreg:$0x4] =	wrdreg $0xC0  }
0xab: {  	_ =	task [dreg:s6], $0x5FFFF  }
0xac: {  	[dreg:$0x1] =	wrdreg $0xFFFFFFFF  }
0xad: {  	[dreg:$0x0] =	wrdreg $0x60  }
0xae: {  	[dreg:$0x2] =	wrdreg s24  }
0xaf: {  	[dreg:$0x3] =	wrdreg $0xBD000  }
0xb0: {  	[dreg:$0x4] =	wrdreg $0xA  }
0xb1: {  	_ =	task.clear_ibuf [dreg:s6], $0x5FFFF;
	_ =	strace $0x90000046  }
0xb2: {  	s29 =	simm.s32 $0xA;
	_ =	strace $0x80000048  }
0xb3: {  	_ =	swait.ge [sflag:s29], $0x1  }
0xb4: {  	[sflag:s29] =	ssyncadd.s32 $0xFFFFFFFF  }
0xb5: {  	_ =	strace $0x90000048  }
0xb6: {  	_ =	sfence  }
0xb7: {  	s30 =	sld [smem:$0x0];
	_ =	sdelay $0x2  }
0xb8: {  	s31 =	sshll.u32 s1, $0xD;
	s1 =	sshrl.u32 s1, $0x2  }
0xb9: {  	s3 =	sand.u32 $0x4000, s31;
	s1 =	sadd.s32 s1, s30  }
0xba: {  	s0 =	sor.u32 s3, s0;
	s1 =	sshll.u32 s1, $0x11  }
0xbb: {  	s0 =	sor.u32 s1, s0  }
0xbc: {  	s0 =	sadd.s32 $0x8F2B, s0  }
0xbd: {  	[sflag:s0] =	ssyncadd.remote.s32 $0x1  }
0xbe: {  	_ =	sfence.sel $0xFFFF  }
0xbf: {  	[dreg:$0x0] =	wrdreg $0xFFFFFFFF;
	(pc) =	sbr.abs _section_cstart, $3  }
0xc0: {  	[dreg:$0x1] =	wrdreg $0xFFFFFFFF  }
0xc1: {  	_ =	task.clear_ibuf [dreg:s6], $0x2FFFF;
	_ =	strace $0x9FFFFFFF  }
0xc2: {  	(tm) =	ssettm $0x7FFFFFFF  }
0xc3: {  	_ =	shalt  }
tec
execute0_lowered:
.L_overlay_start_1:
0x0: {  	(tag) =	ssettag $0x1  }
0x1: {  	s5 =	rddreg [dreg:$0x0]  }
0x2: {  	s1 =	srdreg.scid;
	s0 =	stileid.u32  }
0x3: {  	s2 =	rddreg [dreg:$0x1];
	s3 =	simm.s32 $0x0;
	s15 =	simm.s32 $0x80  }
0x4: {  	s16 =	simm.s32 $0x3D00;
	s17 =	simm.s32 $0x7D00;
	s18 =	simm.s32 $0x1  }
0x5: {  	s19 =	simm.s32 $0x2;
	s20 =	simm.s32 $0x0;
	s7 =	smul.u32 $0x2800, s0  }
0x6: {  	s6 =	sand.u32 $0x1, s1;
	s1 =	rddreg [dreg:$0x2];
	s10 =	smul.u32 $0x500, s0  }
0x7: {  	[smem:$0x7FF] =	sst s3;
	s11 =	smul.u32 $0x50000, s0;
	s31 =	sshll.u32 s0, $0x6  }
0x8: {  	s4 =	smul.u32 $0x28000, s6;
	_ =	strace $0x80000047;
	s6 =	ssub.s32 $0x2, s6  }
0x9: {  	s10 =	sadd.s32 s10, s5;
	s12 =	sshrl.u32 s6, $0x1;
	s30 =	sshrl.u32 s11, $0x2  }
0xa: {  	s11 =	simm.s32 $0x1500;
	s8 =	sadd.s32 s7, s4;
	s4 =	sadd.s32 $0x11E00, s5  }
0xb: {  	s7 =	sadd.s32 s7, s5;
	s12 =	ssub.s32 s6, s12;
	s14 =	sadd.s32 s30, s2  }
0xc: {  	s9 =	sshrl.u32 s8, $0x3;
	s13 =	sadd.s32 s8, s5;
	s6 =	sadd.s32 $0x61E00, s7  }
0xd: {  	s14 =	sshrl.u32 s14, $0x3;
	s9 =	sadd.s32 s9, s5;
	s5 =	sadd.s32 $0x2C00, s10  }
0xe: {  	s10 =	smax.u32 s12, $0x1;
	s12 =	simm.s32 $0x3;
	s7 =	sadd.s32 $0x7C00, s9  }
0xf: {  	s8 =	sadd.s32 $0x7E80, s9;
	s9 =	sadd.s32 $0x89E00, s13;
	s13 =	sor.u32 $0x1C03, s31  }
.LBB2_1:
0x10: {  	[tilespmem:s11], [sflag:$0x3] =	stream.linear.gather [hbm4b:s5+s3], $0x2800, $0x38;
	[tilespmem:$0x1FD00] =	vst v63  }
0x11: {  	_ =	swait.ge [sflag:s12], $0x2800  }
0x12: {  	[sflag:s12] =	ssyncset.done $0x0  }
0x13: {  	[sflag:s12] =	ssyncadd.s32 $0xFFFFD800  }
0x14: {  	[spmem:s14], [sflag:s13] =	dma.local [hbm:s6], $0x2800  }
0x15: {  	_ =	swait.ge [sflag:s12], $0x2800  }
0x16: {  	[sflag:s12] =	ssyncset.done $0x0  }
0x17: {  	[sflag:s12] =	ssyncadd.s32 $0xFFFFD800  }
0x18: {  	[bflag:$0x0] =	sbarrier.arrive $0xFFFF  }
0x19: {  	[tilespmem:s3], [sflag:$0x3] =	stream.linear.gather [hbm4b:s7+s3], $0x1500, $0x38;
	[tilespmem:$0x1FD00] =	vst v63  }
0x1a: {  	_ =	swait.ge [sflag:s12], $0x1500  }
0x1b: {  	[sflag:s12] =	ssyncset.done $0x0  }
0x1c: {  	[sflag:s12] =	ssyncadd.s32 $0xFFFFEB00  }
0x1d: {  	[tilespmem:s16], [sflag:$0x1] =	stream.indirect.gather [hbm4b:s4+s15], $0x80, s3, s15, $0xb8;
	[tilespmem:$0x1FD00] =	vst v63  }
0x1e: {  	_ = 	snop  }
0x1f: {  	[tilespmem:s17], [sflag:$0x2] =	stream.indirect.gather [hbm4b:s4+s15], $0x80, s15, s15, $0xb8;
	[tilespmem:$0x1FD00] =	vst v63  }
0x20: {  	_ =	swait.ge [sflag:s18], $0x4000  }
0x21: {  	[sflag:s18] =	ssyncset.done $0x0  }
0x22: {  	s21 =	simm.s32 $0x1500;
	[sflag:s18] =	ssyncadd.s32 $0xFFFFC000  }
0x23: {  	[spmem:s2] =	stream.indirect.scatter.add.f32 [tilespmem:s16], [sflag:$0x3], $0x80, s21, s15, $0xb8;
	[tilespmem:$0x1FD00] =	vst v63  }
0x24: {  	_ =	swait.ge [sflag:s12], $0x4000  }
0x25: {  	[sflag:s12] =	ssyncset.done $0x0  }
0x26: {  	s30 =	simm.s32 $0x100;
	[sflag:s12] =	ssyncadd.s32 $0xFFFFC000  }
0x27: {  	[tilespmem:s16], [sflag:$0x1] =	stream.indirect.gather [hbm4b:s4+s15], $0x80, s30, s15, $0xb8;
	[tilespmem:$0x1FD00] =	vst v63  }
0x28: {  	_ =	swait.ge [sflag:s19], $0x4000  }
0x29: {  	[sflag:s19] =	ssyncset.done $0x0  }
0x2a: {  	s31 =	simm.s32 $0x1580;
	[sflag:s19] =	ssyncadd.s32 $0xFFFFC000  }
0x2b: {  	[spmem:s2] =	stream.indirect.scatter.add.f32 [tilespmem:s17], [sflag:$0x3], $0x80, s31, s15, $0xb8;
	[tilespmem:$0x1FD00] =	vst v63  }
0x2c: {  	_ =	swait.ge [sflag:s12], $0x4000  }
0x2d: {  	[sflag:s12] =	ssyncset.done $0x0  }
0x2e: {  	s22 =	simm.s32 $0x180;
	s21 =	simm.s32 $0x400;
	[sflag:s12] =	ssyncadd.s32 $0xFFFFC000  }
.LBB2_2:
0x2f: {  	[tilespmem:s17], [sflag:$0x2] =	stream.indirect.gather [hbm4b:s4+s15], $0x80, s22, s15, $0xb8;
	[tilespmem:$0x1FD00] =	vst v63  }
0x30: {  	s22 =	smov.u32 s21  }
0x31: {  	p0 =	sne.s32 s21, $0x4C00;
	s21 =	sadd.s32 $0x400, s21;
	_ =	swait.ge [sflag:s18], $0x4000  }
0x32: {  	s22 =	sshra.s32 s22, $0x2;
	[sflag:s18] =	ssyncset.done $0x0  }
0x33: {  	s23 =	sadd.s32 $0x1500, s22;
	[sflag:s18] =	ssyncadd.s32 $0xFFFFC000  }
0x34: {  	[spmem:s2] =	stream.indirect.scatter.add.f32 [tilespmem:s16], [sflag:$0x3], $0x80, s23, s15, $0xb8;
	[tilespmem:$0x1FD00] =	vst v63  }
0x35: {  	_ =	swait.ge [sflag:s12], $0x4000  }
0x36: {  	[sflag:s12] =	ssyncset.done $0x0  }
0x37: {  	s23 =	sadd.s32 $0x100, s22;
	[sflag:s12] =	ssyncadd.s32 $0xFFFFC000  }
0x38: {  	[tilespmem:s16], [sflag:$0x1] =	stream.indirect.gather [hbm4b:s4+s15], $0x80, s23, s15, $0xb8;
	[tilespmem:$0x1FD00] =	vst v63  }
0x39: {  	_ =	swait.ge [sflag:s19], $0x4000  }
0x3a: {  	[sflag:s19] =	ssyncset.done $0x0  }
.Ltmp0:
0x3b: {  	s23 =	sadd.s32 $0x1580, s22;
	[sflag:s19] =	ssyncadd.s32 $0xFFFFC000;
	(pc) =	sbr.rel @p0 .LBB2_2-.Ltmp0, $4  }
0x3c: {  	[spmem:s2] =	stream.indirect.scatter.add.f32 [tilespmem:s17], [sflag:$0x3], $0x80, s23, s15, $0xb8;
	[tilespmem:$0x1FD00] =	vst v63  }
0x3d: {  	_ =	swait.ge [sflag:s12], $0x4000  }
0x3e: {  	[sflag:s12] =	ssyncset.done $0x0  }
0x3f: {  	s22 =	sadd.s32 $0x180, s22;
	[sflag:s12] =	ssyncadd.s32 $0xFFFFC000  }
0x40: {  	[tilespmem:s17], [sflag:$0x2] =	stream.indirect.gather [hbm4b:s4+s15], $0x80, s22, s15, $0xb8;
	[tilespmem:$0x1FD00] =	vst v63  }
0x41: {  	_ =	swait.ge [sflag:s18], $0x4000  }
0x42: {  	[sflag:s18] =	ssyncset.done $0x0  }
0x43: {  	[sflag:s18] =	ssyncadd.s32 $0xFFFFC000  }
0x44: {  	_ =	swait.ge [sflag:s19], $0x4000  }
0x45: {  	[sflag:s19] =	ssyncset.done $0x0  }
0x46: {  	[sflag:s19] =	ssyncadd.s32 $0xFFFFC000  }
0x47: {  	[tilespmem:s3], [sflag:$0x3] =	stream.linear.gather [hbm4b:s8+s3], $0x1500, $0x38;
	[tilespmem:$0x1FD00] =	vst v63  }
0x48: {  	_ =	swait.ge [sflag:s12], $0x1500  }
0x49: {  	[sflag:s12] =	ssyncset.done $0x0  }
0x4a: {  	[sflag:s12] =	ssyncadd.s32 $0xFFFFEB00  }
0x4b: {  	[tilespmem:s16], [sflag:$0x1] =	stream.indirect.gather [hbm4b:s4+s15], $0x80, s3, s15, $0xb8;
	[tilespmem:$0x1FD00] =	vst v63  }
0x4c: {  	_ = 	snop  }
0x4d: {  	[tilespmem:s17], [sflag:$0x2] =	stream.indirect.gather [hbm4b:s4+s15], $0x80, s15, s15, $0xb8;
	[tilespmem:$0x1FD00] =	vst v63  }
0x4e: {  	_ =	swait.ge [sflag:s18], $0x4000  }
0x4f: {  	[sflag:s18] =	ssyncset.done $0x0  }
0x50: {  	s21 =	simm.s32 $0x2900;
	[sflag:s18] =	ssyncadd.s32 $0xFFFFC000  }
0x51: {  	[spmem:s2] =	stream.indirect.scatter.add.f32 [tilespmem:s16], [sflag:$0x3], $0x80, s21, s15, $0xb8;
	[tilespmem:$0x1FD00] =	vst v63  }
0x52: {  	_ =	swait.ge [sflag:s12], $0x4000  }
0x53: {  	[sflag:s12] =	ssyncset.done $0x0  }
0x54: {  	s30 =	simm.s32 $0x100;
	[sflag:s12] =	ssyncadd.s32 $0xFFFFC000  }
0x55: {  	[tilespmem:s16], [sflag:$0x1] =	stream.indirect.gather [hbm4b:s4+s15], $0x80, s30, s15, $0xb8;
	[tilespmem:$0x1FD00] =	vst v63  }
0x56: {  	_ =	swait.ge [sflag:s19], $0x4000  }
0x57: {  	[sflag:s19] =	ssyncset.done $0x0  }
0x58: {  	s31 =	simm.s32 $0x2980;
	[sflag:s19] =	ssyncadd.s32 $0xFFFFC000  }
0x59: {  	[spmem:s2] =	stream.indirect.scatter.add.f32 [tilespmem:s17], [sflag:$0x3], $0x80, s31, s15, $0xb8;
	[tilespmem:$0x1FD00] =	vst v63  }
0x5a: {  	_ =	swait.ge [sflag:s12], $0x4000  }
0x5b: {  	[sflag:s12] =	ssyncset.done $0x0  }
0x5c: {  	s22 =	simm.s32 $0x180;
	s21 =	simm.s32 $0xFFFFB400;
	[sflag:s12] =	ssyncadd.s32 $0xFFFFC000  }
.LBB2_4:
0x5d: {  	[tilespmem:s17], [sflag:$0x2] =	stream.indirect.gather [hbm4b:s4+s15], $0x80, s22, s15, $0xb8;
	[tilespmem:$0x1FD00] =	vst v63  }
0x5e: {  	s22 =	smov.u32 s21  }
0x5f: {  	p0 =	sne.s32 s21, $0xFFFFFC00;
	s21 =	sadd.s32 $0x400, s21;
	_ =	swait.ge [sflag:s18], $0x4000  }
0x60: {  	s22 =	sshra.s32 s22, $0x2;
	[sflag:s18] =	ssyncset.done $0x0  }
0x61: {  	s23 =	sadd.s32 $0x3D00, s22;
	[sflag:s18] =	ssyncadd.s32 $0xFFFFC000  }
0x62: {  	[spmem:s2] =	stream.indirect.scatter.add.f32 [tilespmem:s16], [sflag:$0x3], $0x80, s23, s15, $0xb8;
	[tilespmem:$0x1FD00] =	vst v63  }
0x63: {  	_ =	swait.ge [sflag:s12], $0x4000  }
0x64: {  	[sflag:s12] =	ssyncset.done $0x0  }
0x65: {  	s23 =	sadd.s32 $0x1500, s22;
	[sflag:s12] =	ssyncadd.s32 $0xFFFFC000  }
0x66: {  	[tilespmem:s16], [sflag:$0x1] =	stream.indirect.gather [hbm4b:s4+s15], $0x80, s23, s15, $0xb8;
	[tilespmem:$0x1FD00] =	vst v63  }
0x67: {  	_ =	swait.ge [sflag:s19], $0x4000  }
0x68: {  	[sflag:s19] =	ssyncset.done $0x0  }
.Ltmp1:
0x69: {  	s23 =	sadd.s32 $0x3D80, s22;
	[sflag:s19] =	ssyncadd.s32 $0xFFFFC000;
	(pc) =	sbr.rel @p0 .LBB2_4-.Ltmp1, $4  }
0x6a: {  	[spmem:s2] =	stream.indirect.scatter.add.f32 [tilespmem:s17], [sflag:$0x3], $0x80, s23, s15, $0xb8;
	[tilespmem:$0x1FD00] =	vst v63  }
0x6b: {  	_ =	swait.ge [sflag:s12], $0x4000  }
0x6c: {  	[sflag:s12] =	ssyncset.done $0x0  }
0x6d: {  	s22 =	sadd.s32 $0x1580, s22;
	[sflag:s12] =	ssyncadd.s32 $0xFFFFC000  }
0x6e: {  	[tilespmem:s17], [sflag:$0x2] =	stream.indirect.gather [hbm4b:s4+s15], $0x80, s22, s15, $0xb8;
	[tilespmem:$0x1FD00] =	vst v63  }
0x6f: {  	_ =	swait.ge [sflag:s18], $0x4000  }
0x70: {  	[sflag:s18] =	ssyncset.done $0x0  }
0x71: {  	[sflag:s18] =	ssyncadd.s32 $0xFFFFC000  }
0x72: {  	_ =	swait.ge [sflag:s19], $0x4000  }
0x73: {  	s20 =	sadd.s32 $0x1, s20;
	[sflag:s19] =	ssyncset.done $0x0  }
0x74: {  	p0 =	sne.s32 s20, s10;
	[sflag:s19] =	ssyncadd.s32 $0xFFFFC000  }
.Ltmp2:
0x75: {  	[bflag:$0x0] =	sbarrier.arrive $0xFFFF;
	(pc) =	sbr.rel @p0 .LBB2_1-.Ltmp2, $4  }
0x76: {  	[hbm:s9], [sflag:s13] =	dma.local [spmem:s14], $0x2800  }
0x77: {  	_ =	swait.ge [sflag:s12], $0x2800  }
0x78: {  	[sflag:s12] =	ssyncset.done $0x0  }
0x79: {  	[sflag:s12] =	ssyncadd.s32 $0xFFFFD800  }
0x7a: {  	_ =	sfence.sel $0x180000  }
0x7b: {  	[bflag:$0x0] =	sbarrier.arrive $0xFFFF  }
0x7c: {  	p0 =	sne.s32 s0, $0x0;
	_ =	strace $0x90000047  }
0x7d: {  	s0 =	sadd.s32 @!p0 $0x100000, s1;
	[bflag:$0x2] =	sbarrier.arrive $0xFFFF  }
0x7e: {  	[sflag:s0] =	ssyncadd.tile.s32 @!p0 $0x1;
	_ =	shalt  }
.Lfunc_end2:
_tile_overlayer_lowered:
.L_overlay_start_2:
0x7f: {  	(tag) =	ssettag $0x2  }
0x80: {  	s0 =	rddreg [dreg:$0x0];
	s2 =	stileid.u32  }
0x81: {  	s1 =	rddreg [dreg:$0x1];
	p0 =	sne.s32 s2, $0x0  }
0x82: {  	s3 =	rddreg [dreg:$0x2];
	[bflag:$0x3] =	sbarrier.arrive $0xFFFF;
	s2 =	simm.s32 @!p0 $0x1C03  }
0x83: {  	[timem:s3], [sflag:s2] =	dma.local @!p0 [hbm:s0], s1  }
0x84: {  	s0 =	simm.s32 @!p0 $0x3  }
0x85: {  	_ =	swait.ge @!p0 [sflag:s0], s1  }
0x86: {  	s1 =	ssub.s32 @!p0 $0x0, s1;
	[sflag:s0] =	ssyncset.done @!p0 $0x0  }
0x87: {  	[sflag:s0] =	ssyncadd.s32 @!p0 s1  }
0x88: {  	[bflag:$0x3] =	sbarrier.arrive $0xFFFF  }
0x89: {  	_ =	shalt  }

// kernel: kernel.16.cloned.1.call-start
scs
__scs_entry_jumppad:
0x0: {  	(pc) =	sbr.rel $0x88, $3  }
0x1: {  	(tag) =	ssettag $0x0;
	lr =	simm.s32 $0x1  }
0x2: {  	[smem:$0x3F90] =	sst lr;
	_ =	strace $0xD0000000  }
0x3: {  	_ = 	snop  }
0x4: {  	_ = 	snop  }
0x5: {  	_ = 	snop  }
0x6: {  	_ = 	snop  }
0x7: {  	_ = 	snop  }
__scs_overlays_trampoline_lowered:
0x8: {  	[smem:$0x3F9F] =	sst s0  }
0x9: {  	[smem:$0x3FA0] =	sst s1  }
0xa: {  	[smem:$0x3FA1] =	sst s2  }
0xb: {  	[smem:$0x3FA2] =	sst s3  }
0xc: {  	[smem:$0x3FA3] =	sst s4  }
0xd: {  	[smem:$0x3FA4] =	sst s5  }
0xe: {  	[smem:$0x3FA5] =	sst s6  }
0xf: {  	[smem:$0x3FA6] =	sst s7  }
0x10: {  	[smem:$0x3FA7] =	sst s8  }
0x11: {  	[smem:$0x3FA8] =	sst s9;
	s0 =	simm.s32 @!p0 $0x0  }
0x12: {  	s1 =	sld [smem:$0x3F8E];
	s0 =	simm.s32 @p0 $0x1  }
0x13: {  	[smem:$0x3FA9] =	sst s0;
	s0 =	simm.s32 @!p1 $0x0  }
0x14: {  	s2 =	sld [smem:$0x3F8D];
	s0 =	simm.s32 @p1 $0x1  }
0x15: {  	[smem:$0x3FAA] =	sst s0;
	s0 =	simm.s32 @!p2 $0x0  }
0x16: {  	s3 =	sld [smem:$0x3FDB];
	s0 =	simm.s32 @p2 $0x1  }
0x17: {  	s4 =	simm.s32 $0x1BF5;
	[smem:$0x3FAC] =	sst s0  }
0x18: {  	s0 =	sld [smem:$0x3F8F];
	_ =	swait.ge [sflag:s4], $0x0  }
0x19: {  	s7 =	sld [smem:$0x3F90]  }
0x1a: {  	s8 =	sadd.s32 $0xFFFFE003, lr  }
0x1b: {  	s9 =	sadd.s32 $0xFFFFFEF7, lr;
	s5 =	simm.s32 $0xFFFFFFFF;
	p2 =	slt.u32 s8, $0xFFFFF086  }
0x1c: {  	p1 =	slt.u32 s9, $0xF7A;
	s5 =	simm.s32 @!p2 $0x0  }
0x1d: {  	s5 =	simm.s32 @p1 $0x1;
	p0 =	seq.s32 s7, s2  }
0x1e: {  	s7 =	smul.u32 @!p0 $0xF7A, s2;
	p2 =	seq.s32 @!p0 s5, $0x0  }
0x1f: {  	s9 =	smul.u32 $0xF7A, s1;
	s8 =	simm.s32 @!p0 $0x1BF5;
	p2 =	por !p2, p0  }
0x20: {  	[sflag:s8] =	ssyncset.s32 @!p0 $0xFFFFF086;
	s6 =	sadd.s32 @!p0 s3, s7;
	s7 =	simm.s32 @!p0 $0x108  }
0x21: {  	s3 =	sadd.s32 s3, s9;
	s6 =	sadd.s32 @!p0 $0x88, s6;
	s7 =	simm.s32 @p2 $0x1082  }
0x22: {  	[simem:s7], [sflag:s8] =	dma.local @!p0 [hbm:s6], $0xF7A  }
0x23: {  	s9 =	sor.u32 $0xD0000000, s2;
	s6 =	simm.s32 $0x108;
	_ =	swait.ge @!p0 [sflag:s8], $0x0  }
0x24: {  	s3 =	sadd.s32 $0x88, s3;
	s6 =	simm.s32 @!p1 $0x1082;
	[sflag:s4] =	ssyncset.s32 $0xFFFFF086  }
0x25: {  	[simem:s6], [sflag:s4] =	dma.local [hbm:s3], $0xF7A  }
0x26: {  	[smem:$0x3F90] =	sst s1;
	(tag) =	ssettag s2;
	_ =	strace s9  }
0x27: {  	s1 =	sld [smem:$0x3FA0]  }
0x28: {  	s2 =	sld [smem:$0x3FA1]  }
0x29: {  	s4 =	sld [smem:$0x3FA3]  }
0x2a: {  	p0 =	seq.s32 s5, $0x0;
	s5 =	sld [smem:$0x3FA4]  }
0x2b: {  	s6 =	sld [smem:$0x3FA5]  }
0x2c: {  	s7 =	sld [smem:$0x3FA6]  }
0x2d: {  	s3 =	simm.s32 $0x108;
	s8 =	sld [smem:$0x3FA7]  }
0x2e: {  	s3 =	simm.s32 @!p0 $0x1082;
	s9 =	sld [smem:$0x3FA8]  }
0x2f: {  	lr =	sadd.s32 s0, s3;
	s0 =	sld [smem:$0x3F9F]  }
0x30: {  	s3 =	sld [smem:$0x3FA2]  }
0x31: {  	[smem:$0x3FAB] =	sst s10  }
0x32: {  	s10 =	sld [smem:$0x3FA9];
	_ =	sdelay $0x3  }
0x33: {  	p0 =	seq.s32 s10, $0x1;
	s10 =	sld [smem:$0x3FAB];
	_ =	sdelay $0x3  }
0x34: {  	[smem:$0x3FAB] =	sst s10  }
0x35: {  	s10 =	sld [smem:$0x3FAA];
	_ =	sdelay $0x3  }
0x36: {  	p1 =	seq.s32 s10, $0x1;
	s10 =	sld [smem:$0x3FAB];
	_ =	sdelay $0x3  }
0x37: {  	[smem:$0x3FAB] =	sst s10  }
0x38: {  	s10 =	sld [smem:$0x3FAC]  }
0x39: {  	_ = 	snop;
	(pc) =	sbr.ind lr, $3  }
0x3a: {  	_ = 	snop  }
0x3b: {  	_ = 	snop  }
0x3c: {  	p2 =	seq.s32 s10, $0x1;
	s10 =	sld [smem:$0x3FAB]  }
0x3d: {  	_ =	shalt  }
0x3e: {  	_ =	shalt  }
0x3f: {  	_ =	shalt  }
0x40: {  	_ =	shalt  }
0x41: {  	_ =	shalt  }
0x42: {  	_ =	shalt  }
0x43: {  	_ =	shalt  }
0x44: {  	_ =	shalt  }
0x45: {  	_ =	shalt  }
0x46: {  	_ =	shalt  }
0x47: {  	_ =	shalt  }
0x48: {  	_ =	shalt  }
0x49: {  	_ =	shalt  }
0x4a: {  	_ =	shalt  }
0x4b: {  	_ =	shalt  }
0x4c: {  	_ =	shalt  }
0x4d: {  	_ =	shalt  }
0x4e: {  	_ =	shalt  }
0x4f: {  	_ =	shalt  }
0x50: {  	_ =	shalt  }
0x51: {  	_ =	shalt  }
0x52: {  	_ =	shalt  }
0x53: {  	_ =	shalt  }
0x54: {  	_ =	shalt  }
0x55: {  	_ =	shalt  }
0x56: {  	_ =	shalt  }
0x57: {  	_ =	shalt  }
0x58: {  	_ =	shalt  }
0x59: {  	_ =	shalt  }
0x5a: {  	_ =	shalt  }
0x5b: {  	_ =	shalt  }
0x5c: {  	_ =	shalt  }
0x5d: {  	_ =	shalt  }
0x5e: {  	_ =	shalt  }
0x5f: {  	_ =	shalt  }
0x60: {  	_ =	shalt  }
0x61: {  	_ =	shalt  }
0x62: {  	_ =	shalt  }
0x63: {  	_ =	shalt  }
0x64: {  	_ =	shalt  }
0x65: {  	_ =	shalt  }
0x66: {  	_ =	shalt  }
0x67: {  	_ =	shalt  }
0x68: {  	_ =	shalt  }
0x69: {  	_ =	shalt  }
0x6a: {  	_ =	shalt  }
0x6b: {  	_ =	shalt  }
0x6c: {  	_ =	shalt  }
0x6d: {  	_ =	shalt  }
0x6e: {  	_ =	shalt  }
0x6f: {  	_ =	shalt  }
0x70: {  	_ =	shalt  }
0x71: {  	_ =	shalt  }
0x72: {  	_ =	shalt  }
0x73: {  	_ =	shalt  }
0x74: {  	_ =	shalt  }
0x75: {  	_ =	shalt  }
0x76: {  	_ =	shalt  }
0x77: {  	_ =	shalt  }
0x78: {  	_ =	shalt  }
0x79: {  	_ =	shalt  }
0x7a: {  	_ =	shalt  }
0x7b: {  	_ =	shalt  }
0x7c: {  	_ =	shalt  }
0x7d: {  	_ =	shalt  }
0x7e: {  	_ =	shalt  }
0x7f: {  	_ =	shalt  }
0x80: {  	_ =	shalt  }
0x81: {  	_ =	shalt  }
0x82: {  	_ =	shalt  }
0x83: {  	_ =	shalt  }
0x84: {  	_ =	shalt  }
0x85: {  	_ =	shalt  }
0x86: {  	_ =	shalt  }
0x87: {  	_ =	shalt  }
.Lfunc_end0:
.L_simem_size_0:
called_computation.2_lowered:
.L_overlay_start_0:
0x88: {  	s2 =	sld [smem:$0x3FD9]  }
0x89: {  	s3 =	sld [smem:$0x3FFE];
	_ =	sdelay $0x1  }
0x8a: {  	s1 =	srdreg.scid  }
0x8b: {  	s0 =	sand.u32 $0x1, s1  }
0x8c: {  	s16 =	sshll.u32 s0, $0xA;
	s2 =	sadd.s32 s3, s2  }
0x8d: {  	s2 =	sadd.s32 s2, s16  }
0x8e: {  	[smem:$0x3FB7] =	sst s2  }
0x8f: {  	_ = 	snop  }
0x90: {  	(tm) =	ssettm $0x1  }
0x91: {  	s17 =	sld [smem:$0x3FFB];
	_ =	sdelay $0x3  }
0x92: {  	_ =	strace s17  }
0x93: {  	s2 =	sld [smem:$0x3FFC];
	_ =	sdelay $0x3  }
0x94: {  	_ =	strace s2  }
0x95: {  	s2 =	sld [smem:$0x3FFD];
	_ =	sdelay $0x3  }
0x96: {  	_ =	strace s2  }
0x97: {  	_ =	strace $0x8FFFFFFF  }
0x98: {  	s18 =	sld [smem:$0x3FDB];
	_ =	sdelay $0x1  }
0x99: {  	s19 =	simm.s32 $_scs_section_size  }
0x9a: {  	s4 =	simm.s32 $_size__tile_overlayer_lowered;
	s5 =	simm.s32 $_tile_overlayer_lowered  }
0x9b: {  	s22 =	simm.s32 $0x1BFF;
	s21 =	sshll.u32 s5, $0x1;
	s2 =	sadd.s32 s19, s18  }
0x9c: {  	s6 =	simm.s32 $0x0;
	s20 =	sshll.u32 s4, $0x1;
	s4 =	sadd.s32 s21, s2  }
0x9d: {  	[timem:s6], [sflag:s22] =	dma.local [hbm:s4], s20  }
0x9e: {  	_ =	swait.ge [sflag:s22], s20  }
0x9f: {  	s3 =	ssub.s32 $0x0, s20;
	[sflag:s22] =	ssyncset.done $0x0  }
0xa0: {  	[sflag:s22] =	ssyncadd.s32 s3;
	_ =	sdelay $0x1  }
0xa1: {  	s23 =	simm.s32 $0x1B8B  }
0xa2: {  	_ =	swait.ge [sflag:s23], $0x1  }
0xa3: {  	[sflag:s23] =	ssyncset.done $0x0  }
0xa4: {  	s25 =	simm.s32 $0x1B8E;
	s24 =	sld [smem:$0x3FFE];
	[sflag:s23] =	ssyncadd.s32 $0xFFFFFFFF  }
0xa5: {  	s26 =	simm.s32 $execute0_lowered;
	[smem:$0x3FD2] =	sst s25  }
0xa6: {  	s4 =	sshll.u32 s26, $0x1;
	_ =	strace $0x8000004C;
	[dreg:$0x1] =	wrdreg $0xFFFFFFFF  }
0xa7: {  	s28 =	simm.s32 $_size_execute0_lowered;
	s2 =	sadd.s32 s2, s4;
	[dreg:$0x0] =	wrdreg $0x0  }
0xa8: {  	s4 =	sshll.u32 s28, $0x1;
	[dreg:$0x2] =	wrdreg s2  }
0xa9: {  	[dreg:$0x3] =	wrdreg s4  }
0xaa: {  	[dreg:$0x4] =	wrdreg $0xC0  }
0xab: {  	_ =	task [dreg:s6], $0x5FFFF  }
0xac: {  	[dreg:$0x1] =	wrdreg $0xFFFFFFFF  }
0xad: {  	[dreg:$0x0] =	wrdreg $0x60  }
0xae: {  	[dreg:$0x2] =	wrdreg s24  }
0xaf: {  	[dreg:$0x3] =	wrdreg $0xBD000  }
0xb0: {  	[dreg:$0x4] =	wrdreg $0x9  }
0xb1: {  	_ =	task.clear_ibuf [dreg:s6], $0x5FFFF;
	_ =	strace $0x9000004C  }
0xb2: {  	s29 =	simm.s32 $0x9;
	_ =	strace $0x8000004E  }
0xb3: {  	_ =	swait.ge [sflag:s29], $0x1  }
0xb4: {  	[sflag:s29] =	ssyncadd.s32 $0xFFFFFFFF  }
0xb5: {  	_ =	strace $0x9000004E  }
0xb6: {  	_ =	sfence  }
0xb7: {  	s30 =	sld [smem:$0x0];
	_ =	sdelay $0x2  }
0xb8: {  	s31 =	sshll.u32 s1, $0xD;
	s1 =	sshrl.u32 s1, $0x2  }
0xb9: {  	s3 =	sand.u32 $0x4000, s31;
	s1 =	sadd.s32 s1, s30  }
0xba: {  	s0 =	sor.u32 s3, s0;
	s1 =	sshll.u32 s1, $0x11  }
0xbb: {  	s0 =	sor.u32 s1, s0  }
0xbc: {  	s0 =	sadd.s32 $0x8F2B, s0  }
0xbd: {  	[sflag:s0] =	ssyncadd.remote.s32 $0x1  }
0xbe: {  	_ =	sfence.sel $0xFFFF  }
0xbf: {  	[dreg:$0x0] =	wrdreg $0xFFFFFFFF;
	(pc) =	sbr.abs _section_cstart, $3  }
0xc0: {  	[dreg:$0x1] =	wrdreg $0xFFFFFFFF  }
0xc1: {  	_ =	task.clear_ibuf [dreg:s6], $0x2FFFF;
	_ =	strace $0x9FFFFFFF  }
0xc2: {  	(tm) =	ssettm $0x7FFFFFFF  }
0xc3: {  	_ =	shalt  }
tec
execute0_lowered:
.L_overlay_start_1:
0x0: {  	(tag) =	ssettag $0x1  }
0x1: {  	s5 =	rddreg [dreg:$0x0]  }
0x2: {  	s2 =	rddreg [dreg:$0x1]  }
0x3: {  	s0 =	rddreg [dreg:$0x2];
	s3 =	simm.s32 $0x0;
	s1 =	stileid.u32  }
0x4: {  	s7 =	srdreg.scid;
	s18 =	simm.s32 $0x80;
	s19 =	simm.s32 $0x3D00  }
0x5: {  	s20 =	simm.s32 $0x7D00;
	s21 =	simm.s32 $0x1;
	s6 =	smul.u32 $0x500, s1  }
0x6: {  	s22 =	simm.s32 $0x2;
	s4 =	sadd.s32 $0x116800, s5;
	s9 =	smul.u32 $0x2800, s1  }
0x7: {  	[smem:$0x7FF] =	sst s3;
	s10 =	sadd.s32 $0x102600, s5;
	s12 =	smul.u32 $0x280, s1  }
0x8: {  	s7 =	sand.u32 $0x1, s7;
	s13 =	sadd.s32 $0x1B6800, s5;
	s24 =	smul.u32 $0x50000, s1  }
0x9: {  	s31 =	sshll.u32 s1, $0x6;
	_ =	strace $0x8000004D;
	s14 =	smul.u32 $0x50000, s7  }
0xa: {  	s11 =	ssub.s32 $0x2, s7;
	s26 =	smul.u32 $0x5000, s7;
	s7 =	sshllo.u32 s7, $0x1  }
0xb: {  	s6 =	sadd.s32 s6, s5;
	s23 =	sshrl.u32 s11, $0x1;
	s16 =	smul.u32 $0x28000, s7  }
0xc: {  	s8 =	sadd.s32 s9, s5;
	s28 =	smul.u32 $0x2800, s7;
	s15 =	ssub.s32 s11, s23  }
0xd: {  	s5 =	sadd.s32 $0x2C00, s6;
	s25 =	sadd.s32 s9, s14;
	s6 =	sshrl.u32 s24, $0x2  }
0xe: {  	s7 =	sadd.s32 $0x61E00, s8;
	s14 =	sadd.s32 s12, s26;
	s23 =	simm.s32 $0x0  }
0xf: {  	s11 =	sshrl.u32 s25, $0x3;
	s17 =	sadd.s32 s6, s2;
	s9 =	sadd.s32 s9, s16  }
0x10: {  	s29 =	sshll.u32 s14, $0x4;
	s14 =	simm.s32 $0x1500;
	s16 =	sor.u32 $0x1C03, s31  }
0x11: {  	s6 =	sadd.s32 s10, s11;
	s9 =	sshrl.u32 s9, $0x3;
	s11 =	sadd.s32 s12, s28  }
0x12: {  	s17 =	sshrl.u32 s17, $0x3;
	s8 =	sadd.s32 $0x280, s6;
	s9 =	sadd.s32 s10, s9  }
0x13: {  	s30 =	sshll.u32 s11, $0x4;
	s10 =	sadd.s32 s13, s29;
	s11 =	sadd.s32 $0x280, s9  }
0x14: {  	s12 =	sadd.s32 s13, s30;
	s13 =	smax.u32 s15, $0x1;
	s15 =	simm.s32 $0x3  }
.LBB2_1:
0x15: {  	[tilespmem:s14], [sflag:$0x3] =	stream.linear.gather [hbm4b:s5+s3], $0x2800, $0x38;
	[tilespmem:$0x1FD00] =	vst v63  }
0x16: {  	_ =	swait.ge [sflag:s15], $0x2800  }
0x17: {  	[sflag:s15] =	ssyncset.done $0x0  }
0x18: {  	[sflag:s15] =	ssyncadd.s32 $0xFFFFD800  }
0x19: {  	[spmem:s17], [sflag:s16] =	dma.local [hbm:s7], $0x2800  }
0x1a: {  	_ =	swait.ge [sflag:s15], $0x2800  }
0x1b: {  	[sflag:s15] =	ssyncset.done $0x0  }
0x1c: {  	[sflag:s15] =	ssyncadd.s32 $0xFFFFD800  }
0x1d: {  	[bflag:$0x0] =	sbarrier.arrive $0xFFFF  }
0x1e: {  	[tilespmem:s3], [sflag:$0x3] =	stream.linear.gather [hbm4b:s6+s3], $0x1500, $0x38;
	[tilespmem:$0x1FD00] =	vst v63  }
0x1f: {  	_ =	swait.ge [sflag:s15], $0x1500  }
0x20: {  	[sflag:s15] =	ssyncset.done $0x0  }
0x21: {  	[sflag:s15] =	ssyncadd.s32 $0xFFFFEB00  }
0x22: {  	[tilespmem:s19], [sflag:$0x1] =	stream.indirect.gather [hbm4b:s4+s18], $0x80, s3, s18, $0xb8;
	[tilespmem:$0x1FD00] =	vst v63  }
0x23: {  	_ = 	snop  }
0x24: {  	[tilespmem:s20], [sflag:$0x2] =	stream.indirect.gather [hbm4b:s4+s18], $0x80, s18, s18, $0xb8;
	[tilespmem:$0x1FD00] =	vst v63  }
0x25: {  	_ =	swait.ge [sflag:s21], $0x4000  }
0x26: {  	[sflag:s21] =	ssyncset.done $0x0  }
0x27: {  	s24 =	simm.s32 $0x1500;
	[sflag:s21] =	ssyncadd.s32 $0xFFFFC000  }
0x28: {  	[spmem:s2] =	stream.indirect.scatter.add.f32 [tilespmem:s19], [sflag:$0x3], $0x80, s24, s18, $0xb8;
	[tilespmem:$0x1FD00] =	vst v63  }
0x29: {  	_ =	swait.ge [sflag:s15], $0x4000  }
0x2a: {  	[sflag:s15] =	ssyncset.done $0x0  }
0x2b: {  	s30 =	simm.s32 $0x100;
	[sflag:s15] =	ssyncadd.s32 $0xFFFFC000  }
0x2c: {  	[tilespmem:s19], [sflag:$0x1] =	stream.indirect.gather [hbm4b:s4+s18], $0x80, s30, s18, $0xb8;
	[tilespmem:$0x1FD00] =	vst v63  }
0x2d: {  	_ =	swait.ge [sflag:s22], $0x4000  }
0x2e: {  	[sflag:s22] =	ssyncset.done $0x0  }
0x2f: {  	s31 =	simm.s32 $0x1580;
	[sflag:s22] =	ssyncadd.s32 $0xFFFFC000  }
0x30: {  	[spmem:s2] =	stream.indirect.scatter.add.f32 [tilespmem:s20], [sflag:$0x3], $0x80, s31, s18, $0xb8;
	[tilespmem:$0x1FD00] =	vst v63  }
0x31: {  	_ =	swait.ge [sflag:s15], $0x4000  }
0x32: {  	[sflag:s15] =	ssyncset.done $0x0  }
0x33: {  	s25 =	simm.s32 $0x180;
	s24 =	simm.s32 $0x400;
	[sflag:s15] =	ssyncadd.s32 $0xFFFFC000  }
.LBB2_2:
0x34: {  	[tilespmem:s20], [sflag:$0x2] =	stream.indirect.gather [hbm4b:s4+s18], $0x80, s25, s18, $0xb8;
	[tilespmem:$0x1FD00] =	vst v63  }
0x35: {  	s25 =	smov.u32 s24  }
0x36: {  	p0 =	sne.s32 s24, $0x4C00;
	s24 =	sadd.s32 $0x400, s24;
	_ =	swait.ge [sflag:s21], $0x4000  }
0x37: {  	s25 =	sshra.s32 s25, $0x2;
	[sflag:s21] =	ssyncset.done $0x0  }
0x38: {  	s26 =	sadd.s32 $0x1500, s25;
	[sflag:s21] =	ssyncadd.s32 $0xFFFFC000  }
0x39: {  	[spmem:s2] =	stream.indirect.scatter.add.f32 [tilespmem:s19], [sflag:$0x3], $0x80, s26, s18, $0xb8;
	[tilespmem:$0x1FD00] =	vst v63  }
0x3a: {  	_ =	swait.ge [sflag:s15], $0x4000  }
0x3b: {  	[sflag:s15] =	ssyncset.done $0x0  }
0x3c: {  	s26 =	sadd.s32 $0x100, s25;
	[sflag:s15] =	ssyncadd.s32 $0xFFFFC000  }
0x3d: {  	[tilespmem:s19], [sflag:$0x1] =	stream.indirect.gather [hbm4b:s4+s18], $0x80, s26, s18, $0xb8;
	[tilespmem:$0x1FD00] =	vst v63  }
0x3e: {  	_ =	swait.ge [sflag:s22], $0x4000  }
0x3f: {  	[sflag:s22] =	ssyncset.done $0x0  }
.Ltmp0:
0x40: {  	s26 =	sadd.s32 $0x1580, s25;
	[sflag:s22] =	ssyncadd.s32 $0xFFFFC000;
	(pc) =	sbr.rel @p0 .LBB2_2-.Ltmp0, $4  }
0x41: {  	[spmem:s2] =	stream.indirect.scatter.add.f32 [tilespmem:s20], [sflag:$0x3], $0x80, s26, s18, $0xb8;
	[tilespmem:$0x1FD00] =	vst v63  }
0x42: {  	_ =	swait.ge [sflag:s15], $0x4000  }
0x43: {  	[sflag:s15] =	ssyncset.done $0x0  }
0x44: {  	s25 =	sadd.s32 $0x180, s25;
	[sflag:s15] =	ssyncadd.s32 $0xFFFFC000  }
0x45: {  	[tilespmem:s20], [sflag:$0x2] =	stream.indirect.gather [hbm4b:s4+s18], $0x80, s25, s18, $0xb8;
	[tilespmem:$0x1FD00] =	vst v63  }
0x46: {  	_ =	swait.ge [sflag:s21], $0x4000  }
0x47: {  	[sflag:s21] =	ssyncset.done $0x0  }
0x48: {  	[sflag:s21] =	ssyncadd.s32 $0xFFFFC000  }
0x49: {  	_ =	swait.ge [sflag:s22], $0x4000  }
0x4a: {  	[sflag:s22] =	ssyncset.done $0x0  }
0x4b: {  	[sflag:s22] =	ssyncadd.s32 $0xFFFFC000  }
0x4c: {  	[tilespmem:s3], [sflag:$0x3] =	stream.linear.gather [hbm4b:s8+s3], $0x1500, $0x38;
	[tilespmem:$0x1FD00] =	vst v63  }
0x4d: {  	_ =	swait.ge [sflag:s15], $0x1500  }
0x4e: {  	[sflag:s15] =	ssyncset.done $0x0  }
0x4f: {  	[sflag:s15] =	ssyncadd.s32 $0xFFFFEB00  }
0x50: {  	[tilespmem:s19], [sflag:$0x1] =	stream.indirect.gather [hbm4b:s4+s18], $0x80, s3, s18, $0xb8;
	[tilespmem:$0x1FD00] =	vst v63  }
0x51: {  	_ = 	snop  }
0x52: {  	[tilespmem:s20], [sflag:$0x2] =	stream.indirect.gather [hbm4b:s4+s18], $0x80, s18, s18, $0xb8;
	[tilespmem:$0x1FD00] =	vst v63  }
0x53: {  	_ =	swait.ge [sflag:s21], $0x4000  }
0x54: {  	[sflag:s21] =	ssyncset.done $0x0  }
0x55: {  	s24 =	simm.s32 $0x2900;
	[sflag:s21] =	ssyncadd.s32 $0xFFFFC000  }
0x56: {  	[spmem:s2] =	stream.indirect.scatter.add.f32 [tilespmem:s19], [sflag:$0x3], $0x80, s24, s18, $0xb8;
	[tilespmem:$0x1FD00] =	vst v63  }
0x57: {  	_ =	swait.ge [sflag:s15], $0x4000  }
0x58: {  	[sflag:s15] =	ssyncset.done $0x0  }
0x59: {  	s30 =	simm.s32 $0x100;
	[sflag:s15] =	ssyncadd.s32 $0xFFFFC000  }
0x5a: {  	[tilespmem:s19], [sflag:$0x1] =	stream.indirect.gather [hbm4b:s4+s18], $0x80, s30, s18, $0xb8;
	[tilespmem:$0x1FD00] =	vst v63  }
0x5b: {  	_ =	swait.ge [sflag:s22], $0x4000  }
0x5c: {  	[sflag:s22] =	ssyncset.done $0x0  }
0x5d: {  	s31 =	simm.s32 $0x2980;
	[sflag:s22] =	ssyncadd.s32 $0xFFFFC000  }
0x5e: {  	[spmem:s2] =	stream.indirect.scatter.add.f32 [tilespmem:s20], [sflag:$0x3], $0x80, s31, s18, $0xb8;
	[tilespmem:$0x1FD00] =	vst v63  }
0x5f: {  	_ =	swait.ge [sflag:s15], $0x4000  }
0x60: {  	[sflag:s15] =	ssyncset.done $0x0  }
0x61: {  	s25 =	simm.s32 $0x180;
	s24 =	simm.s32 $0xFFFFB400;
	[sflag:s15] =	ssyncadd.s32 $0xFFFFC000  }
.LBB2_4:
0x62: {  	[tilespmem:s20], [sflag:$0x2] =	stream.indirect.gather [hbm4b:s4+s18], $0x80, s25, s18, $0xb8;
	[tilespmem:$0x1FD00] =	vst v63  }
0x63: {  	s25 =	smov.u32 s24  }
0x64: {  	p0 =	sne.s32 s24, $0xFFFFFC00;
	s24 =	sadd.s32 $0x400, s24;
	_ =	swait.ge [sflag:s21], $0x4000  }
0x65: {  	s25 =	sshra.s32 s25, $0x2;
	[sflag:s21] =	ssyncset.done $0x0  }
0x66: {  	s26 =	sadd.s32 $0x3D00, s25;
	[sflag:s21] =	ssyncadd.s32 $0xFFFFC000  }
0x67: {  	[spmem:s2] =	stream.indirect.scatter.add.f32 [tilespmem:s19], [sflag:$0x3], $0x80, s26, s18, $0xb8;
	[tilespmem:$0x1FD00] =	vst v63  }
0x68: {  	_ =	swait.ge [sflag:s15], $0x4000  }
0x69: {  	[sflag:s15] =	ssyncset.done $0x0  }
0x6a: {  	s26 =	sadd.s32 $0x1500, s25;
	[sflag:s15] =	ssyncadd.s32 $0xFFFFC000  }
0x6b: {  	[tilespmem:s19], [sflag:$0x1] =	stream.indirect.gather [hbm4b:s4+s18], $0x80, s26, s18, $0xb8;
	[tilespmem:$0x1FD00] =	vst v63  }
0x6c: {  	_ =	swait.ge [sflag:s22], $0x4000  }
0x6d: {  	[sflag:s22] =	ssyncset.done $0x0  }
.Ltmp1:
0x6e: {  	s26 =	sadd.s32 $0x3D80, s25;
	[sflag:s22] =	ssyncadd.s32 $0xFFFFC000;
	(pc) =	sbr.rel @p0 .LBB2_4-.Ltmp1, $4  }
0x6f: {  	[spmem:s2] =	stream.indirect.scatter.add.f32 [tilespmem:s20], [sflag:$0x3], $0x80, s26, s18, $0xb8;
	[tilespmem:$0x1FD00] =	vst v63  }
0x70: {  	_ =	swait.ge [sflag:s15], $0x4000  }
0x71: {  	[sflag:s15] =	ssyncset.done $0x0  }
0x72: {  	s25 =	sadd.s32 $0x1580, s25;
	[sflag:s15] =	ssyncadd.s32 $0xFFFFC000  }
0x73: {  	[tilespmem:s20], [sflag:$0x2] =	stream.indirect.gather [hbm4b:s4+s18], $0x80, s25, s18, $0xb8;
	[tilespmem:$0x1FD00] =	vst v63  }
0x74: {  	_ =	swait.ge [sflag:s21], $0x4000  }
0x75: {  	[sflag:s21] =	ssyncset.done $0x0  }
0x76: {  	[sflag:s21] =	ssyncadd.s32 $0xFFFFC000  }
0x77: {  	_ =	swait.ge [sflag:s22], $0x4000  }
0x78: {  	[sflag:s22] =	ssyncset.done $0x0  }
0x79: {  	[sflag:s22] =	ssyncadd.s32 $0xFFFFC000  }
0x7a: {  	[bflag:$0x0] =	sbarrier.arrive $0xFFFF  }
0x7b: {  	[hbm:s10], [sflag:s16] =	dma.local [spmem:s17], $0x2800  }
0x7c: {  	_ =	swait.ge [sflag:s15], $0x2800  }
0x7d: {  	[sflag:s15] =	ssyncset.done $0x0  }
0x7e: {  	[sflag:s15] =	ssyncadd.s32 $0xFFFFD800  }
0x7f: {  	[spmem:s17], [sflag:s16] =	dma.local [hbm:s7], $0x2800  }
0x80: {  	_ =	swait.ge [sflag:s15], $0x2800  }
0x81: {  	[sflag:s15] =	ssyncset.done $0x0  }
0x82: {  	[sflag:s15] =	ssyncadd.s32 $0xFFFFD800  }
0x83: {  	s24 =	simm.s32 $0x0;
	[bflag:$0x0] =	sbarrier.arrive $0xFFFF  }
0x84: {  	[tilespmem:s24], [sflag:$0x3] =	stream.linear.gather [hbm4b:s9+s24], $0x1500, $0x38;
	[tilespmem:$0x1FD00] =	vst v63  }
0x85: {  	_ =	swait.ge [sflag:s15], $0x1500  }
0x86: {  	[sflag:s15] =	ssyncset.done $0x0  }
0x87: {  	[sflag:s15] =	ssyncadd.s32 $0xFFFFEB00  }
0x88: {  	[tilespmem:s19], [sflag:$0x1] =	stream.indirect.gather [hbm4b:s4+s18], $0x80, s24, s18, $0xb8;
	[tilespmem:$0x1FD00] =	vst v63  }
0x89: {  	_ = 	snop  }
0x8a: {  	[tilespmem:s20], [sflag:$0x2] =	stream.indirect.gather [hbm4b:s4+s18], $0x80, s18, s18, $0xb8;
	[tilespmem:$0x1FD00] =	vst v63  }
0x8b: {  	_ =	swait.ge [sflag:s21], $0x4000  }
0x8c: {  	[sflag:s21] =	ssyncset.done $0x0  }
0x8d: {  	s29 =	simm.s32 $0x1500;
	[sflag:s21] =	ssyncadd.s32 $0xFFFFC000  }
0x8e: {  	[spmem:s2] =	stream.indirect.scatter.add.f32 [tilespmem:s19], [sflag:$0x3], $0x80, s29, s18, $0xb8;
	[tilespmem:$0x1FD00] =	vst v63  }
0x8f: {  	_ =	swait.ge [sflag:s15], $0x4000  }
0x90: {  	[sflag:s15] =	ssyncset.done $0x0  }
0x91: {  	s30 =	simm.s32 $0x100;
	[sflag:s15] =	ssyncadd.s32 $0xFFFFC000  }
0x92: {  	[tilespmem:s19], [sflag:$0x1] =	stream.indirect.gather [hbm4b:s4+s18], $0x80, s30, s18, $0xb8;
	[tilespmem:$0x1FD00] =	vst v63  }
0x93: {  	_ =	swait.ge [sflag:s22], $0x4000  }
0x94: {  	[sflag:s22] =	ssyncset.done $0x0  }
0x95: {  	s31 =	simm.s32 $0x1580;
	[sflag:s22] =	ssyncadd.s32 $0xFFFFC000  }
0x96: {  	[spmem:s2] =	stream.indirect.scatter.add.f32 [tilespmem:s20], [sflag:$0x3], $0x80, s31, s18, $0xb8;
	[tilespmem:$0x1FD00] =	vst v63  }
0x97: {  	_ =	swait.ge [sflag:s15], $0x4000  }
0x98: {  	[sflag:s15] =	ssyncset.done $0x0  }
0x99: {  	s25 =	simm.s32 $0x180;
	s24 =	simm.s32 $0x400;
	[sflag:s15] =	ssyncadd.s32 $0xFFFFC000  }
.LBB2_6:
0x9a: {  	[tilespmem:s20], [sflag:$0x2] =	stream.indirect.gather [hbm4b:s4+s18], $0x80, s25, s18, $0xb8;
	[tilespmem:$0x1FD00] =	vst v63  }
0x9b: {  	s25 =	smov.u32 s24  }
0x9c: {  	p0 =	sne.s32 s24, $0x4C00;
	s24 =	sadd.s32 $0x400, s24;
	_ =	swait.ge [sflag:s21], $0x4000  }
0x9d: {  	s25 =	sshra.s32 s25, $0x2;
	[sflag:s21] =	ssyncset.done $0x0  }
0x9e: {  	s26 =	sadd.s32 $0x1500, s25;
	[sflag:s21] =	ssyncadd.s32 $0xFFFFC000  }
0x9f: {  	[spmem:s2] =	stream.indirect.scatter.add.f32 [tilespmem:s19], [sflag:$0x3], $0x80, s26, s18, $0xb8;
	[tilespmem:$0x1FD00] =	vst v63  }
0xa0: {  	_ =	swait.ge [sflag:s15], $0x4000  }
0xa1: {  	[sflag:s15] =	ssyncset.done $0x0  }
0xa2: {  	s26 =	sadd.s32 $0x100, s25;
	[sflag:s15] =	ssyncadd.s32 $0xFFFFC000  }
0xa3: {  	[tilespmem:s19], [sflag:$0x1] =	stream.indirect.gather [hbm4b:s4+s18], $0x80, s26, s18, $0xb8;
	[tilespmem:$0x1FD00] =	vst v63  }
0xa4: {  	_ =	swait.ge [sflag:s22], $0x4000  }
0xa5: {  	[sflag:s22] =	ssyncset.done $0x0  }
.Ltmp2:
0xa6: {  	s26 =	sadd.s32 $0x1580, s25;
	[sflag:s22] =	ssyncadd.s32 $0xFFFFC000;
	(pc) =	sbr.rel @p0 .LBB2_6-.Ltmp2, $4  }
0xa7: {  	[spmem:s2] =	stream.indirect.scatter.add.f32 [tilespmem:s20], [sflag:$0x3], $0x80, s26, s18, $0xb8;
	[tilespmem:$0x1FD00] =	vst v63  }
0xa8: {  	_ =	swait.ge [sflag:s15], $0x4000  }
0xa9: {  	[sflag:s15] =	ssyncset.done $0x0  }
0xaa: {  	s25 =	sadd.s32 $0x180, s25;
	[sflag:s15] =	ssyncadd.s32 $0xFFFFC000  }
0xab: {  	[tilespmem:s20], [sflag:$0x2] =	stream.indirect.gather [hbm4b:s4+s18], $0x80, s25, s18, $0xb8;
	[tilespmem:$0x1FD00] =	vst v63  }
0xac: {  	_ =	swait.ge [sflag:s21], $0x4000  }
0xad: {  	[sflag:s21] =	ssyncset.done $0x0  }
0xae: {  	[sflag:s21] =	ssyncadd.s32 $0xFFFFC000  }
0xaf: {  	_ =	swait.ge [sflag:s22], $0x4000  }
0xb0: {  	[sflag:s22] =	ssyncset.done $0x0  }
0xb1: {  	[sflag:s22] =	ssyncadd.s32 $0xFFFFC000  }
0xb2: {  	[tilespmem:s3], [sflag:$0x3] =	stream.linear.gather [hbm4b:s11+s3], $0x1500, $0x38;
	[tilespmem:$0x1FD00] =	vst v63  }
0xb3: {  	_ =	swait.ge [sflag:s15], $0x1500  }
0xb4: {  	[sflag:s15] =	ssyncset.done $0x0  }
0xb5: {  	[sflag:s15] =	ssyncadd.s32 $0xFFFFEB00  }
0xb6: {  	[tilespmem:s19], [sflag:$0x1] =	stream.indirect.gather [hbm4b:s4+s18], $0x80, s3, s18, $0xb8;
	[tilespmem:$0x1FD00] =	vst v63  }
0xb7: {  	_ = 	snop  }
0xb8: {  	[tilespmem:s20], [sflag:$0x2] =	stream.indirect.gather [hbm4b:s4+s18], $0x80, s18, s18, $0xb8;
	[tilespmem:$0x1FD00] =	vst v63  }
0xb9: {  	_ =	swait.ge [sflag:s21], $0x4000  }
0xba: {  	[sflag:s21] =	ssyncset.done $0x0  }
0xbb: {  	s24 =	simm.s32 $0x2900;
	[sflag:s21] =	ssyncadd.s32 $0xFFFFC000  }
0xbc: {  	[spmem:s2] =	stream.indirect.scatter.add.f32 [tilespmem:s19], [sflag:$0x3], $0x80, s24, s18, $0xb8;
	[tilespmem:$0x1FD00] =	vst v63  }
0xbd: {  	_ =	swait.ge [sflag:s15], $0x4000  }
0xbe: {  	[sflag:s15] =	ssyncset.done $0x0  }
0xbf: {  	s30 =	simm.s32 $0x100;
	[sflag:s15] =	ssyncadd.s32 $0xFFFFC000  }
0xc0: {  	[tilespmem:s19], [sflag:$0x1] =	stream.indirect.gather [hbm4b:s4+s18], $0x80, s30, s18, $0xb8;
	[tilespmem:$0x1FD00] =	vst v63  }
0xc1: {  	_ =	swait.ge [sflag:s22], $0x4000  }
0xc2: {  	[sflag:s22] =	ssyncset.done $0x0  }
0xc3: {  	s31 =	simm.s32 $0x2980;
	[sflag:s22] =	ssyncadd.s32 $0xFFFFC000  }
0xc4: {  	[spmem:s2] =	stream.indirect.scatter.add.f32 [tilespmem:s20], [sflag:$0x3], $0x80, s31, s18, $0xb8;
	[tilespmem:$0x1FD00] =	vst v63  }
0xc5: {  	_ =	swait.ge [sflag:s15], $0x4000  }
0xc6: {  	[sflag:s15] =	ssyncset.done $0x0  }
0xc7: {  	s25 =	simm.s32 $0x180;
	s24 =	simm.s32 $0xFFFFB400;
	[sflag:s15] =	ssyncadd.s32 $0xFFFFC000  }
.LBB2_8:
0xc8: {  	[tilespmem:s20], [sflag:$0x2] =	stream.indirect.gather [hbm4b:s4+s18], $0x80, s25, s18, $0xb8;
	[tilespmem:$0x1FD00] =	vst v63  }
0xc9: {  	s25 =	smov.u32 s24  }
0xca: {  	p0 =	sne.s32 s24, $0xFFFFFC00;
	s24 =	sadd.s32 $0x400, s24;
	_ =	swait.ge [sflag:s21], $0x4000  }
0xcb: {  	s25 =	sshra.s32 s25, $0x2;
	[sflag:s21] =	ssyncset.done $0x0  }
0xcc: {  	s26 =	sadd.s32 $0x3D00, s25;
	[sflag:s21] =	ssyncadd.s32 $0xFFFFC000  }
0xcd: {  	[spmem:s2] =	stream.indirect.scatter.add.f32 [tilespmem:s19], [sflag:$0x3], $0x80, s26, s18, $0xb8;
	[tilespmem:$0x1FD00] =	vst v63  }
0xce: {  	_ =	swait.ge [sflag:s15], $0x4000  }
0xcf: {  	[sflag:s15] =	ssyncset.done $0x0  }
0xd0: {  	s26 =	sadd.s32 $0x1500, s25;
	[sflag:s15] =	ssyncadd.s32 $0xFFFFC000  }
0xd1: {  	[tilespmem:s19], [sflag:$0x1] =	stream.indirect.gather [hbm4b:s4+s18], $0x80, s26, s18, $0xb8;
	[tilespmem:$0x1FD00] =	vst v63  }
0xd2: {  	_ =	swait.ge [sflag:s22], $0x4000  }
0xd3: {  	[sflag:s22] =	ssyncset.done $0x0  }
.Ltmp3:
0xd4: {  	s26 =	sadd.s32 $0x3D80, s25;
	[sflag:s22] =	ssyncadd.s32 $0xFFFFC000;
	(pc) =	sbr.rel @p0 .LBB2_8-.Ltmp3, $4  }
0xd5: {  	[spmem:s2] =	stream.indirect.scatter.add.f32 [tilespmem:s20], [sflag:$0x3], $0x80, s26, s18, $0xb8;
	[tilespmem:$0x1FD00] =	vst v63  }
0xd6: {  	_ =	swait.ge [sflag:s15], $0x4000  }
0xd7: {  	[sflag:s15] =	ssyncset.done $0x0  }
0xd8: {  	s25 =	sadd.s32 $0x1580, s25;
	[sflag:s15] =	ssyncadd.s32 $0xFFFFC000  }
0xd9: {  	[tilespmem:s20], [sflag:$0x2] =	stream.indirect.gather [hbm4b:s4+s18], $0x80, s25, s18, $0xb8;
	[tilespmem:$0x1FD00] =	vst v63  }
0xda: {  	_ =	swait.ge [sflag:s21], $0x4000  }
0xdb: {  	[sflag:s21] =	ssyncset.done $0x0  }
0xdc: {  	[sflag:s21] =	ssyncadd.s32 $0xFFFFC000  }
0xdd: {  	_ =	swait.ge [sflag:s22], $0x4000  }
0xde: {  	s23 =	sadd.s32 $0x1, s23;
	[sflag:s22] =	ssyncset.done $0x0  }
0xdf: {  	p0 =	sne.s32 s23, s13;
	[sflag:s22] =	ssyncadd.s32 $0xFFFFC000  }
.Ltmp4:
0xe0: {  	[bflag:$0x0] =	sbarrier.arrive $0xFFFF;
	(pc) =	sbr.rel @p0 .LBB2_1-.Ltmp4, $4  }
0xe1: {  	[hbm:s12], [sflag:s16] =	dma.local [spmem:s17], $0x2800  }
0xe2: {  	_ =	swait.ge [sflag:s15], $0x2800  }
0xe3: {  	[sflag:s15] =	ssyncset.done $0x0  }
0xe4: {  	[sflag:s15] =	ssyncadd.s32 $0xFFFFD800  }
0xe5: {  	_ =	sfence.sel $0x180000  }
0xe6: {  	[bflag:$0x0] =	sbarrier.arrive $0xFFFF  }
0xe7: {  	p0 =	sne.s32 s1, $0x0;
	_ =	strace $0x9000004D  }
0xe8: {  	s0 =	sadd.s32 @!p0 $0x100000, s0;
	[bflag:$0x2] =	sbarrier.arrive $0xFFFF  }
0xe9: {  	[sflag:s0] =	ssyncadd.tile.s32 @!p0 $0x1;
	_ =	shalt  }
.Lfunc_end2:
_tile_overlayer_lowered:
.L_overlay_start_2:
0xea: {  	(tag) =	ssettag $0x2  }
0xeb: {  	s0 =	rddreg [dreg:$0x0];
	s2 =	stileid.u32  }
0xec: {  	s1 =	rddreg [dreg:$0x1];
	p0 =	sne.s32 s2, $0x0  }
0xed: {  	s3 =	rddreg [dreg:$0x2];
	[bflag:$0x3] =	sbarrier.arrive $0xFFFF;
	s2 =	simm.s32 @!p0 $0x1C03  }
0xee: {  	[timem:s3], [sflag:s2] =	dma.local @!p0 [hbm:s0], s1  }
0xef: {  	s0 =	simm.s32 @!p0 $0x3  }
0xf0: {  	_ =	swait.ge @!p0 [sflag:s0], s1  }
0xf1: {  	s1 =	ssub.s32 @!p0 $0x0, s1;
	[sflag:s0] =	ssyncset.done @!p0 $0x0  }
0xf2: {  	[sflag:s0] =	ssyncadd.s32 @!p0 s1  }
0xf3: {  	[bflag:$0x3] =	sbarrier.arrive $0xFFFF  }
0xf4: {  	_ =	shalt  }

// kernel: kernel.19.cloned.1.call-start
scs
__scs_entry_jumppad:
0x0: {  	(pc) =	sbr.rel $0x88, $3  }
0x1: {  	(tag) =	ssettag $0x0;
	lr =	simm.s32 $0x1  }
0x2: {  	[smem:$0x3F90] =	sst lr;
	_ =	strace $0xD0000000  }
0x3: {  	_ = 	snop  }
0x4: {  	_ = 	snop  }
0x5: {  	_ = 	snop  }
0x6: {  	_ = 	snop  }
0x7: {  	_ = 	snop  }
__scs_overlays_trampoline_lowered:
0x8: {  	[smem:$0x3F9F] =	sst s0  }
0x9: {  	[smem:$0x3FA0] =	sst s1  }
0xa: {  	[smem:$0x3FA1] =	sst s2  }
0xb: {  	[smem:$0x3FA2] =	sst s3  }
0xc: {  	[smem:$0x3FA3] =	sst s4  }
0xd: {  	[smem:$0x3FA4] =	sst s5  }
0xe: {  	[smem:$0x3FA5] =	sst s6  }
0xf: {  	[smem:$0x3FA6] =	sst s7  }
0x10: {  	[smem:$0x3FA7] =	sst s8  }
0x11: {  	[smem:$0x3FA8] =	sst s9;
	s0 =	simm.s32 @!p0 $0x0  }
0x12: {  	s1 =	sld [smem:$0x3F8E];
	s0 =	simm.s32 @p0 $0x1  }
0x13: {  	[smem:$0x3FA9] =	sst s0;
	s0 =	simm.s32 @!p1 $0x0  }
0x14: {  	s2 =	sld [smem:$0x3F8D];
	s0 =	simm.s32 @p1 $0x1  }
0x15: {  	[smem:$0x3FAA] =	sst s0;
	s0 =	simm.s32 @!p2 $0x0  }
0x16: {  	s3 =	sld [smem:$0x3FDB];
	s0 =	simm.s32 @p2 $0x1  }
0x17: {  	s4 =	simm.s32 $0x1BF5;
	[smem:$0x3FAC] =	sst s0  }
0x18: {  	s0 =	sld [smem:$0x3F8F];
	_ =	swait.ge [sflag:s4], $0x0  }
0x19: {  	s7 =	sld [smem:$0x3F90]  }
0x1a: {  	s8 =	sadd.s32 $0xFFFFE003, lr  }
0x1b: {  	s9 =	sadd.s32 $0xFFFFFEF7, lr;
	s5 =	simm.s32 $0xFFFFFFFF;
	p2 =	slt.u32 s8, $0xFFFFF086  }
0x1c: {  	p1 =	slt.u32 s9, $0xF7A;
	s5 =	simm.s32 @!p2 $0x0  }
0x1d: {  	s5 =	simm.s32 @p1 $0x1;
	p0 =	seq.s32 s7, s2  }
0x1e: {  	s7 =	smul.u32 @!p0 $0xF7A, s2;
	p2 =	seq.s32 @!p0 s5, $0x0  }
0x1f: {  	s9 =	smul.u32 $0xF7A, s1;
	s8 =	simm.s32 @!p0 $0x1BF5;
	p2 =	por !p2, p0  }
0x20: {  	[sflag:s8] =	ssyncset.s32 @!p0 $0xFFFFF086;
	s6 =	sadd.s32 @!p0 s3, s7;
	s7 =	simm.s32 @!p0 $0x108  }
0x21: {  	s3 =	sadd.s32 s3, s9;
	s6 =	sadd.s32 @!p0 $0x88, s6;
	s7 =	simm.s32 @p2 $0x1082  }
0x22: {  	[simem:s7], [sflag:s8] =	dma.local @!p0 [hbm:s6], $0xF7A  }
0x23: {  	s9 =	sor.u32 $0xD0000000, s2;
	s6 =	simm.s32 $0x108;
	_ =	swait.ge @!p0 [sflag:s8], $0x0  }
0x24: {  	s3 =	sadd.s32 $0x88, s3;
	s6 =	simm.s32 @!p1 $0x1082;
	[sflag:s4] =	ssyncset.s32 $0xFFFFF086  }
0x25: {  	[simem:s6], [sflag:s4] =	dma.local [hbm:s3], $0xF7A  }
0x26: {  	[smem:$0x3F90] =	sst s1;
	(tag) =	ssettag s2;
	_ =	strace s9  }
0x27: {  	s1 =	sld [smem:$0x3FA0]  }
0x28: {  	s2 =	sld [smem:$0x3FA1]  }
0x29: {  	s4 =	sld [smem:$0x3FA3]  }
0x2a: {  	p0 =	seq.s32 s5, $0x0;
	s5 =	sld [smem:$0x3FA4]  }
0x2b: {  	s6 =	sld [smem:$0x3FA5]  }
0x2c: {  	s7 =	sld [smem:$0x3FA6]  }
0x2d: {  	s3 =	simm.s32 $0x108;
	s8 =	sld [smem:$0x3FA7]  }
0x2e: {  	s3 =	simm.s32 @!p0 $0x1082;
	s9 =	sld [smem:$0x3FA8]  }
0x2f: {  	lr =	sadd.s32 s0, s3;
	s0 =	sld [smem:$0x3F9F]  }
0x30: {  	s3 =	sld [smem:$0x3FA2]  }
0x31: {  	[smem:$0x3FAB] =	sst s10  }
0x32: {  	s10 =	sld [smem:$0x3FA9];
	_ =	sdelay $0x3  }
0x33: {  	p0 =	seq.s32 s10, $0x1;
	s10 =	sld [smem:$0x3FAB];
	_ =	sdelay $0x3  }
0x34: {  	[smem:$0x3FAB] =	sst s10  }
0x35: {  	s10 =	sld [smem:$0x3FAA];
	_ =	sdelay $0x3  }
0x36: {  	p1 =	seq.s32 s10, $0x1;
	s10 =	sld [smem:$0x3FAB];
	_ =	sdelay $0x3  }
0x37: {  	[smem:$0x3FAB] =	sst s10  }
0x38: {  	s10 =	sld [smem:$0x3FAC]  }
0x39: {  	_ = 	snop;
	(pc) =	sbr.ind lr, $3  }
0x3a: {  	_ = 	snop  }
0x3b: {  	_ = 	snop  }
0x3c: {  	p2 =	seq.s32 s10, $0x1;
	s10 =	sld [smem:$0x3FAB]  }
0x3d: {  	_ =	shalt  }
0x3e: {  	_ =	shalt  }
0x3f: {  	_ =	shalt  }
0x40: {  	_ =	shalt  }
0x41: {  	_ =	shalt  }
0x42: {  	_ =	shalt  }
0x43: {  	_ =	shalt  }
0x44: {  	_ =	shalt  }
0x45: {  	_ =	shalt  }
0x46: {  	_ =	shalt  }
0x47: {  	_ =	shalt  }
0x48: {  	_ =	shalt  }
0x49: {  	_ =	shalt  }
0x4a: {  	_ =	shalt  }
0x4b: {  	_ =	shalt  }
0x4c: {  	_ =	shalt  }
0x4d: {  	_ =	shalt  }
0x4e: {  	_ =	shalt  }
0x4f: {  	_ =	shalt  }
0x50: {  	_ =	shalt  }
0x51: {  	_ =	shalt  }
0x52: {  	_ =	shalt  }
0x53: {  	_ =	shalt  }
0x54: {  	_ =	shalt  }
0x55: {  	_ =	shalt  }
0x56: {  	_ =	shalt  }
0x57: {  	_ =	shalt  }
0x58: {  	_ =	shalt  }
0x59: {  	_ =	shalt  }
0x5a: {  	_ =	shalt  }
0x5b: {  	_ =	shalt  }
0x5c: {  	_ =	shalt  }
0x5d: {  	_ =	shalt  }
0x5e: {  	_ =	shalt  }
0x5f: {  	_ =	shalt  }
0x60: {  	_ =	shalt  }
0x61: {  	_ =	shalt  }
0x62: {  	_ =	shalt  }
0x63: {  	_ =	shalt  }
0x64: {  	_ =	shalt  }
0x65: {  	_ =	shalt  }
0x66: {  	_ =	shalt  }
0x67: {  	_ =	shalt  }
0x68: {  	_ =	shalt  }
0x69: {  	_ =	shalt  }
0x6a: {  	_ =	shalt  }
0x6b: {  	_ =	shalt  }
0x6c: {  	_ =	shalt  }
0x6d: {  	_ =	shalt  }
0x6e: {  	_ =	shalt  }
0x6f: {  	_ =	shalt  }
0x70: {  	_ =	shalt  }
0x71: {  	_ =	shalt  }
0x72: {  	_ =	shalt  }
0x73: {  	_ =	shalt  }
0x74: {  	_ =	shalt  }
0x75: {  	_ =	shalt  }
0x76: {  	_ =	shalt  }
0x77: {  	_ =	shalt  }
0x78: {  	_ =	shalt  }
0x79: {  	_ =	shalt  }
0x7a: {  	_ =	shalt  }
0x7b: {  	_ =	shalt  }
0x7c: {  	_ =	shalt  }
0x7d: {  	_ =	shalt  }
0x7e: {  	_ =	shalt  }
0x7f: {  	_ =	shalt  }
0x80: {  	_ =	shalt  }
0x81: {  	_ =	shalt  }
0x82: {  	_ =	shalt  }
0x83: {  	_ =	shalt  }
0x84: {  	_ =	shalt  }
0x85: {  	_ =	shalt  }
0x86: {  	_ =	shalt  }
0x87: {  	_ =	shalt  }
.Lfunc_end0:
.L_simem_size_0:
called_computation.3_lowered:
.L_overlay_start_0:
0x88: {  	s2 =	sld [smem:$0x3FD9]  }
0x89: {  	s3 =	sld [smem:$0x3FFE];
	_ =	sdelay $0x1  }
0x8a: {  	s1 =	srdreg.scid  }
0x8b: {  	s0 =	sand.u32 $0x1, s1  }
0x8c: {  	s16 =	sshll.u32 s0, $0xA;
	s2 =	sadd.s32 s3, s2  }
0x8d: {  	s2 =	sadd.s32 s2, s16  }
0x8e: {  	[smem:$0x3FB7] =	sst s2  }
0x8f: {  	_ = 	snop  }
0x90: {  	(tm) =	ssettm $0x1  }
0x91: {  	s17 =	sld [smem:$0x3FFB];
	_ =	sdelay $0x3  }
0x92: {  	_ =	strace s17  }
0x93: {  	s2 =	sld [smem:$0x3FFC];
	_ =	sdelay $0x3  }
0x94: {  	_ =	strace s2  }
0x95: {  	s2 =	sld [smem:$0x3FFD];
	_ =	sdelay $0x3  }
0x96: {  	_ =	strace s2  }
0x97: {  	_ =	strace $0x8FFFFFFF  }
0x98: {  	s18 =	sld [smem:$0x3FDB];
	_ =	sdelay $0x1  }
0x99: {  	s19 =	simm.s32 $_scs_section_size  }
0x9a: {  	s4 =	simm.s32 $_size__tile_overlayer_lowered;
	s5 =	simm.s32 $_tile_overlayer_lowered  }
0x9b: {  	s22 =	simm.s32 $0x1BFF;
	s21 =	sshll.u32 s5, $0x1;
	s2 =	sadd.s32 s19, s18  }
0x9c: {  	s6 =	simm.s32 $0x0;
	s20 =	sshll.u32 s4, $0x1;
	s4 =	sadd.s32 s21, s2  }
0x9d: {  	[timem:s6], [sflag:s22] =	dma.local [hbm:s4], s20  }
0x9e: {  	_ =	swait.ge [sflag:s22], s20  }
0x9f: {  	s3 =	ssub.s32 $0x0, s20;
	[sflag:s22] =	ssyncset.done $0x0  }
0xa0: {  	[sflag:s22] =	ssyncadd.s32 s3;
	_ =	sdelay $0x1  }
0xa1: {  	s23 =	simm.s32 $0x1B8B  }
0xa2: {  	_ =	swait.ge [sflag:s23], $0x1  }
0xa3: {  	[sflag:s23] =	ssyncset.done $0x0  }
0xa4: {  	s25 =	simm.s32 $0x1B8E;
	s24 =	sld [smem:$0x3FFE];
	[sflag:s23] =	ssyncadd.s32 $0xFFFFFFFF  }
0xa5: {  	s26 =	simm.s32 $execute0_lowered;
	[smem:$0x3FD2] =	sst s25  }
0xa6: {  	s4 =	sshll.u32 s26, $0x1;
	_ =	strace $0x8000004F;
	[dreg:$0x1] =	wrdreg $0xFFFFFFFF  }
0xa7: {  	s28 =	simm.s32 $_size_execute0_lowered;
	s2 =	sadd.s32 s2, s4;
	[dreg:$0x0] =	wrdreg $0x0  }
0xa8: {  	s4 =	sshll.u32 s28, $0x1;
	[dreg:$0x2] =	wrdreg s2  }
0xa9: {  	[dreg:$0x3] =	wrdreg s4  }
0xaa: {  	[dreg:$0x4] =	wrdreg $0xC0  }
0xab: {  	_ =	task [dreg:s6], $0x5FFFF  }
0xac: {  	[dreg:$0x1] =	wrdreg $0xFFFFFFFF  }
0xad: {  	[dreg:$0x0] =	wrdreg $0x60  }
0xae: {  	[dreg:$0x2] =	wrdreg s24  }
0xaf: {  	[dreg:$0x3] =	wrdreg $0xBD000  }
0xb0: {  	[dreg:$0x4] =	wrdreg $0x9  }
0xb1: {  	_ =	task.clear_ibuf [dreg:s6], $0x5FFFF;
	_ =	strace $0x9000004F  }
0xb2: {  	s29 =	simm.s32 $0x9;
	_ =	strace $0x80000051  }
0xb3: {  	_ =	swait.ge [sflag:s29], $0x1  }
0xb4: {  	[sflag:s29] =	ssyncadd.s32 $0xFFFFFFFF  }
0xb5: {  	_ =	strace $0x90000051  }
0xb6: {  	_ =	sfence  }
0xb7: {  	s30 =	sld [smem:$0x0];
	_ =	sdelay $0x2  }
0xb8: {  	s31 =	sshll.u32 s1, $0xD;
	s1 =	sshrl.u32 s1, $0x2  }
0xb9: {  	s3 =	sand.u32 $0x4000, s31;
	s1 =	sadd.s32 s1, s30  }
0xba: {  	s0 =	sor.u32 s3, s0;
	s1 =	sshll.u32 s1, $0x11  }
0xbb: {  	s0 =	sor.u32 s1, s0  }
0xbc: {  	s0 =	sadd.s32 $0x8F2B, s0  }
0xbd: {  	[sflag:s0] =	ssyncadd.remote.s32 $0x1  }
0xbe: {  	_ =	sfence.sel $0xFFFF  }
0xbf: {  	[dreg:$0x0] =	wrdreg $0xFFFFFFFF;
	(pc) =	sbr.abs _section_cstart, $3  }
0xc0: {  	[dreg:$0x1] =	wrdreg $0xFFFFFFFF  }
0xc1: {  	_ =	task.clear_ibuf [dreg:s6], $0x2FFFF;
	_ =	strace $0x9FFFFFFF  }
0xc2: {  	(tm) =	ssettm $0x7FFFFFFF  }
0xc3: {  	_ =	shalt  }
tec
execute0_lowered:
.L_overlay_start_1:
0x0: {  	(tag) =	ssettag $0x1  }
0x1: {  	s5 =	rddreg [dreg:$0x0]  }
0x2: {  	s2 =	rddreg [dreg:$0x1]  }
0x3: {  	s0 =	rddreg [dreg:$0x2];
	s3 =	simm.s32 $0x0;
	s1 =	stileid.u32  }
0x4: {  	s7 =	srdreg.scid;
	s18 =	simm.s32 $0x80;
	s19 =	simm.s32 $0x3D00  }
0x5: {  	s20 =	simm.s32 $0x7D00;
	s21 =	simm.s32 $0x1;
	s6 =	smul.u32 $0x500, s1  }
0x6: {  	s22 =	simm.s32 $0x2;
	s4 =	sadd.s32 $0x256800, s5;
	s9 =	smul.u32 $0x2800, s1  }
0x7: {  	[smem:$0x7FF] =	sst s3;
	s10 =	sadd.s32 $0x102600, s5;
	s12 =	smul.u32 $0x280, s1  }
0x8: {  	s7 =	sand.u32 $0x1, s7;
	s13 =	sadd.s32 $0x116800, s5;
	s24 =	smul.u32 $0x50000, s1  }
0x9: {  	s31 =	sshll.u32 s1, $0x6;
	_ =	strace $0x80000050;
	s14 =	smul.u32 $0x50000, s7  }
0xa: {  	s11 =	ssub.s32 $0x2, s7;
	s26 =	smul.u32 $0x5000, s7;
	s7 =	sshllo.u32 s7, $0x1  }
0xb: {  	s6 =	sadd.s32 s6, s5;
	s23 =	sshrl.u32 s11, $0x1;
	s16 =	smul.u32 $0x28000, s7  }
0xc: {  	s8 =	sadd.s32 s9, s5;
	s28 =	smul.u32 $0x2800, s7;
	s15 =	ssub.s32 s11, s23  }
0xd: {  	s5 =	sadd.s32 $0x2C00, s6;
	s25 =	sadd.s32 s9, s14;
	s6 =	sshrl.u32 s24, $0x2  }
0xe: {  	s7 =	sadd.s32 $0x61E00, s8;
	s14 =	sadd.s32 s12, s26;
	s23 =	simm.s32 $0x0  }
0xf: {  	s11 =	sshrl.u32 s25, $0x3;
	s17 =	sadd.s32 s6, s2;
	s9 =	sadd.s32 s9, s16  }
0x10: {  	s29 =	sshll.u32 s14, $0x4;
	s14 =	simm.s32 $0x1500;
	s16 =	sor.u32 $0x1C03, s31  }
0x11: {  	s6 =	sadd.s32 s10, s11;
	s9 =	sshrl.u32 s9, $0x3;
	s11 =	sadd.s32 s12, s28  }
0x12: {  	s17 =	sshrl.u32 s17, $0x3;
	s8 =	sadd.s32 $0x280, s6;
	s9 =	sadd.s32 s10, s9  }
0x13: {  	s30 =	sshll.u32 s11, $0x4;
	s10 =	sadd.s32 s13, s29;
	s11 =	sadd.s32 $0x280, s9  }
0x14: {  	s12 =	sadd.s32 s13, s30;
	s13 =	smax.u32 s15, $0x1;
	s15 =	simm.s32 $0x3  }
.LBB2_1:
0x15: {  	[tilespmem:s14], [sflag:$0x3] =	stream.linear.gather [hbm4b:s5+s3], $0x2800, $0x38;
	[tilespmem:$0x1FD00] =	vst v63  }
0x16: {  	_ =	swait.ge [sflag:s15], $0x2800  }
0x17: {  	[sflag:s15] =	ssyncset.done $0x0  }
0x18: {  	[sflag:s15] =	ssyncadd.s32 $0xFFFFD800  }
0x19: {  	[spmem:s17], [sflag:s16] =	dma.local [hbm:s7], $0x2800  }
0x1a: {  	_ =	swait.ge [sflag:s15], $0x2800  }
0x1b: {  	[sflag:s15] =	ssyncset.done $0x0  }
0x1c: {  	[sflag:s15] =	ssyncadd.s32 $0xFFFFD800  }
0x1d: {  	[bflag:$0x0] =	sbarrier.arrive $0xFFFF  }
0x1e: {  	[tilespmem:s3], [sflag:$0x3] =	stream.linear.gather [hbm4b:s6+s3], $0x1500, $0x38;
	[tilespmem:$0x1FD00] =	vst v63  }
0x1f: {  	_ =	swait.ge [sflag:s15], $0x1500  }
0x20: {  	[sflag:s15] =	ssyncset.done $0x0  }
0x21: {  	[sflag:s15] =	ssyncadd.s32 $0xFFFFEB00  }
0x22: {  	[tilespmem:s19], [sflag:$0x1] =	stream.indirect.gather [hbm4b:s4+s18], $0x80, s3, s18, $0xb8;
	[tilespmem:$0x1FD00] =	vst v63  }
0x23: {  	_ = 	snop  }
0x24: {  	[tilespmem:s20], [sflag:$0x2] =	stream.indirect.gather [hbm4b:s4+s18], $0x80, s18, s18, $0xb8;
	[tilespmem:$0x1FD00] =	vst v63  }
0x25: {  	_ =	swait.ge [sflag:s21], $0x4000  }
0x26: {  	[sflag:s21] =	ssyncset.done $0x0  }
0x27: {  	s24 =	simm.s32 $0x1500;
	[sflag:s21] =	ssyncadd.s32 $0xFFFFC000  }
0x28: {  	[spmem:s2] =	stream.indirect.scatter.add.f32 [tilespmem:s19], [sflag:$0x3], $0x80, s24, s18, $0xb8;
	[tilespmem:$0x1FD00] =	vst v63  }
0x29: {  	_ =	swait.ge [sflag:s15], $0x4000  }
0x2a: {  	[sflag:s15] =	ssyncset.done $0x0  }
0x2b: {  	s30 =	simm.s32 $0x100;
	[sflag:s15] =	ssyncadd.s32 $0xFFFFC000  }
0x2c: {  	[tilespmem:s19], [sflag:$0x1] =	stream.indirect.gather [hbm4b:s4+s18], $0x80, s30, s18, $0xb8;
	[tilespmem:$0x1FD00] =	vst v63  }
0x2d: {  	_ =	swait.ge [sflag:s22], $0x4000  }
0x2e: {  	[sflag:s22] =	ssyncset.done $0x0  }
0x2f: {  	s31 =	simm.s32 $0x1580;
	[sflag:s22] =	ssyncadd.s32 $0xFFFFC000  }
0x30: {  	[spmem:s2] =	stream.indirect.scatter.add.f32 [tilespmem:s20], [sflag:$0x3], $0x80, s31, s18, $0xb8;
	[tilespmem:$0x1FD00] =	vst v63  }
0x31: {  	_ =	swait.ge [sflag:s15], $0x4000  }
0x32: {  	[sflag:s15] =	ssyncset.done $0x0  }
0x33: {  	s25 =	simm.s32 $0x180;
	s24 =	simm.s32 $0x400;
	[sflag:s15] =	ssyncadd.s32 $0xFFFFC000  }
.LBB2_2:
0x34: {  	[tilespmem:s20], [sflag:$0x2] =	stream.indirect.gather [hbm4b:s4+s18], $0x80, s25, s18, $0xb8;
	[tilespmem:$0x1FD00] =	vst v63  }
0x35: {  	s25 =	smov.u32 s24  }
0x36: {  	p0 =	sne.s32 s24, $0x4C00;
	s24 =	sadd.s32 $0x400, s24;
	_ =	swait.ge [sflag:s21], $0x4000  }
0x37: {  	s25 =	sshra.s32 s25, $0x2;
	[sflag:s21] =	ssyncset.done $0x0  }
0x38: {  	s26 =	sadd.s32 $0x1500, s25;
	[sflag:s21] =	ssyncadd.s32 $0xFFFFC000  }
0x39: {  	[spmem:s2] =	stream.indirect.scatter.add.f32 [tilespmem:s19], [sflag:$0x3], $0x80, s26, s18, $0xb8;
	[tilespmem:$0x1FD00] =	vst v63  }
0x3a: {  	_ =	swait.ge [sflag:s15], $0x4000  }
0x3b: {  	[sflag:s15] =	ssyncset.done $0x0  }
0x3c: {  	s26 =	sadd.s32 $0x100, s25;
	[sflag:s15] =	ssyncadd.s32 $0xFFFFC000  }
0x3d: {  	[tilespmem:s19], [sflag:$0x1] =	stream.indirect.gather [hbm4b:s4+s18], $0x80, s26, s18, $0xb8;
	[tilespmem:$0x1FD00] =	vst v63  }
0x3e: {  	_ =	swait.ge [sflag:s22], $0x4000  }
0x3f: {  	[sflag:s22] =	ssyncset.done $0x0  }
.Ltmp0:
0x40: {  	s26 =	sadd.s32 $0x1580, s25;
	[sflag:s22] =	ssyncadd.s32 $0xFFFFC000;
	(pc) =	sbr.rel @p0 .LBB2_2-.Ltmp0, $4  }
0x41: {  	[spmem:s2] =	stream.indirect.scatter.add.f32 [tilespmem:s20], [sflag:$0x3], $0x80, s26, s18, $0xb8;
	[tilespmem:$0x1FD00] =	vst v63  }
0x42: {  	_ =	swait.ge [sflag:s15], $0x4000  }
0x43: {  	[sflag:s15] =	ssyncset.done $0x0  }
0x44: {  	s25 =	sadd.s32 $0x180, s25;
	[sflag:s15] =	ssyncadd.s32 $0xFFFFC000  }
0x45: {  	[tilespmem:s20], [sflag:$0x2] =	stream.indirect.gather [hbm4b:s4+s18], $0x80, s25, s18, $0xb8;
	[tilespmem:$0x1FD00] =	vst v63  }
0x46: {  	_ =	swait.ge [sflag:s21], $0x4000  }
0x47: {  	[sflag:s21] =	ssyncset.done $0x0  }
0x48: {  	[sflag:s21] =	ssyncadd.s32 $0xFFFFC000  }
0x49: {  	_ =	swait.ge [sflag:s22], $0x4000  }
0x4a: {  	[sflag:s22] =	ssyncset.done $0x0  }
0x4b: {  	[sflag:s22] =	ssyncadd.s32 $0xFFFFC000  }
0x4c: {  	[tilespmem:s3], [sflag:$0x3] =	stream.linear.gather [hbm4b:s8+s3], $0x1500, $0x38;
	[tilespmem:$0x1FD00] =	vst v63  }
0x4d: {  	_ =	swait.ge [sflag:s15], $0x1500  }
0x4e: {  	[sflag:s15] =	ssyncset.done $0x0  }
0x4f: {  	[sflag:s15] =	ssyncadd.s32 $0xFFFFEB00  }
0x50: {  	[tilespmem:s19], [sflag:$0x1] =	stream.indirect.gather [hbm4b:s4+s18], $0x80, s3, s18, $0xb8;
	[tilespmem:$0x1FD00] =	vst v63  }
0x51: {  	_ = 	snop  }
0x52: {  	[tilespmem:s20], [sflag:$0x2] =	stream.indirect.gather [hbm4b:s4+s18], $0x80, s18, s18, $0xb8;
	[tilespmem:$0x1FD00] =	vst v63  }
0x53: {  	_ =	swait.ge [sflag:s21], $0x4000  }
0x54: {  	[sflag:s21] =	ssyncset.done $0x0  }
0x55: {  	s24 =	simm.s32 $0x2900;
	[sflag:s21] =	ssyncadd.s32 $0xFFFFC000  }
0x56: {  	[spmem:s2] =	stream.indirect.scatter.add.f32 [tilespmem:s19], [sflag:$0x3], $0x80, s24, s18, $0xb8;
	[tilespmem:$0x1FD00] =	vst v63  }
0x57: {  	_ =	swait.ge [sflag:s15], $0x4000  }
0x58: {  	[sflag:s15] =	ssyncset.done $0x0  }
0x59: {  	s30 =	simm.s32 $0x100;
	[sflag:s15] =	ssyncadd.s32 $0xFFFFC000  }
0x5a: {  	[tilespmem:s19], [sflag:$0x1] =	stream.indirect.gather [hbm4b:s4+s18], $0x80, s30, s18, $0xb8;
	[tilespmem:$0x1FD00] =	vst v63  }
0x5b: {  	_ =	swait.ge [sflag:s22], $0x4000  }
0x5c: {  	[sflag:s22] =	ssyncset.done $0x0  }
0x5d: {  	s31 =	simm.s32 $0x2980;
	[sflag:s22] =	ssyncadd.s32 $0xFFFFC000  }
0x5e: {  	[spmem:s2] =	stream.indirect.scatter.add.f32 [tilespmem:s20], [sflag:$0x3], $0x80, s31, s18, $0xb8;
	[tilespmem:$0x1FD00] =	vst v63  }
0x5f: {  	_ =	swait.ge [sflag:s15], $0x4000  }
0x60: {  	[sflag:s15] =	ssyncset.done $0x0  }
0x61: {  	s25 =	simm.s32 $0x180;
	s24 =	simm.s32 $0xFFFFB400;
	[sflag:s15] =	ssyncadd.s32 $0xFFFFC000  }
.LBB2_4:
0x62: {  	[tilespmem:s20], [sflag:$0x2] =	stream.indirect.gather [hbm4b:s4+s18], $0x80, s25, s18, $0xb8;
	[tilespmem:$0x1FD00] =	vst v63  }
0x63: {  	s25 =	smov.u32 s24  }
0x64: {  	p0 =	sne.s32 s24, $0xFFFFFC00;
	s24 =	sadd.s32 $0x400, s24;
	_ =	swait.ge [sflag:s21], $0x4000  }
0x65: {  	s25 =	sshra.s32 s25, $0x2;
	[sflag:s21] =	ssyncset.done $0x0  }
0x66: {  	s26 =	sadd.s32 $0x3D00, s25;
	[sflag:s21] =	ssyncadd.s32 $0xFFFFC000  }
0x67: {  	[spmem:s2] =	stream.indirect.scatter.add.f32 [tilespmem:s19], [sflag:$0x3], $0x80, s26, s18, $0xb8;
	[tilespmem:$0x1FD00] =	vst v63  }
0x68: {  	_ =	swait.ge [sflag:s15], $0x4000  }
0x69: {  	[sflag:s15] =	ssyncset.done $0x0  }
0x6a: {  	s26 =	sadd.s32 $0x1500, s25;
	[sflag:s15] =	ssyncadd.s32 $0xFFFFC000  }
0x6b: {  	[tilespmem:s19], [sflag:$0x1] =	stream.indirect.gather [hbm4b:s4+s18], $0x80, s26, s18, $0xb8;
	[tilespmem:$0x1FD00] =	vst v63  }
0x6c: {  	_ =	swait.ge [sflag:s22], $0x4000  }
0x6d: {  	[sflag:s22] =	ssyncset.done $0x0  }
.Ltmp1:
0x6e: {  	s26 =	sadd.s32 $0x3D80, s25;
	[sflag:s22] =	ssyncadd.s32 $0xFFFFC000;
	(pc) =	sbr.rel @p0 .LBB2_4-.Ltmp1, $4  }
0x6f: {  	[spmem:s2] =	stream.indirect.scatter.add.f32 [tilespmem:s20], [sflag:$0x3], $0x80, s26, s18, $0xb8;
	[tilespmem:$0x1FD00] =	vst v63  }
0x70: {  	_ =	swait.ge [sflag:s15], $0x4000  }
0x71: {  	[sflag:s15] =	ssyncset.done $0x0  }
0x72: {  	s25 =	sadd.s32 $0x1580, s25;
	[sflag:s15] =	ssyncadd.s32 $0xFFFFC000  }
0x73: {  	[tilespmem:s20], [sflag:$0x2] =	stream.indirect.gather [hbm4b:s4+s18], $0x80, s25, s18, $0xb8;
	[tilespmem:$0x1FD00] =	vst v63  }
0x74: {  	_ =	swait.ge [sflag:s21], $0x4000  }
0x75: {  	[sflag:s21] =	ssyncset.done $0x0  }
0x76: {  	[sflag:s21] =	ssyncadd.s32 $0xFFFFC000  }
0x77: {  	_ =	swait.ge [sflag:s22], $0x4000  }
0x78: {  	[sflag:s22] =	ssyncset.done $0x0  }
0x79: {  	[sflag:s22] =	ssyncadd.s32 $0xFFFFC000  }
0x7a: {  	[bflag:$0x0] =	sbarrier.arrive $0xFFFF  }
0x7b: {  	[hbm:s10], [sflag:s16] =	dma.local [spmem:s17], $0x2800  }
0x7c: {  	_ =	swait.ge [sflag:s15], $0x2800  }
0x7d: {  	[sflag:s15] =	ssyncset.done $0x0  }
0x7e: {  	[sflag:s15] =	ssyncadd.s32 $0xFFFFD800  }
0x7f: {  	[spmem:s17], [sflag:s16] =	dma.local [hbm:s7], $0x2800  }
0x80: {  	_ =	swait.ge [sflag:s15], $0x2800  }
0x81: {  	[sflag:s15] =	ssyncset.done $0x0  }
0x82: {  	[sflag:s15] =	ssyncadd.s32 $0xFFFFD800  }
0x83: {  	s24 =	simm.s32 $0x0;
	[bflag:$0x0] =	sbarrier.arrive $0xFFFF  }
0x84: {  	[tilespmem:s24], [sflag:$0x3] =	stream.linear.gather [hbm4b:s9+s24], $0x1500, $0x38;
	[tilespmem:$0x1FD00] =	vst v63  }
0x85: {  	_ =	swait.ge [sflag:s15], $0x1500  }
0x86: {  	[sflag:s15] =	ssyncset.done $0x0  }
0x87: {  	[sflag:s15] =	ssyncadd.s32 $0xFFFFEB00  }
0x88: {  	[tilespmem:s19], [sflag:$0x1] =	stream.indirect.gather [hbm4b:s4+s18], $0x80, s24, s18, $0xb8;
	[tilespmem:$0x1FD00] =	vst v63  }
0x89: {  	_ = 	snop  }
0x8a: {  	[tilespmem:s20], [sflag:$0x2] =	stream.indirect.gather [hbm4b:s4+s18], $0x80, s18, s18, $0xb8;
	[tilespmem:$0x1FD00] =	vst v63  }
0x8b: {  	_ =	swait.ge [sflag:s21], $0x4000  }
0x8c: {  	[sflag:s21] =	ssyncset.done $0x0  }
0x8d: {  	s29 =	simm.s32 $0x1500;
	[sflag:s21] =	ssyncadd.s32 $0xFFFFC000  }
0x8e: {  	[spmem:s2] =	stream.indirect.scatter.add.f32 [tilespmem:s19], [sflag:$0x3], $0x80, s29, s18, $0xb8;
	[tilespmem:$0x1FD00] =	vst v63  }
0x8f: {  	_ =	swait.ge [sflag:s15], $0x4000  }
0x90: {  	[sflag:s15] =	ssyncset.done $0x0  }
0x91: {  	s30 =	simm.s32 $0x100;
	[sflag:s15] =	ssyncadd.s32 $0xFFFFC000  }
0x92: {  	[tilespmem:s19], [sflag:$0x1] =	stream.indirect.gather [hbm4b:s4+s18], $0x80, s30, s18, $0xb8;
	[tilespmem:$0x1FD00] =	vst v63  }
0x93: {  	_ =	swait.ge [sflag:s22], $0x4000  }
0x94: {  	[sflag:s22] =	ssyncset.done $0x0  }
0x95: {  	s31 =	simm.s32 $0x1580;
	[sflag:s22] =	ssyncadd.s32 $0xFFFFC000  }
0x96: {  	[spmem:s2] =	stream.indirect.scatter.add.f32 [tilespmem:s20], [sflag:$0x3], $0x80, s31, s18, $0xb8;
	[tilespmem:$0x1FD00] =	vst v63  }
0x97: {  	_ =	swait.ge [sflag:s15], $0x4000  }
0x98: {  	[sflag:s15] =	ssyncset.done $0x0  }
0x99: {  	s25 =	simm.s32 $0x180;
	s24 =	simm.s32 $0x400;
	[sflag:s15] =	ssyncadd.s32 $0xFFFFC000  }
.LBB2_6:
0x9a: {  	[tilespmem:s20], [sflag:$0x2] =	stream.indirect.gather [hbm4b:s4+s18], $0x80, s25, s18, $0xb8;
	[tilespmem:$0x1FD00] =	vst v63  }
0x9b: {  	s25 =	smov.u32 s24  }
0x9c: {  	p0 =	sne.s32 s24, $0x4C00;
	s24 =	sadd.s32 $0x400, s24;
	_ =	swait.ge [sflag:s21], $0x4000  }
0x9d: {  	s25 =	sshra.s32 s25, $0x2;
	[sflag:s21] =	ssyncset.done $0x0  }
0x9e: {  	s26 =	sadd.s32 $0x1500, s25;
	[sflag:s21] =	ssyncadd.s32 $0xFFFFC000  }
0x9f: {  	[spmem:s2] =	stream.indirect.scatter.add.f32 [tilespmem:s19], [sflag:$0x3], $0x80, s26, s18, $0xb8;
	[tilespmem:$0x1FD00] =	vst v63  }
0xa0: {  	_ =	swait.ge [sflag:s15], $0x4000  }
0xa1: {  	[sflag:s15] =	ssyncset.done $0x0  }
0xa2: {  	s26 =	sadd.s32 $0x100, s25;
	[sflag:s15] =	ssyncadd.s32 $0xFFFFC000  }
0xa3: {  	[tilespmem:s19], [sflag:$0x1] =	stream.indirect.gather [hbm4b:s4+s18], $0x80, s26, s18, $0xb8;
	[tilespmem:$0x1FD00] =	vst v63  }
0xa4: {  	_ =	swait.ge [sflag:s22], $0x4000  }
0xa5: {  	[sflag:s22] =	ssyncset.done $0x0  }
.Ltmp2:
0xa6: {  	s26 =	sadd.s32 $0x1580, s25;
	[sflag:s22] =	ssyncadd.s32 $0xFFFFC000;
	(pc) =	sbr.rel @p0 .LBB2_6-.Ltmp2, $4  }
0xa7: {  	[spmem:s2] =	stream.indirect.scatter.add.f32 [tilespmem:s20], [sflag:$0x3], $0x80, s26, s18, $0xb8;
	[tilespmem:$0x1FD00] =	vst v63  }
0xa8: {  	_ =	swait.ge [sflag:s15], $0x4000  }
0xa9: {  	[sflag:s15] =	ssyncset.done $0x0  }
0xaa: {  	s25 =	sadd.s32 $0x180, s25;
	[sflag:s15] =	ssyncadd.s32 $0xFFFFC000  }
0xab: {  	[tilespmem:s20], [sflag:$0x2] =	stream.indirect.gather [hbm4b:s4+s18], $0x80, s25, s18, $0xb8;
	[tilespmem:$0x1FD00] =	vst v63  }
0xac: {  	_ =	swait.ge [sflag:s21], $0x4000  }
0xad: {  	[sflag:s21] =	ssyncset.done $0x0  }
0xae: {  	[sflag:s21] =	ssyncadd.s32 $0xFFFFC000  }
0xaf: {  	_ =	swait.ge [sflag:s22], $0x4000  }
0xb0: {  	[sflag:s22] =	ssyncset.done $0x0  }
0xb1: {  	[sflag:s22] =	ssyncadd.s32 $0xFFFFC000  }
0xb2: {  	[tilespmem:s3], [sflag:$0x3] =	stream.linear.gather [hbm4b:s11+s3], $0x1500, $0x38;
	[tilespmem:$0x1FD00] =	vst v63  }
0xb3: {  	_ =	swait.ge [sflag:s15], $0x1500  }
0xb4: {  	[sflag:s15] =	ssyncset.done $0x0  }
0xb5: {  	[sflag:s15] =	ssyncadd.s32 $0xFFFFEB00  }
0xb6: {  	[tilespmem:s19], [sflag:$0x1] =	stream.indirect.gather [hbm4b:s4+s18], $0x80, s3, s18, $0xb8;
	[tilespmem:$0x1FD00] =	vst v63  }
0xb7: {  	_ = 	snop  }
0xb8: {  	[tilespmem:s20], [sflag:$0x2] =	stream.indirect.gather [hbm4b:s4+s18], $0x80, s18, s18, $0xb8;
	[tilespmem:$0x1FD00] =	vst v63  }
0xb9: {  	_ =	swait.ge [sflag:s21], $0x4000  }
0xba: {  	[sflag:s21] =	ssyncset.done $0x0  }
0xbb: {  	s24 =	simm.s32 $0x2900;
	[sflag:s21] =	ssyncadd.s32 $0xFFFFC000  }
0xbc: {  	[spmem:s2] =	stream.indirect.scatter.add.f32 [tilespmem:s19], [sflag:$0x3], $0x80, s24, s18, $0xb8;
	[tilespmem:$0x1FD00] =	vst v63  }
0xbd: {  	_ =	swait.ge [sflag:s15], $0x4000  }
0xbe: {  	[sflag:s15] =	ssyncset.done $0x0  }
0xbf: {  	s30 =	simm.s32 $0x100;
	[sflag:s15] =	ssyncadd.s32 $0xFFFFC000  }
0xc0: {  	[tilespmem:s19], [sflag:$0x1] =	stream.indirect.gather [hbm4b:s4+s18], $0x80, s30, s18, $0xb8;
	[tilespmem:$0x1FD00] =	vst v63  }
0xc1: {  	_ =	swait.ge [sflag:s22], $0x4000  }
0xc2: {  	[sflag:s22] =	ssyncset.done $0x0  }
0xc3: {  	s31 =	simm.s32 $0x2980;
	[sflag:s22] =	ssyncadd.s32 $0xFFFFC000  }
0xc4: {  	[spmem:s2] =	stream.indirect.scatter.add.f32 [tilespmem:s20], [sflag:$0x3], $0x80, s31, s18, $0xb8;
	[tilespmem:$0x1FD00] =	vst v63  }
0xc5: {  	_ =	swait.ge [sflag:s15], $0x4000  }
0xc6: {  	[sflag:s15] =	ssyncset.done $0x0  }
0xc7: {  	s25 =	simm.s32 $0x180;
	s24 =	simm.s32 $0xFFFFB400;
	[sflag:s15] =	ssyncadd.s32 $0xFFFFC000  }
.LBB2_8:
0xc8: {  	[tilespmem:s20], [sflag:$0x2] =	stream.indirect.gather [hbm4b:s4+s18], $0x80, s25, s18, $0xb8;
	[tilespmem:$0x1FD00] =	vst v63  }
0xc9: {  	s25 =	smov.u32 s24  }
0xca: {  	p0 =	sne.s32 s24, $0xFFFFFC00;
	s24 =	sadd.s32 $0x400, s24;
	_ =	swait.ge [sflag:s21], $0x4000  }
0xcb: {  	s25 =	sshra.s32 s25, $0x2;
	[sflag:s21] =	ssyncset.done $0x0  }
0xcc: {  	s26 =	sadd.s32 $0x3D00, s25;
	[sflag:s21] =	ssyncadd.s32 $0xFFFFC000  }
0xcd: {  	[spmem:s2] =	stream.indirect.scatter.add.f32 [tilespmem:s19], [sflag:$0x3], $0x80, s26, s18, $0xb8;
	[tilespmem:$0x1FD00] =	vst v63  }
0xce: {  	_ =	swait.ge [sflag:s15], $0x4000  }
0xcf: {  	[sflag:s15] =	ssyncset.done $0x0  }
0xd0: {  	s26 =	sadd.s32 $0x1500, s25;
	[sflag:s15] =	ssyncadd.s32 $0xFFFFC000  }
0xd1: {  	[tilespmem:s19], [sflag:$0x1] =	stream.indirect.gather [hbm4b:s4+s18], $0x80, s26, s18, $0xb8;
	[tilespmem:$0x1FD00] =	vst v63  }
0xd2: {  	_ =	swait.ge [sflag:s22], $0x4000  }
0xd3: {  	[sflag:s22] =	ssyncset.done $0x0  }
.Ltmp3:
0xd4: {  	s26 =	sadd.s32 $0x3D80, s25;
	[sflag:s22] =	ssyncadd.s32 $0xFFFFC000;
	(pc) =	sbr.rel @p0 .LBB2_8-.Ltmp3, $4  }
0xd5: {  	[spmem:s2] =	stream.indirect.scatter.add.f32 [tilespmem:s20], [sflag:$0x3], $0x80, s26, s18, $0xb8;
	[tilespmem:$0x1FD00] =	vst v63  }
0xd6: {  	_ =	swait.ge [sflag:s15], $0x4000  }
0xd7: {  	[sflag:s15] =	ssyncset.done $0x0  }
0xd8: {  	s25 =	sadd.s32 $0x1580, s25;
	[sflag:s15] =	ssyncadd.s32 $0xFFFFC000  }
0xd9: {  	[tilespmem:s20], [sflag:$0x2] =	stream.indirect.gather [hbm4b:s4+s18], $0x80, s25, s18, $0xb8;
	[tilespmem:$0x1FD00] =	vst v63  }
0xda: {  	_ =	swait.ge [sflag:s21], $0x4000  }
0xdb: {  	[sflag:s21] =	ssyncset.done $0x0  }
0xdc: {  	[sflag:s21] =	ssyncadd.s32 $0xFFFFC000  }
0xdd: {  	_ =	swait.ge [sflag:s22], $0x4000  }
0xde: {  	s23 =	sadd.s32 $0x1, s23;
	[sflag:s22] =	ssyncset.done $0x0  }
0xdf: {  	p0 =	sne.s32 s23, s13;
	[sflag:s22] =	ssyncadd.s32 $0xFFFFC000  }
.Ltmp4:
0xe0: {  	[bflag:$0x0] =	sbarrier.arrive $0xFFFF;
	(pc) =	sbr.rel @p0 .LBB2_1-.Ltmp4, $4  }
0xe1: {  	[hbm:s12], [sflag:s16] =	dma.local [spmem:s17], $0x2800  }
0xe2: {  	_ =	swait.ge [sflag:s15], $0x2800  }
0xe3: {  	[sflag:s15] =	ssyncset.done $0x0  }
0xe4: {  	[sflag:s15] =	ssyncadd.s32 $0xFFFFD800  }
0xe5: {  	_ =	sfence.sel $0x180000  }
0xe6: {  	[bflag:$0x0] =	sbarrier.arrive $0xFFFF  }
0xe7: {  	p0 =	sne.s32 s1, $0x0;
	_ =	strace $0x90000050  }
0xe8: {  	s0 =	sadd.s32 @!p0 $0x100000, s0;
	[bflag:$0x2] =	sbarrier.arrive $0xFFFF  }
0xe9: {  	[sflag:s0] =	ssyncadd.tile.s32 @!p0 $0x1;
	_ =	shalt  }
.Lfunc_end2:
_tile_overlayer_lowered:
.L_overlay_start_2:
0xea: {  	(tag) =	ssettag $0x2  }
0xeb: {  	s0 =	rddreg [dreg:$0x0];
	s2 =	stileid.u32  }
0xec: {  	s1 =	rddreg [dreg:$0x1];
	p0 =	sne.s32 s2, $0x0  }
0xed: {  	s3 =	rddreg [dreg:$0x2];
	[bflag:$0x3] =	sbarrier.arrive $0xFFFF;
	s2 =	simm.s32 @!p0 $0x1C03  }
0xee: {  	[timem:s3], [sflag:s2] =	dma.local @!p0 [hbm:s0], s1  }
0xef: {  	s0 =	simm.s32 @!p0 $0x3  }
0xf0: {  	_ =	swait.ge @!p0 [sflag:s0], s1  }
0xf1: {  	s1 =	ssub.s32 @!p0 $0x0, s1;
	[sflag:s0] =	ssyncset.done @!p0 $0x0  }
0xf2: {  	[sflag:s0] =	ssyncadd.s32 @!p0 s1  }
0xf3: {  	[bflag:$0x3] =	sbarrier.arrive $0xFFFF  }
0xf4: {  	_ =	shalt  }

</sc_bundles>
